<compile_context>
chip_gen: v7x
topology: tpu7x:2x2x1
jax: 0.10.2.dev20260603
libtpu: 0.0.44.dev20260713+nightly
codegen_flags: <defaults>
</compile_context>

<pallas_src>
import functools

import jax
import jax.numpy as jnp
from jax import lax
from jax.experimental import pallas as pl
from jax.experimental.pallas import tpu as pltpu
from jax.experimental.pallas import tpu_sc as plsc

E = 10000
K = 16
D = 128
L = 16
NC, NS = 2, 16
E_PAD = 10240
ECS = E_PAD // NC
DP = D // 2
NPP = DP // NS
CHE = 512
NCH = ECS // CHE
GRP = CHE // L

BM = 5120


def _pack_rows(m):
    lo = lax.bitcast_convert_type(m[:DP].astype(jnp.bfloat16), jnp.uint16)
    hi = lax.bitcast_convert_type(m[DP:].astype(jnp.bfloat16), jnp.uint16)
    word = lo.astype(jnp.uint32) | (hi.astype(jnp.uint32) << 16)
    return lax.bitcast_convert_type(word, jnp.int32)


def _pre_body(x_ref, w_ref, b_ref, at_ref, zt_ref):
    x = x_ref[...]
    w = w_ref[...]
    dn = (((0,), (1,)), ((), ()))
    at = lax.dot_general(w[:D, :], x, dn,
                         preferred_element_type=jnp.float32) + b_ref[...]
    zt = lax.dot_general(w[D:, :], x, dn, preferred_element_type=jnp.float32)
    at_ref[...] = _pack_rows(at)
    zt_ref[...] = _pack_rows(zt)


_pre = pl.pallas_call(
    _pre_body,
    grid=(E_PAD // BM,),
    in_specs=[
        pl.BlockSpec((BM, D), lambda i: (i, 0)),
        pl.BlockSpec((2 * D, D), lambda i: (0, 0)),
        pl.BlockSpec((D, 1), lambda i: (0, 0)),
    ],
    out_specs=[
        pl.BlockSpec((DP, BM), lambda i: (0, i)),
        pl.BlockSpec((DP, BM), lambda i: (0, i)),
    ],
    out_shape=[
        jax.ShapeDtypeStruct((DP, E_PAD), jnp.int32),
        jax.ShapeDtypeStruct((DP, E_PAD), jnp.int32),
    ],
)


def _post_body(st_ref, x_ref, w2_ref, b2_ref, u1_ref, c1_ref, u2_ref, c2_ref, o_ref):
    st = st_ref[...]
    dn = (((0,), (0,)), ((), ()))
    msgs = lax.dot_general(st, w2_ref[...], dn,
                           preferred_element_type=jnp.float32) * (1.0 / K)
    msgs = msgs + b2_ref[...]
    x = x_ref[...]
    u1 = u1_ref[...]
    h2 = (jnp.dot(x, u1[:D, :], preferred_element_type=jnp.float32)
          + jnp.dot(msgs, u1[D:, :], preferred_element_type=jnp.float32)
          + c1_ref[...])
    h2 = jnp.maximum(h2, 0.0)
    o_ref[...] = jnp.dot(h2, u2_ref[...], preferred_element_type=jnp.float32) + c2_ref[...]


_post = pl.pallas_call(
    _post_body,
    grid=(E_PAD // BM,),
    in_specs=[
        pl.BlockSpec((D, BM), lambda i: (0, i)),
        pl.BlockSpec((BM, D), lambda i: (i, 0)),
        pl.BlockSpec((D, D), lambda i: (0, 0)),
        pl.BlockSpec((1, D), lambda i: (0, 0)),
        pl.BlockSpec((2 * D, D), lambda i: (0, 0)),
        pl.BlockSpec((1, D), lambda i: (0, 0)),
        pl.BlockSpec((D, D), lambda i: (0, 0)),
        pl.BlockSpec((1, D), lambda i: (0, 0)),
    ],
    out_specs=pl.BlockSpec((BM, D), lambda i: (i, 0)),
    out_shape=jax.ShapeDtypeStruct((E, D), jnp.float32),
)


def _sc_body(adjt_hbm, at_hbm, zt_hbm, st_hbm, zt_v, adj0, adj1, a0, a1,
             slo0, slo1, shi0, shi1, insem0, insem1, outsem0, outsem1):
    cid = lax.axis_index("c")
    sid = lax.axis_index("s")
    ebase = cid * ECS
    prow0 = sid * NPP

    for p in range(NPP):
        pltpu.sync_copy(zt_hbm.at[prow0 + p], zt_v.at[pl.ds(p * E_PAD, E_PAD)])

    def in_slices(n):
        lo = ebase + n * CHE
        return (adjt_hbm.at[:, pl.ds(lo, CHE)],
                at_hbm.at[pl.ds(prow0, NPP), pl.ds(lo, CHE)])

    def fetch(n, adj_v, a_v, sem):
        adjs, ats = in_slices(n)
        pltpu.async_copy(adjs, adj_v, sem)
        pltpu.async_copy(ats, a_v, sem)

    def fetch_wait(n, adj_v, a_v, sem):
        adjs, ats = in_slices(n)
        pltpu.make_async_copy(adjs, adj_v, sem).wait()
        pltpu.make_async_copy(ats, a_v, sem).wait()

    def out_slices(n):
        lo = ebase + n * CHE
        return (st_hbm.at[pl.ds(prow0, NPP), pl.ds(lo, CHE)],
                st_hbm.at[pl.ds(DP + prow0, NPP), pl.ds(lo, CHE)])

    def store(n, s_lo, s_hi, sem):
        olo, ohi = out_slices(n)
        pltpu.async_copy(s_lo, olo, sem)
        pltpu.async_copy(s_hi, ohi, sem)

    def store_wait(n, s_lo, s_hi, sem):
        olo, ohi = out_slices(n)
        pltpu.make_async_copy(s_lo, olo, sem).wait()
        pltpu.make_async_copy(s_hi, ohi, sem).wait()

    coff = [jnp.full((L,), p * E_PAD, jnp.int32) for p in range(NPP)]

    def compute(adj_v, a_v, s_lo, s_hi):
        def group(g, carry):
            av = [plsc.bitcast(a_v[p, pl.ds(g * L, L)], jnp.bfloat16)
                  for p in range(NPP)]
            acc = [None] * NPP
            for k in range(K):
                jv = adj_v[k, pl.ds(g * L, L)]
                for p in range(NPP):
                    zp = plsc.load_gather(zt_v, [jv + coff[p]])
                    zb = plsc.bitcast(zp, jnp.bfloat16)
                    t = jnp.maximum(av[p] + zb, jnp.bfloat16(0))
                    acc[p] = t if k == 0 else acc[p] + t
            for p in range(NPP):
                lo, hi = plsc.unpack(acc[p], format=plsc.PackFormat.INTERLEAVED)
                s_lo[p, pl.ds(g * L, L)] = lo
                s_hi[p, pl.ds(g * L, L)] = hi
            return carry

        lax.fori_loop(0, GRP, group, 0)

    fetch(0, adj0, a0, insem0)
    PAIRS = NCH // 2

    def pair_body(p, carry):
        n0 = p * 2
        fetch(n0 + 1, adj1, a1, insem1)
        fetch_wait(n0, adj0, a0, insem0)

        @pl.when(p > 0)
        def _():
            store_wait(n0 - 2, slo0, shi0, outsem0)
        compute(adj0, a0, slo0, shi0)
        store(n0, slo0, shi0, outsem0)

        @pl.when(p < PAIRS - 1)
        def _():
            fetch(n0 + 2, adj0, a0, insem0)
        fetch_wait(n0 + 1, adj1, a1, insem1)

        @pl.when(p > 0)
        def _():
            store_wait(n0 - 1, slo1, shi1, outsem1)
        compute(adj1, a1, slo1, shi1)
        store(n0 + 1, slo1, shi1, outsem1)
        return carry

    lax.fori_loop(0, PAIRS, pair_body, 0)
    store_wait(NCH - 2, slo0, shi0, outsem0)
    store_wait(NCH - 1, slo1, shi1, outsem1)


@functools.cache
def _sc_gather_mean():
    return pl.kernel(
        _sc_body,
        mesh=plsc.VectorSubcoreMesh(core_axis_name="c", subcore_axis_name="s"),
        compiler_params=pltpu.CompilerParams(needs_layout_passes=False),
        out_type=jax.ShapeDtypeStruct((D, E_PAD), jnp.float32),
        scratch_types=[
            pltpu.VMEM((NPP * E_PAD,), jnp.int32),
            pltpu.VMEM((K, CHE), jnp.int32),
            pltpu.VMEM((K, CHE), jnp.int32),
            pltpu.VMEM((NPP, CHE), jnp.int32),
            pltpu.VMEM((NPP, CHE), jnp.int32),
            pltpu.VMEM((NPP, CHE), jnp.float32),
            pltpu.VMEM((NPP, CHE), jnp.float32),
            pltpu.VMEM((NPP, CHE), jnp.float32),
            pltpu.VMEM((NPP, CHE), jnp.float32),
            pltpu.SemaphoreType.DMA,
            pltpu.SemaphoreType.DMA,
            pltpu.SemaphoreType.DMA,
            pltpu.SemaphoreType.DMA,
        ],
    )


def kernel(edge_features, edge_adjacency, msg_W1, msg_b1, msg_W2, msg_b2,
           upd_W1, upd_b1, upd_W2, upd_b2):
    adj = jnp.zeros((E_PAD, K), jnp.int32).at[:E].set(edge_adjacency.astype(jnp.int32))
    adjt = adj.T
    at, zt = _pre(edge_features, msg_W1, msg_b1.reshape(D, 1))
    st = _sc_gather_mean()(adjt, at, zt)
    out = _post(st, edge_features, msg_W2, msg_b2.reshape(1, D),
                upd_W1, upd_b1.reshape(1, D), upd_W2, upd_b2.reshape(1, D))
    return out

# --- scband reference (transcript-rebuilt; emitter-appended) ---
"""Pipeline reference for scband-edge-conv-layer-53652731462318 (READ-ONLY COPY).

The authoritative reference and input builder live on the scoring server;
editing this copy changes nothing except your own understanding.
"""

import jax, jax.numpy as jnp
import numpy as np

E = 10000
K = 16
D = 128
O = 128


def _linear_init(key, fan_in, fan_out):
    k1, k2 = jax.random.split(key)
    bound = 1.0 / np.sqrt(fan_in)
    W = jax.random.uniform(k1, (fan_in, fan_out), minval=-bound, maxval=bound, dtype=jnp.float32)
    b = jax.random.uniform(k2, (fan_out,), minval=-bound, maxval=bound, dtype=jnp.float32)
    return W, b


def setup_inputs(seed: int = 0) -> dict:
    key = jax.random.key(seed)
    ks = jax.random.split(key, 6)
    edge_features = jax.random.normal(ks[0], (E, D), dtype=jnp.float32)
    edge_adjacency = jax.random.randint(ks[1], (E, K), 0, E, dtype=jnp.int64)
    msg_W1, msg_b1 = _linear_init(ks[2], 2 * D, O)
    msg_W2, msg_b2 = _linear_init(ks[3], O, O)
    upd_W1, upd_b1 = _linear_init(ks[4], D + O, O)
    upd_W2, upd_b2 = _linear_init(ks[5], O, O)
    return {
        'edge_features': edge_features,
        'edge_adjacency': edge_adjacency,
        'msg_W1': msg_W1, 'msg_b1': msg_b1,
        'msg_W2': msg_W2, 'msg_b2': msg_b2,
        'upd_W1': upd_W1, 'upd_b1': upd_b1,
        'upd_W2': upd_W2, 'upd_b2': upd_b2,
    }


def reference(edge_features, edge_adjacency, msg_W1, msg_b1, msg_W2, msg_b2, upd_W1, upd_b1, upd_W2, upd_b2):
    # gather neighbor edge features: [E, K, D]
    nj = jnp.take(edge_features, edge_adjacency, axis=0)
    ei = jnp.broadcast_to(edge_features[:, None, :], (E, K, D))
    combined = jnp.concatenate([ei, nj], axis=-1)  # [E, K, 2D]
    # message_net: Linear(2D,O) -> ReLU -> Linear(O,O)
    h = jax.nn.relu(combined @ msg_W1 + msg_b1)
    per_neighbor_msg = h @ msg_W2 + msg_b2  # [E, K, O]
    messages = per_neighbor_msg.mean(axis=1)  # [E, O]
    # update_net: Linear(D+O,O) -> ReLU -> Linear(O,O)
    combined2 = jnp.concatenate([edge_features, messages], axis=-1)
    h2 = jax.nn.relu(combined2 @ upd_W1 + upd_b1)
    updated = h2 @ upd_W2 + upd_b2  # [E, O]
    return updated

if __name__ == "__main__":
    import jax
    _d = setup_inputs()
    print(jax.jit(kernel)(*tuple(_d.values())))

</pallas_src>

<mosaic_0001>
#map = affine_map<(d0, d1) -> (0, 0)>
module attributes {stable_mosaic.version = 14 : i64} {
  func.func @_sc_body(%arg0: i32, %arg1: i32, %arg2: memref<16x10240xi32, #tpu.memory_space<hbm>>, %arg3: memref<64x10240xi32, #tpu.memory_space<hbm>>, %arg4: memref<64x10240xi32, #tpu.memory_space<hbm>>, %arg5: memref<128x10240xf32, #tpu.memory_space<hbm>>, %arg6: memref<40960xi32, #tpu.memory_space<vmem>>, %arg7: memref<16x512xi32, #tpu.memory_space<vmem>>, %arg8: memref<16x512xi32, #tpu.memory_space<vmem>>, %arg9: memref<4x512xi32, #tpu.memory_space<vmem>>, %arg10: memref<4x512xi32, #tpu.memory_space<vmem>>, %arg11: memref<4x512xf32, #tpu.memory_space<vmem>>, %arg12: memref<4x512xf32, #tpu.memory_space<vmem>>, %arg13: memref<4x512xf32, #tpu.memory_space<vmem>>, %arg14: memref<4x512xf32, #tpu.memory_space<vmem>>, %arg15: memref<!tpu.dma_semaphore, #tpu.memory_space<semaphore_mem>>, %arg16: memref<!tpu.dma_semaphore, #tpu.memory_space<semaphore_mem>>, %arg17: memref<!tpu.dma_semaphore, #tpu.memory_space<semaphore_mem>>, %arg18: memref<!tpu.dma_semaphore, #tpu.memory_space<semaphore_mem>>) attributes {dimension_semantics = [#tpu.dimension_semantics<core_parallel>, #tpu.dimension_semantics<subcore_parallel>], iteration_bounds = array<i64: 2, 16>, scalar_prefetch = 0 : i64, scratch_operands = 13 : i64, tpu.core_type = #tpu.core_type<sc_vector_subcore>, window_params = [{transform_indices = #map}, {transform_indices = #map}, {transform_indices = #map}, {transform_indices = #map}]} {
    %mul3A = arith.constant 5120 : i32
    %mul3A_0 = arith.muli %arg0, %mul3A : i32
    %mul3A_1 = arith.constant 4 : i32
    %mul3A_2 = arith.muli %arg1, %mul3A_1 : i32
    %add3A = arith.constant 0 : i32
    %add3A_3 = arith.addi %mul3A_2, %add3A : i32
    "tpu.region"() ({
      %run_scoped3A = tpu.sem_alloc : memref<!tpu.dma_semaphore, #tpu.memory_space<semaphore_mem>>
      %dma_start3A_44 = arith.constant 0 : i32
      %dma_start3A_45 = tpu.memref_slice %arg6[%dma_start3A_44] : memref<40960xi32, #tpu.memory_space<vmem>> -> memref<10240xi32, #tpu.memory_space<vmem>>
      %dma_start3A_46 = arith.constant 0 : i32
      %dma_start3A_47 = tpu.memref_slice %arg4[%add3A_3, %dma_start3A_46] : memref<64x10240xi32, #tpu.memory_space<hbm>> -> memref<1x10240xi32, #tpu.memory_space<hbm>>
      %dma_start3A_48 = tpu.memref_squeeze %dma_start3A_47 : memref<1x10240xi32, #tpu.memory_space<hbm>> -> memref<10240xi32, #tpu.memory_space<hbm>>
      %dma_start3A_49 = arith.constant 0 : i32
      %dma_start3A_50 = tpu.memref_slice %arg6[%dma_start3A_49] : memref<40960xi32, #tpu.memory_space<vmem>> -> memref<10240xi32, #tpu.memory_space<vmem>>
      %dma_start3A_51 = arith.constant 0 : i32
      %dma_start3A_52 = tpu.memref_slice %arg4[%add3A_3, %dma_start3A_51] : memref<64x10240xi32, #tpu.memory_space<hbm>> -> memref<1x10240xi32, #tpu.memory_space<hbm>>
      %dma_start3A_53 = tpu.memref_squeeze %dma_start3A_52 : memref<1x10240xi32, #tpu.memory_space<hbm>> -> memref<10240xi32, #tpu.memory_space<hbm>>
      tpu.enqueue_dma source(%dma_start3A_53 : memref<10240xi32, #tpu.memory_space<hbm>>) target(%dma_start3A_50 : memref<10240xi32, #tpu.memory_space<vmem>>) target_semaphore(%run_scoped3A : memref<!tpu.dma_semaphore, #tpu.memory_space<semaphore_mem>>)
      %dma_wait3A_54 = arith.constant 0 : i32
      %dma_wait3A_55 = tpu.memref_slice %arg6[%dma_wait3A_54] : memref<40960xi32, #tpu.memory_space<vmem>> -> memref<10240xi32, #tpu.memory_space<vmem>>
      %dma_wait3A_56 = arith.constant 0 : i32
      %dma_wait3A_57 = tpu.memref_slice %arg4[%add3A_3, %dma_wait3A_56] : memref<64x10240xi32, #tpu.memory_space<hbm>> -> memref<1x10240xi32, #tpu.memory_space<hbm>>
      %dma_wait3A_58 = tpu.memref_squeeze %dma_wait3A_57 : memref<1x10240xi32, #tpu.memory_space<hbm>> -> memref<10240xi32, #tpu.memory_space<hbm>>
      %dma_wait3A_59 = arith.constant 0 : i32
      %dma_wait3A_60 = tpu.memref_slice %arg6[%dma_wait3A_59] : memref<40960xi32, #tpu.memory_space<vmem>> -> memref<10240xi32, #tpu.memory_space<vmem>>
      %dma_wait3A_61 = arith.constant 0 : i32
      %dma_wait3A_62 = tpu.memref_slice %arg4[%add3A_3, %dma_wait3A_61] : memref<64x10240xi32, #tpu.memory_space<hbm>> -> memref<1x10240xi32, #tpu.memory_space<hbm>>
      %dma_wait3A_63 = tpu.memref_squeeze %dma_wait3A_62 : memref<1x10240xi32, #tpu.memory_space<hbm>> -> memref<10240xi32, #tpu.memory_space<hbm>>
      tpu.wait_dma2 semaphore(%run_scoped3A : memref<!tpu.dma_semaphore, #tpu.memory_space<semaphore_mem>>) src(%dma_wait3A_63 : memref<10240xi32, #tpu.memory_space<hbm>>) dst(%dma_wait3A_60 : memref<10240xi32, #tpu.memory_space<vmem>>)
      tpu.yield
    }) : () -> ()
    %add3A_4 = arith.constant 1 : i32
    %add3A_5 = arith.addi %mul3A_2, %add3A_4 : i32
    "tpu.region"() ({
      %run_scoped3A = tpu.sem_alloc : memref<!tpu.dma_semaphore, #tpu.memory_space<semaphore_mem>>
      %dma_start3A_44 = arith.constant 10240 : i32
      %dma_start3A_45 = tpu.memref_slice %arg6[%dma_start3A_44] : memref<40960xi32, #tpu.memory_space<vmem>> -> memref<10240xi32, #tpu.memory_space<vmem>>
      %dma_start3A_46 = arith.constant 0 : i32
      %dma_start3A_47 = tpu.memref_slice %arg4[%add3A_5, %dma_start3A_46] : memref<64x10240xi32, #tpu.memory_space<hbm>> -> memref<1x10240xi32, #tpu.memory_space<hbm>>
      %dma_start3A_48 = tpu.memref_squeeze %dma_start3A_47 : memref<1x10240xi32, #tpu.memory_space<hbm>> -> memref<10240xi32, #tpu.memory_space<hbm>>
      %dma_start3A_49 = arith.constant 10240 : i32
      %dma_start3A_50 = tpu.memref_slice %arg6[%dma_start3A_49] : memref<40960xi32, #tpu.memory_space<vmem>> -> memref<10240xi32, #tpu.memory_space<vmem>>
      %dma_start3A_51 = arith.constant 0 : i32
      %dma_start3A_52 = tpu.memref_slice %arg4[%add3A_5, %dma_start3A_51] : memref<64x10240xi32, #tpu.memory_space<hbm>> -> memref<1x10240xi32, #tpu.memory_space<hbm>>
      %dma_start3A_53 = tpu.memref_squeeze %dma_start3A_52 : memref<1x10240xi32, #tpu.memory_space<hbm>> -> memref<10240xi32, #tpu.memory_space<hbm>>
      tpu.enqueue_dma source(%dma_start3A_53 : memref<10240xi32, #tpu.memory_space<hbm>>) target(%dma_start3A_50 : memref<10240xi32, #tpu.memory_space<vmem>>) target_semaphore(%run_scoped3A : memref<!tpu.dma_semaphore, #tpu.memory_space<semaphore_mem>>)
      %dma_wait3A_54 = arith.constant 10240 : i32
      %dma_wait3A_55 = tpu.memref_slice %arg6[%dma_wait3A_54] : memref<40960xi32, #tpu.memory_space<vmem>> -> memref<10240xi32, #tpu.memory_space<vmem>>
      %dma_wait3A_56 = arith.constant 0 : i32
      %dma_wait3A_57 = tpu.memref_slice %arg4[%add3A_5, %dma_wait3A_56] : memref<64x10240xi32, #tpu.memory_space<hbm>> -> memref<1x10240xi32, #tpu.memory_space<hbm>>
      %dma_wait3A_58 = tpu.memref_squeeze %dma_wait3A_57 : memref<1x10240xi32, #tpu.memory_space<hbm>> -> memref<10240xi32, #tpu.memory_space<hbm>>
      %dma_wait3A_59 = arith.constant 10240 : i32
      %dma_wait3A_60 = tpu.memref_slice %arg6[%dma_wait3A_59] : memref<40960xi32, #tpu.memory_space<vmem>> -> memref<10240xi32, #tpu.memory_space<vmem>>
      %dma_wait3A_61 = arith.constant 0 : i32
      %dma_wait3A_62 = tpu.memref_slice %arg4[%add3A_5, %dma_wait3A_61] : memref<64x10240xi32, #tpu.memory_space<hbm>> -> memref<1x10240xi32, #tpu.memory_space<hbm>>
      %dma_wait3A_63 = tpu.memref_squeeze %dma_wait3A_62 : memref<1x10240xi32, #tpu.memory_space<hbm>> -> memref<10240xi32, #tpu.memory_space<hbm>>
      tpu.wait_dma2 semaphore(%run_scoped3A : memref<!tpu.dma_semaphore, #tpu.memory_space<semaphore_mem>>) src(%dma_wait3A_63 : memref<10240xi32, #tpu.memory_space<hbm>>) dst(%dma_wait3A_60 : memref<10240xi32, #tpu.memory_space<vmem>>)
      tpu.yield
    }) : () -> ()
    %add3A_6 = arith.constant 2 : i32
    %add3A_7 = arith.addi %mul3A_2, %add3A_6 : i32
    "tpu.region"() ({
      %run_scoped3A = tpu.sem_alloc : memref<!tpu.dma_semaphore, #tpu.memory_space<semaphore_mem>>
      %dma_start3A_44 = arith.constant 20480 : i32
      %dma_start3A_45 = tpu.memref_slice %arg6[%dma_start3A_44] : memref<40960xi32, #tpu.memory_space<vmem>> -> memref<10240xi32, #tpu.memory_space<vmem>>
      %dma_start3A_46 = arith.constant 0 : i32
      %dma_start3A_47 = tpu.memref_slice %arg4[%add3A_7, %dma_start3A_46] : memref<64x10240xi32, #tpu.memory_space<hbm>> -> memref<1x10240xi32, #tpu.memory_space<hbm>>
      %dma_start3A_48 = tpu.memref_squeeze %dma_start3A_47 : memref<1x10240xi32, #tpu.memory_space<hbm>> -> memref<10240xi32, #tpu.memory_space<hbm>>
      %dma_start3A_49 = arith.constant 20480 : i32
      %dma_start3A_50 = tpu.memref_slice %arg6[%dma_start3A_49] : memref<40960xi32, #tpu.memory_space<vmem>> -> memref<10240xi32, #tpu.memory_space<vmem>>
      %dma_start3A_51 = arith.constant 0 : i32
      %dma_start3A_52 = tpu.memref_slice %arg4[%add3A_7, %dma_start3A_51] : memref<64x10240xi32, #tpu.memory_space<hbm>> -> memref<1x10240xi32, #tpu.memory_space<hbm>>
      %dma_start3A_53 = tpu.memref_squeeze %dma_start3A_52 : memref<1x10240xi32, #tpu.memory_space<hbm>> -> memref<10240xi32, #tpu.memory_space<hbm>>
      tpu.enqueue_dma source(%dma_start3A_53 : memref<10240xi32, #tpu.memory_space<hbm>>) target(%dma_start3A_50 : memref<10240xi32, #tpu.memory_space<vmem>>) target_semaphore(%run_scoped3A : memref<!tpu.dma_semaphore, #tpu.memory_space<semaphore_mem>>)
      %dma_wait3A_54 = arith.constant 20480 : i32
      %dma_wait3A_55 = tpu.memref_slice %arg6[%dma_wait3A_54] : memref<40960xi32, #tpu.memory_space<vmem>> -> memref<10240xi32, #tpu.memory_space<vmem>>
      %dma_wait3A_56 = arith.constant 0 : i32
      %dma_wait3A_57 = tpu.memref_slice %arg4[%add3A_7, %dma_wait3A_56] : memref<64x10240xi32, #tpu.memory_space<hbm>> -> memref<1x10240xi32, #tpu.memory_space<hbm>>
      %dma_wait3A_58 = tpu.memref_squeeze %dma_wait3A_57 : memref<1x10240xi32, #tpu.memory_space<hbm>> -> memref<10240xi32, #tpu.memory_space<hbm>>
      %dma_wait3A_59 = arith.constant 20480 : i32
      %dma_wait3A_60 = tpu.memref_slice %arg6[%dma_wait3A_59] : memref<40960xi32, #tpu.memory_space<vmem>> -> memref<10240xi32, #tpu.memory_space<vmem>>
      %dma_wait3A_61 = arith.constant 0 : i32
      %dma_wait3A_62 = tpu.memref_slice %arg4[%add3A_7, %dma_wait3A_61] : memref<64x10240xi32, #tpu.memory_space<hbm>> -> memref<1x10240xi32, #tpu.memory_space<hbm>>
      %dma_wait3A_63 = tpu.memref_squeeze %dma_wait3A_62 : memref<1x10240xi32, #tpu.memory_space<hbm>> -> memref<10240xi32, #tpu.memory_space<hbm>>
      tpu.wait_dma2 semaphore(%run_scoped3A : memref<!tpu.dma_semaphore, #tpu.memory_space<semaphore_mem>>) src(%dma_wait3A_63 : memref<10240xi32, #tpu.memory_space<hbm>>) dst(%dma_wait3A_60 : memref<10240xi32, #tpu.memory_space<vmem>>)
      tpu.yield
    }) : () -> ()
    %add3A_8 = arith.constant 3 : i32
    %add3A_9 = arith.addi %mul3A_2, %add3A_8 : i32
    "tpu.region"() ({
      %run_scoped3A = tpu.sem_alloc : memref<!tpu.dma_semaphore, #tpu.memory_space<semaphore_mem>>
      %dma_start3A_44 = arith.constant 30720 : i32
      %dma_start3A_45 = tpu.memref_slice %arg6[%dma_start3A_44] : memref<40960xi32, #tpu.memory_space<vmem>> -> memref<10240xi32, #tpu.memory_space<vmem>>
      %dma_start3A_46 = arith.constant 0 : i32
      %dma_start3A_47 = tpu.memref_slice %arg4[%add3A_9, %dma_start3A_46] : memref<64x10240xi32, #tpu.memory_space<hbm>> -> memref<1x10240xi32, #tpu.memory_space<hbm>>
      %dma_start3A_48 = tpu.memref_squeeze %dma_start3A_47 : memref<1x10240xi32, #tpu.memory_space<hbm>> -> memref<10240xi32, #tpu.memory_space<hbm>>
      %dma_start3A_49 = arith.constant 30720 : i32
      %dma_start3A_50 = tpu.memref_slice %arg6[%dma_start3A_49] : memref<40960xi32, #tpu.memory_space<vmem>> -> memref<10240xi32, #tpu.memory_space<vmem>>
      %dma_start3A_51 = arith.constant 0 : i32
      %dma_start3A_52 = tpu.memref_slice %arg4[%add3A_9, %dma_start3A_51] : memref<64x10240xi32, #tpu.memory_space<hbm>> -> memref<1x10240xi32, #tpu.memory_space<hbm>>
      %dma_start3A_53 = tpu.memref_squeeze %dma_start3A_52 : memref<1x10240xi32, #tpu.memory_space<hbm>> -> memref<10240xi32, #tpu.memory_space<hbm>>
      tpu.enqueue_dma source(%dma_start3A_53 : memref<10240xi32, #tpu.memory_space<hbm>>) target(%dma_start3A_50 : memref<10240xi32, #tpu.memory_space<vmem>>) target_semaphore(%run_scoped3A : memref<!tpu.dma_semaphore, #tpu.memory_space<semaphore_mem>>)
      %dma_wait3A_54 = arith.constant 30720 : i32
      %dma_wait3A_55 = tpu.memref_slice %arg6[%dma_wait3A_54] : memref<40960xi32, #tpu.memory_space<vmem>> -> memref<10240xi32, #tpu.memory_space<vmem>>
      %dma_wait3A_56 = arith.constant 0 : i32
      %dma_wait3A_57 = tpu.memref_slice %arg4[%add3A_9, %dma_wait3A_56] : memref<64x10240xi32, #tpu.memory_space<hbm>> -> memref<1x10240xi32, #tpu.memory_space<hbm>>
      %dma_wait3A_58 = tpu.memref_squeeze %dma_wait3A_57 : memref<1x10240xi32, #tpu.memory_space<hbm>> -> memref<10240xi32, #tpu.memory_space<hbm>>
      %dma_wait3A_59 = arith.constant 30720 : i32
      %dma_wait3A_60 = tpu.memref_slice %arg6[%dma_wait3A_59] : memref<40960xi32, #tpu.memory_space<vmem>> -> memref<10240xi32, #tpu.memory_space<vmem>>
      %dma_wait3A_61 = arith.constant 0 : i32
      %dma_wait3A_62 = tpu.memref_slice %arg4[%add3A_9, %dma_wait3A_61] : memref<64x10240xi32, #tpu.memory_space<hbm>> -> memref<1x10240xi32, #tpu.memory_space<hbm>>
      %dma_wait3A_63 = tpu.memref_squeeze %dma_wait3A_62 : memref<1x10240xi32, #tpu.memory_space<hbm>> -> memref<10240xi32, #tpu.memory_space<hbm>>
      tpu.wait_dma2 semaphore(%run_scoped3A : memref<!tpu.dma_semaphore, #tpu.memory_space<semaphore_mem>>) src(%dma_wait3A_63 : memref<10240xi32, #tpu.memory_space<hbm>>) dst(%dma_wait3A_60 : memref<10240xi32, #tpu.memory_space<vmem>>)
      tpu.yield
    }) : () -> ()
    %broadcast_in_dim3A = arith.constant 0 : i32
    %broadcast_in_dim3A_10 = vector.broadcast %broadcast_in_dim3A : i32 to vector<16xi32>
    %broadcast_in_dim3A_11 = arith.constant 10240 : i32
    %broadcast_in_dim3A_12 = vector.broadcast %broadcast_in_dim3A_11 : i32 to vector<16xi32>
    %broadcast_in_dim3A_13 = arith.constant 20480 : i32
    %broadcast_in_dim3A_14 = vector.broadcast %broadcast_in_dim3A_13 : i32 to vector<16xi32>
    %broadcast_in_dim3A_15 = arith.constant 30720 : i32
    %broadcast_in_dim3A_16 = vector.broadcast %broadcast_in_dim3A_15 : i32 to vector<16xi32>
    %add3A_17 = arith.constant 0 : i32
    %add3A_18 = arith.addi %mul3A_0, %add3A_17 : i32
    %dma_start3A = arith.constant 0 : i32
    %dma_start3A_19 = tpu.memref_slice %arg2[%dma_start3A, %add3A_18] : memref<16x10240xi32, #tpu.memory_space<hbm>> -> memref<16x512xi32, #tpu.memory_space<hbm>>
    %dma_start3A_20 = arith.constant 0 : i32
    %dma_start3A_21 = tpu.memref_slice %arg2[%dma_start3A_20, %add3A_18] : memref<16x10240xi32, #tpu.memory_space<hbm>> -> memref<16x512xi32, #tpu.memory_space<hbm>>
    tpu.enqueue_dma source(%dma_start3A_21 : memref<16x512xi32, #tpu.memory_space<hbm>>) target(%arg7 : memref<16x512xi32, #tpu.memory_space<vmem>>) target_semaphore(%arg15 : memref<!tpu.dma_semaphore, #tpu.memory_space<semaphore_mem>>)
    %dma_start3A_22 = tpu.memref_slice %arg3[%mul3A_2, %add3A_18] : memref<64x10240xi32, #tpu.memory_space<hbm>> -> memref<4x512xi32, #tpu.memory_space<hbm>>
    %dma_start3A_23 = tpu.memref_slice %arg3[%mul3A_2, %add3A_18] : memref<64x10240xi32, #tpu.memory_space<hbm>> -> memref<4x512xi32, #tpu.memory_space<hbm>>
    tpu.enqueue_dma source(%dma_start3A_23 : memref<4x512xi32, #tpu.memory_space<hbm>>) target(%arg9 : memref<4x512xi32, #tpu.memory_space<vmem>>) target_semaphore(%arg15 : memref<!tpu.dma_semaphore, #tpu.memory_space<semaphore_mem>>)
    %scan3A = arith.constant 0 : i32
    %scan3A_24 = arith.constant 0 : i32
    %scan3A_25 = arith.constant 5 : i32
    %scan3A_26 = arith.addi %scan3A_24, %scan3A_25 : i32
    %scan3A_27 = arith.constant 1 : i32
    scf.for %scan3A_44 = %scan3A_24 to %scan3A_26 step %scan3A_27  : i32 {
      %mul3A_45 = arith.constant 2 : i32
      %mul3A_46 = arith.muli %scan3A_44, %mul3A_45 : i32
      %add3A_47 = arith.constant 1 : i32
      %add3A_48 = arith.addi %mul3A_46, %add3A_47 : i32
      %mul3A_49 = arith.constant 512 : i32
      %mul3A_50 = arith.muli %add3A_48, %mul3A_49 : i32
      %add3A_51 = arith.addi %mul3A_0, %mul3A_50 : i32
      %dma_start3A_52 = arith.constant 0 : i32
      %dma_start3A_53 = tpu.memref_slice %arg2[%dma_start3A_52, %add3A_51] : memref<16x10240xi32, #tpu.memory_space<hbm>> -> memref<16x512xi32, #tpu.memory_space<hbm>>
      %dma_start3A_54 = arith.constant 0 : i32
      %dma_start3A_55 = tpu.memref_slice %arg2[%dma_start3A_54, %add3A_51] : memref<16x10240xi32, #tpu.memory_space<hbm>> -> memref<16x512xi32, #tpu.memory_space<hbm>>
      tpu.enqueue_dma source(%dma_start3A_55 : memref<16x512xi32, #tpu.memory_space<hbm>>) target(%arg8 : memref<16x512xi32, #tpu.memory_space<vmem>>) target_semaphore(%arg16 : memref<!tpu.dma_semaphore, #tpu.memory_space<semaphore_mem>>)
      %dma_start3A_56 = tpu.memref_slice %arg3[%mul3A_2, %add3A_51] : memref<64x10240xi32, #tpu.memory_space<hbm>> -> memref<4x512xi32, #tpu.memory_space<hbm>>
      %dma_start3A_57 = tpu.memref_slice %arg3[%mul3A_2, %add3A_51] : memref<64x10240xi32, #tpu.memory_space<hbm>> -> memref<4x512xi32, #tpu.memory_space<hbm>>
      tpu.enqueue_dma source(%dma_start3A_57 : memref<4x512xi32, #tpu.memory_space<hbm>>) target(%arg10 : memref<4x512xi32, #tpu.memory_space<vmem>>) target_semaphore(%arg16 : memref<!tpu.dma_semaphore, #tpu.memory_space<semaphore_mem>>)
      %mul3A_58 = arith.constant 512 : i32
      %mul3A_59 = arith.muli %mul3A_46, %mul3A_58 : i32
      %add3A_60 = arith.addi %mul3A_0, %mul3A_59 : i32
      %dma_wait3A_61 = arith.constant 0 : i32
      %dma_wait3A_62 = tpu.memref_slice %arg2[%dma_wait3A_61, %add3A_60] : memref<16x10240xi32, #tpu.memory_space<hbm>> -> memref<16x512xi32, #tpu.memory_space<hbm>>
      %dma_wait3A_63 = arith.constant 0 : i32
      %dma_wait3A_64 = tpu.memref_slice %arg2[%dma_wait3A_63, %add3A_60] : memref<16x10240xi32, #tpu.memory_space<hbm>> -> memref<16x512xi32, #tpu.memory_space<hbm>>
      tpu.wait_dma2 semaphore(%arg15 : memref<!tpu.dma_semaphore, #tpu.memory_space<semaphore_mem>>) src(%dma_wait3A_64 : memref<16x512xi32, #tpu.memory_space<hbm>>) dst(%arg7 : memref<16x512xi32, #tpu.memory_space<vmem>>)
      %dma_wait3A_65 = tpu.memref_slice %arg3[%mul3A_2, %add3A_60] : memref<64x10240xi32, #tpu.memory_space<hbm>> -> memref<4x512xi32, #tpu.memory_space<hbm>>
      %dma_wait3A_66 = tpu.memref_slice %arg3[%mul3A_2, %add3A_60] : memref<64x10240xi32, #tpu.memory_space<hbm>> -> memref<4x512xi32, #tpu.memory_space<hbm>>
      tpu.wait_dma2 semaphore(%arg15 : memref<!tpu.dma_semaphore, #tpu.memory_space<semaphore_mem>>) src(%dma_wait3A_66 : memref<4x512xi32, #tpu.memory_space<hbm>>) dst(%arg9 : memref<4x512xi32, #tpu.memory_space<vmem>>)
      %gt3A = arith.constant 0 : i32
      %gt3A_67 = arith.cmpi sgt, %scan3A_44, %gt3A : i32
      %convert_element_type3A = arith.extui %gt3A_67 : i1 to i32
      %cond3A = arith.constant 0 : i32
      %cond3A_68 = arith.cmpi ne, %convert_element_type3A, %cond3A : i32
      scf.if %cond3A_68 {
        %sub3A = arith.constant 2 : i32
        %sub3A_121 = arith.subi %mul3A_46, %sub3A : i32
        %mul3A_122 = arith.constant 512 : i32
        %mul3A_123 = arith.muli %sub3A_121, %mul3A_122 : i32
        %add3A_124 = arith.addi %mul3A_0, %mul3A_123 : i32
        %add3A_125 = arith.constant 64 : i32
        %add3A_126 = arith.addi %add3A_125, %mul3A_2 : i32
        %dma_wait3A_127 = tpu.memref_slice %arg5[%mul3A_2, %add3A_124] : memref<128x10240xf32, #tpu.memory_space<hbm>> -> memref<4x512xf32, #tpu.memory_space<hbm>>
        %dma_wait3A_128 = tpu.memref_slice %arg5[%mul3A_2, %add3A_124] : memref<128x10240xf32, #tpu.memory_space<hbm>> -> memref<4x512xf32, #tpu.memory_space<hbm>>
        tpu.wait_dma2 semaphore(%arg17 : memref<!tpu.dma_semaphore, #tpu.memory_space<semaphore_mem>>) src(%arg11 : memref<4x512xf32, #tpu.memory_space<vmem>>) dst(%dma_wait3A_128 : memref<4x512xf32, #tpu.memory_space<hbm>>)
        %dma_wait3A_129 = tpu.memref_slice %arg5[%add3A_126, %add3A_124] : memref<128x10240xf32, #tpu.memory_space<hbm>> -> memref<4x512xf32, #tpu.memory_space<hbm>>
        %dma_wait3A_130 = tpu.memref_slice %arg5[%add3A_126, %add3A_124] : memref<128x10240xf32, #tpu.memory_space<hbm>> -> memref<4x512xf32, #tpu.memory_space<hbm>>
        tpu.wait_dma2 semaphore(%arg17 : memref<!tpu.dma_semaphore, #tpu.memory_space<semaphore_mem>>) src(%arg13 : memref<4x512xf32, #tpu.memory_space<vmem>>) dst(%dma_wait3A_130 : memref<4x512xf32, #tpu.memory_space<hbm>>)
      } else {
      }
      %scan3A_69 = arith.constant 0 : i32
      %scan3A_70 = arith.constant 0 : i32
      %scan3A_71 = arith.constant 32 : i32
      %scan3A_72 = arith.addi %scan3A_70, %scan3A_71 : i32
      %scan3A_73 = arith.constant 1 : i32
      scf.for %scan3A_121 = %scan3A_70 to %scan3A_72 step %scan3A_73  : i32 {
        %mul3A_122 = arith.constant 16 : i32
        %mul3A_123 = arith.muli %scan3A_121, %mul3A_122 : i32
        %get3A = arith.constant 0 : i32
        %get3A_124 = arith.index_cast %get3A : i32 to index
        %get3A_125 = arith.index_cast %mul3A_123 : i32 to index
        %get3A_126 = tpu.vector_load %arg9[%get3A_124, %get3A_125] {strides = array<i32>} : memref<4x512xi32, #tpu.memory_space<vmem>>, vector<16xi32>,
        %bitcast3A = vector.bitcast %get3A_126 : vector<16xi32> to vector<32xbf16>
        %mul3A_127 = arith.constant 16 : i32
        %mul3A_128 = arith.muli %scan3A_121, %mul3A_127 : i32
        %get3A_129 = arith.constant 1 : i32
        %get3A_130 = arith.index_cast %get3A_129 : i32 to index
        %get3A_131 = arith.index_cast %mul3A_128 : i32 to index
        %get3A_132 = tpu.vector_load %arg9[%get3A_130, %get3A_131] {strides = array<i32>} : memref<4x512xi32, #tpu.memory_space<vmem>>, vector<16xi32>,
        %bitcast3A_133 = vector.bitcast %get3A_132 : vector<16xi32> to vector<32xbf16>
        %mul3A_134 = arith.constant 16 : i32
        %mul3A_135 = arith.muli %scan3A_121, %mul3A_134 : i32
        %get3A_136 = arith.constant 2 : i32
        %get3A_137 = arith.index_cast %get3A_136 : i32 to index
        %get3A_138 = arith.index_cast %mul3A_135 : i32 to index
        %get3A_139 = tpu.vector_load %arg9[%get3A_137, %get3A_138] {strides = array<i32>} : memref<4x512xi32, #tpu.memory_space<vmem>>, vector<16xi32>,
        %bitcast3A_140 = vector.bitcast %get3A_139 : vector<16xi32> to vector<32xbf16>
        %mul3A_141 = arith.constant 16 : i32
        %mul3A_142 = arith.muli %scan3A_121, %mul3A_141 : i32
        %get3A_143 = arith.constant 3 : i32
        %get3A_144 = arith.index_cast %get3A_143 : i32 to index
        %get3A_145 = arith.index_cast %mul3A_142 : i32 to index
        %get3A_146 = tpu.vector_load %arg9[%get3A_144, %get3A_145] {strides = array<i32>} : memref<4x512xi32, #tpu.memory_space<vmem>>, vector<16xi32>,
        %bitcast3A_147 = vector.bitcast %get3A_146 : vector<16xi32> to vector<32xbf16>
        %mul3A_148 = arith.constant 16 : i32
        %mul3A_149 = arith.muli %scan3A_121, %mul3A_148 : i32
        %get3A_150 = arith.constant 0 : i32
        %get3A_151 = arith.index_cast %get3A_150 : i32 to index
        %get3A_152 = arith.index_cast %mul3A_149 : i32 to index
        %get3A_153 = tpu.vector_load %arg7[%get3A_151, %get3A_152] {strides = array<i32>} : memref<16x512xi32, #tpu.memory_space<vmem>>, vector<16xi32>,
        %add3A_154 = arith.addi %get3A_153, %broadcast_in_dim3A_10 : vector<16xi32>
        %gather3A = tpu.vector_load_idx %arg6[%add3A_154] : memref<40960xi32, #tpu.memory_space<vmem>>[vector<16xi32>], vector<16xi32>,
        %bitcast3A_155 = vector.bitcast %gather3A : vector<16xi32> to vector<32xbf16>
        %add3A_156 = arith.addf %bitcast3A, %bitcast3A_155 : vector<32xbf16>
        %max3A = arith.constant 0.000000e+00 : bf16
        %max3A_157 = vector.broadcast %max3A : bf16 to vector<32xbf16>
        %max3A_158 = arith.maximumf %add3A_156, %max3A_157 : vector<32xbf16>
        %add3A_159 = arith.addi %get3A_153, %broadcast_in_dim3A_12 : vector<16xi32>
        %gather3A_160 = tpu.vector_load_idx %arg6[%add3A_159] : memref<40960xi32, #tpu.memory_space<vmem>>[vector<16xi32>], vector<16xi32>,
        %bitcast3A_161 = vector.bitcast %gather3A_160 : vector<16xi32> to vector<32xbf16>
        %add3A_162 = arith.addf %bitcast3A_133, %bitcast3A_161 : vector<32xbf16>
        %max3A_163 = arith.constant 0.000000e+00 : bf16
        %max3A_164 = vector.broadcast %max3A_163 : bf16 to vector<32xbf16>
        %max3A_165 = arith.maximumf %add3A_162, %max3A_164 : vector<32xbf16>
        %add3A_166 = arith.addi %get3A_153, %broadcast_in_dim3A_14 : vector<16xi32>
        %gather3A_167 = tpu.vector_load_idx %arg6[%add3A_166] : memref<40960xi32, #tpu.memory_space<vmem>>[vector<16xi32>], vector<16xi32>,
        %bitcast3A_168 = vector.bitcast %gather3A_167 : vector<16xi32> to vector<32xbf16>
        %add3A_169 = arith.addf %bitcast3A_140, %bitcast3A_168 : vector<32xbf16>
        %max3A_170 = arith.constant 0.000000e+00 : bf16
        %max3A_171 = vector.broadcast %max3A_170 : bf16 to vector<32xbf16>
        %max3A_172 = arith.maximumf %add3A_169, %max3A_171 : vector<32xbf16>
        %add3A_173 = arith.addi %get3A_153, %broadcast_in_dim3A_16 : vector<16xi32>
        %gather3A_174 = tpu.vector_load_idx %arg6[%add3A_173] : memref<40960xi32, #tpu.memory_space<vmem>>[vector<16xi32>], vector<16xi32>,
        %bitcast3A_175 = vector.bitcast %gather3A_174 : vector<16xi32> to vector<32xbf16>
        %add3A_176 = arith.addf %bitcast3A_147, %bitcast3A_175 : vector<32xbf16>
        %max3A_177 = arith.constant 0.000000e+00 : bf16
        %max3A_178 = vector.broadcast %max3A_177 : bf16 to vector<32xbf16>
        %max3A_179 = arith.maximumf %add3A_176, %max3A_178 : vector<32xbf16>
        %mul3A_180 = arith.constant 16 : i32
        %mul3A_181 = arith.muli %scan3A_121, %mul3A_180 : i32
        %get3A_182 = arith.constant 1 : i32
        %get3A_183 = arith.index_cast %get3A_182 : i32 to index
        %get3A_184 = arith.index_cast %mul3A_181 : i32 to index
        %get3A_185 = tpu.vector_load %arg7[%get3A_183, %get3A_184] {strides = array<i32>} : memref<16x512xi32, #tpu.memory_space<vmem>>, vector<16xi32>,
        %add3A_186 = arith.addi %get3A_185, %broadcast_in_dim3A_10 : vector<16xi32>
        %gather3A_187 = tpu.vector_load_idx %arg6[%add3A_186] : memref<40960xi32, #tpu.memory_space<vmem>>[vector<16xi32>], vector<16xi32>,
        %bitcast3A_188 = vector.bitcast %gather3A_187 : vector<16xi32> to vector<32xbf16>
        %add3A_189 = arith.addf %bitcast3A, %bitcast3A_188 : vector<32xbf16>
        %max3A_190 = arith.constant 0.000000e+00 : bf16
        %max3A_191 = vector.broadcast %max3A_190 : bf16 to vector<32xbf16>
        %max3A_192 = arith.maximumf %add3A_189, %max3A_191 : vector<32xbf16>
        %add3A_193 = arith.addf %max3A_158, %max3A_192 : vector<32xbf16>
        %add3A_194 = arith.addi %get3A_185, %broadcast_in_dim3A_12 : vector<16xi32>
        %gather3A_195 = tpu.vector_load_idx %arg6[%add3A_194] : memref<40960xi32, #tpu.memory_space<vmem>>[vector<16xi32>], vector<16xi32>,
        %bitcast3A_196 = vector.bitcast %gather3A_195 : vector<16xi32> to vector<32xbf16>
        %add3A_197 = arith.addf %bitcast3A_133, %bitcast3A_196 : vector<32xbf16>
        %max3A_198 = arith.constant 0.000000e+00 : bf16
        %max3A_199 = vector.broadcast %max3A_198 : bf16 to vector<32xbf16>
        %max3A_200 = arith.maximumf %add3A_197, %max3A_199 : vector<32xbf16>
        %add3A_201 = arith.addf %max3A_165, %max3A_200 : vector<32xbf16>
        %add3A_202 = arith.addi %get3A_185, %broadcast_in_dim3A_14 : vector<16xi32>
        %gather3A_203 = tpu.vector_load_idx %arg6[%add3A_202] : memref<40960xi32, #tpu.memory_space<vmem>>[vector<16xi32>], vector<16xi32>,
        %bitcast3A_204 = vector.bitcast %gather3A_203 : vector<16xi32> to vector<32xbf16>
        %add3A_205 = arith.addf %bitcast3A_140, %bitcast3A_204 : vector<32xbf16>
        %max3A_206 = arith.constant 0.000000e+00 : bf16
        %max3A_207 = vector.broadcast %max3A_206 : bf16 to vector<32xbf16>
        %max3A_208 = arith.maximumf %add3A_205, %max3A_207 : vector<32xbf16>
        %add3A_209 = arith.addf %max3A_172, %max3A_208 : vector<32xbf16>
        %add3A_210 = arith.addi %get3A_185, %broadcast_in_dim3A_16 : vector<16xi32>
        %gather3A_211 = tpu.vector_load_idx %arg6[%add3A_210] : memref<40960xi32, #tpu.memory_space<vmem>>[vector<16xi32>], vector<16xi32>,
        %bitcast3A_212 = vector.bitcast %gather3A_211 : vector<16xi32> to vector<32xbf16>
        %add3A_213 = arith.addf %bitcast3A_147, %bitcast3A_212 : vector<32xbf16>
        %max3A_214 = arith.constant 0.000000e+00 : bf16
        %max3A_215 = vector.broadcast %max3A_214 : bf16 to vector<32xbf16>
        %max3A_216 = arith.maximumf %add3A_213, %max3A_215 : vector<32xbf16>
        %add3A_217 = arith.addf %max3A_179, %max3A_216 : vector<32xbf16>
        %mul3A_218 = arith.constant 16 : i32
        %mul3A_219 = arith.muli %scan3A_121, %mul3A_218 : i32
        %get3A_220 = arith.constant 2 : i32
        %get3A_221 = arith.index_cast %get3A_220 : i32 to index
        %get3A_222 = arith.index_cast %mul3A_219 : i32 to index
        %get3A_223 = tpu.vector_load %arg7[%get3A_221, %get3A_222] {strides = array<i32>} : memref<16x512xi32, #tpu.memory_space<vmem>>, vector<16xi32>,
        %add3A_224 = arith.addi %get3A_223, %broadcast_in_dim3A_10 : vector<16xi32>
        %gather3A_225 = tpu.vector_load_idx %arg6[%add3A_224] : memref<40960xi32, #tpu.memory_space<vmem>>[vector<16xi32>], vector<16xi32>,
        %bitcast3A_226 = vector.bitcast %gather3A_225 : vector<16xi32> to vector<32xbf16>
        %add3A_227 = arith.addf %bitcast3A, %bitcast3A_226 : vector<32xbf16>
        %max3A_228 = arith.constant 0.000000e+00 : bf16
        %max3A_229 = vector.broadcast %max3A_228 : bf16 to vector<32xbf16>
        %max3A_230 = arith.maximumf %add3A_227, %max3A_229 : vector<32xbf16>
        %add3A_231 = arith.addf %add3A_193, %max3A_230 : vector<32xbf16>
        %add3A_232 = arith.addi %get3A_223, %broadcast_in_dim3A_12 : vector<16xi32>
        %gather3A_233 = tpu.vector_load_idx %arg6[%add3A_232] : memref<40960xi32, #tpu.memory_space<vmem>>[vector<16xi32>], vector<16xi32>,
        %bitcast3A_234 = vector.bitcast %gather3A_233 : vector<16xi32> to vector<32xbf16>
        %add3A_235 = arith.addf %bitcast3A_133, %bitcast3A_234 : vector<32xbf16>
        %max3A_236 = arith.constant 0.000000e+00 : bf16
        %max3A_237 = vector.broadcast %max3A_236 : bf16 to vector<32xbf16>
        %max3A_238 = arith.maximumf %add3A_235, %max3A_237 : vector<32xbf16>
        %add3A_239 = arith.addf %add3A_201, %max3A_238 : vector<32xbf16>
        %add3A_240 = arith.addi %get3A_223, %broadcast_in_dim3A_14 : vector<16xi32>
        %gather3A_241 = tpu.vector_load_idx %arg6[%add3A_240] : memref<40960xi32, #tpu.memory_space<vmem>>[vector<16xi32>], vector<16xi32>,
        %bitcast3A_242 = vector.bitcast %gather3A_241 : vector<16xi32> to vector<32xbf16>
        %add3A_243 = arith.addf %bitcast3A_140, %bitcast3A_242 : vector<32xbf16>
        %max3A_244 = arith.constant 0.000000e+00 : bf16
        %max3A_245 = vector.broadcast %max3A_244 : bf16 to vector<32xbf16>
        %max3A_246 = arith.maximumf %add3A_243, %max3A_245 : vector<32xbf16>
        %add3A_247 = arith.addf %add3A_209, %max3A_246 : vector<32xbf16>
        %add3A_248 = arith.addi %get3A_223, %broadcast_in_dim3A_16 : vector<16xi32>
        %gather3A_249 = tpu.vector_load_idx %arg6[%add3A_248] : memref<40960xi32, #tpu.memory_space<vmem>>[vector<16xi32>], vector<16xi32>,
        %bitcast3A_250 = vector.bitcast %gather3A_249 : vector<16xi32> to vector<32xbf16>
        %add3A_251 = arith.addf %bitcast3A_147, %bitcast3A_250 : vector<32xbf16>
        %max3A_252 = arith.constant 0.000000e+00 : bf16
        %max3A_253 = vector.broadcast %max3A_252 : bf16 to vector<32xbf16>
        %max3A_254 = arith.maximumf %add3A_251, %max3A_253 : vector<32xbf16>
        %add3A_255 = arith.addf %add3A_217, %max3A_254 : vector<32xbf16>
        %mul3A_256 = arith.constant 16 : i32
        %mul3A_257 = arith.muli %scan3A_121, %mul3A_256 : i32
        %get3A_258 = arith.constant 3 : i32
        %get3A_259 = arith.index_cast %get3A_258 : i32 to index
        %get3A_260 = arith.index_cast %mul3A_257 : i32 to index
        %get3A_261 = tpu.vector_load %arg7[%get3A_259, %get3A_260] {strides = array<i32>} : memref<16x512xi32, #tpu.memory_space<vmem>>, vector<16xi32>,
        %add3A_262 = arith.addi %get3A_261, %broadcast_in_dim3A_10 : vector<16xi32>
        %gather3A_263 = tpu.vector_load_idx %arg6[%add3A_262] : memref<40960xi32, #tpu.memory_space<vmem>>[vector<16xi32>], vector<16xi32>,
        %bitcast3A_264 = vector.bitcast %gather3A_263 : vector<16xi32> to vector<32xbf16>
        %add3A_265 = arith.addf %bitcast3A, %bitcast3A_264 : vector<32xbf16>
        %max3A_266 = arith.constant 0.000000e+00 : bf16
        %max3A_267 = vector.broadcast %max3A_266 : bf16 to vector<32xbf16>
        %max3A_268 = arith.maximumf %add3A_265, %max3A_267 : vector<32xbf16>
        %add3A_269 = arith.addf %add3A_231, %max3A_268 : vector<32xbf16>
        %add3A_270 = arith.addi %get3A_261, %broadcast_in_dim3A_12 : vector<16xi32>
        %gather3A_271 = tpu.vector_load_idx %arg6[%add3A_270] : memref<40960xi32, #tpu.memory_space<vmem>>[vector<16xi32>], vector<16xi32>,
        %bitcast3A_272 = vector.bitcast %gather3A_271 : vector<16xi32> to vector<32xbf16>
        %add3A_273 = arith.addf %bitcast3A_133, %bitcast3A_272 : vector<32xbf16>
        %max3A_274 = arith.constant 0.000000e+00 : bf16
        %max3A_275 = vector.broadcast %max3A_274 : bf16 to vector<32xbf16>
        %max3A_276 = arith.maximumf %add3A_273, %max3A_275 : vector<32xbf16>
        %add3A_277 = arith.addf %add3A_239, %max3A_276 : vector<32xbf16>
        %add3A_278 = arith.addi %get3A_261, %broadcast_in_dim3A_14 : vector<16xi32>
        %gather3A_279 = tpu.vector_load_idx %arg6[%add3A_278] : memref<40960xi32, #tpu.memory_space<vmem>>[vector<16xi32>], vector<16xi32>,
        %bitcast3A_280 = vector.bitcast %gather3A_279 : vector<16xi32> to vector<32xbf16>
        %add3A_281 = arith.addf %bitcast3A_140, %bitcast3A_280 : vector<32xbf16>
        %max3A_282 = arith.constant 0.000000e+00 : bf16
        %max3A_283 = vector.broadcast %max3A_282 : bf16 to vector<32xbf16>
        %max3A_284 = arith.maximumf %add3A_281, %max3A_283 : vector<32xbf16>
        %add3A_285 = arith.addf %add3A_247, %max3A_284 : vector<32xbf16>
        %add3A_286 = arith.addi %get3A_261, %broadcast_in_dim3A_16 : vector<16xi32>
        %gather3A_287 = tpu.vector_load_idx %arg6[%add3A_286] : memref<40960xi32, #tpu.memory_space<vmem>>[vector<16xi32>], vector<16xi32>,
        %bitcast3A_288 = vector.bitcast %gather3A_287 : vector<16xi32> to vector<32xbf16>
        %add3A_289 = arith.addf %bitcast3A_147, %bitcast3A_288 : vector<32xbf16>
        %max3A_290 = arith.constant 0.000000e+00 : bf16
        %max3A_291 = vector.broadcast %max3A_290 : bf16 to vector<32xbf16>
        %max3A_292 = arith.maximumf %add3A_289, %max3A_291 : vector<32xbf16>
        %add3A_293 = arith.addf %add3A_255, %max3A_292 : vector<32xbf16>
        %mul3A_294 = arith.constant 16 : i32
        %mul3A_295 = arith.muli %scan3A_121, %mul3A_294 : i32
        %get3A_296 = arith.constant 4 : i32
        %get3A_297 = arith.index_cast %get3A_296 : i32 to index
        %get3A_298 = arith.index_cast %mul3A_295 : i32 to index
        %get3A_299 = tpu.vector_load %arg7[%get3A_297, %get3A_298] {strides = array<i32>} : memref<16x512xi32, #tpu.memory_space<vmem>>, vector<16xi32>,
        %add3A_300 = arith.addi %get3A_299, %broadcast_in_dim3A_10 : vector<16xi32>
        %gather3A_301 = tpu.vector_load_idx %arg6[%add3A_300] : memref<40960xi32, #tpu.memory_space<vmem>>[vector<16xi32>], vector<16xi32>,
        %bitcast3A_302 = vector.bitcast %gather3A_301 : vector<16xi32> to vector<32xbf16>
        %add3A_303 = arith.addf %bitcast3A, %bitcast3A_302 : vector<32xbf16>
        %max3A_304 = arith.constant 0.000000e+00 : bf16
        %max3A_305 = vector.broadcast %max3A_304 : bf16 to vector<32xbf16>
        %max3A_306 = arith.maximumf %add3A_303, %max3A_305 : vector<32xbf16>
        %add3A_307 = arith.addf %add3A_269, %max3A_306 : vector<32xbf16>
        %add3A_308 = arith.addi %get3A_299, %broadcast_in_dim3A_12 : vector<16xi32>
        %gather3A_309 = tpu.vector_load_idx %arg6[%add3A_308] : memref<40960xi32, #tpu.memory_space<vmem>>[vector<16xi32>], vector<16xi32>,
        %bitcast3A_310 = vector.bitcast %gather3A_309 : vector<16xi32> to vector<32xbf16>
        %add3A_311 = arith.addf %bitcast3A_133, %bitcast3A_310 : vector<32xbf16>
        %max3A_312 = arith.constant 0.000000e+00 : bf16
        %max3A_313 = vector.broadcast %max3A_312 : bf16 to vector<32xbf16>
        %max3A_314 = arith.maximumf %add3A_311, %max3A_313 : vector<32xbf16>
        %add3A_315 = arith.addf %add3A_277, %max3A_314 : vector<32xbf16>
        %add3A_316 = arith.addi %get3A_299, %broadcast_in_dim3A_14 : vector<16xi32>
        %gather3A_317 = tpu.vector_load_idx %arg6[%add3A_316] : memref<40960xi32, #tpu.memory_space<vmem>>[vector<16xi32>], vector<16xi32>,
        %bitcast3A_318 = vector.bitcast %gather3A_317 : vector<16xi32> to vector<32xbf16>
        %add3A_319 = arith.addf %bitcast3A_140, %bitcast3A_318 : vector<32xbf16>
        %max3A_320 = arith.constant 0.000000e+00 : bf16
        %max3A_321 = vector.broadcast %max3A_320 : bf16 to vector<32xbf16>
        %max3A_322 = arith.maximumf %add3A_319, %max3A_321 : vector<32xbf16>
        %add3A_323 = arith.addf %add3A_285, %max3A_322 : vector<32xbf16>
        %add3A_324 = arith.addi %get3A_299, %broadcast_in_dim3A_16 : vector<16xi32>
        %gather3A_325 = tpu.vector_load_idx %arg6[%add3A_324] : memref<40960xi32, #tpu.memory_space<vmem>>[vector<16xi32>], vector<16xi32>,
        %bitcast3A_326 = vector.bitcast %gather3A_325 : vector<16xi32> to vector<32xbf16>
        %add3A_327 = arith.addf %bitcast3A_147, %bitcast3A_326 : vector<32xbf16>
        %max3A_328 = arith.constant 0.000000e+00 : bf16
        %max3A_329 = vector.broadcast %max3A_328 : bf16 to vector<32xbf16>
        %max3A_330 = arith.maximumf %add3A_327, %max3A_329 : vector<32xbf16>
        %add3A_331 = arith.addf %add3A_293, %max3A_330 : vector<32xbf16>
        %mul3A_332 = arith.constant 16 : i32
        %mul3A_333 = arith.muli %scan3A_121, %mul3A_332 : i32
        %get3A_334 = arith.constant 5 : i32
        %get3A_335 = arith.index_cast %get3A_334 : i32 to index
        %get3A_336 = arith.index_cast %mul3A_333 : i32 to index
        %get3A_337 = tpu.vector_load %arg7[%get3A_335, %get3A_336] {strides = array<i32>} : memref<16x512xi32, #tpu.memory_space<vmem>>, vector<16xi32>,
        %add3A_338 = arith.addi %get3A_337, %broadcast_in_dim3A_10 : vector<16xi32>
        %gather3A_339 = tpu.vector_load_idx %arg6[%add3A_338] : memref<40960xi32, #tpu.memory_space<vmem>>[vector<16xi32>], vector<16xi32>,
        %bitcast3A_340 = vector.bitcast %gather3A_339 : vector<16xi32> to vector<32xbf16>
        %add3A_341 = arith.addf %bitcast3A, %bitcast3A_340 : vector<32xbf16>
        %max3A_342 = arith.constant 0.000000e+00 : bf16
        %max3A_343 = vector.broadcast %max3A_342 : bf16 to vector<32xbf16>
        %max3A_344 = arith.maximumf %add3A_341, %max3A_343 : vector<32xbf16>
        %add3A_345 = arith.addf %add3A_307, %max3A_344 : vector<32xbf16>
        %add3A_346 = arith.addi %get3A_337, %broadcast_in_dim3A_12 : vector<16xi32>
        %gather3A_347 = tpu.vector_load_idx %arg6[%add3A_346] : memref<40960xi32, #tpu.memory_space<vmem>>[vector<16xi32>], vector<16xi32>,
        %bitcast3A_348 = vector.bitcast %gather3A_347 : vector<16xi32> to vector<32xbf16>
        %add3A_349 = arith.addf %bitcast3A_133, %bitcast3A_348 : vector<32xbf16>
        %max3A_350 = arith.constant 0.000000e+00 : bf16
        %max3A_351 = vector.broadcast %max3A_350 : bf16 to vector<32xbf16>
        %max3A_352 = arith.maximumf %add3A_349, %max3A_351 : vector<32xbf16>
        %add3A_353 = arith.addf %add3A_315, %max3A_352 : vector<32xbf16>
        %add3A_354 = arith.addi %get3A_337, %broadcast_in_dim3A_14 : vector<16xi32>
        %gather3A_355 = tpu.vector_load_idx %arg6[%add3A_354] : memref<40960xi32, #tpu.memory_space<vmem>>[vector<16xi32>], vector<16xi32>,
        %bitcast3A_356 = vector.bitcast %gather3A_355 : vector<16xi32> to vector<32xbf16>
        %add3A_357 = arith.addf %bitcast3A_140, %bitcast3A_356 : vector<32xbf16>
        %max3A_358 = arith.constant 0.000000e+00 : bf16
        %max3A_359 = vector.broadcast %max3A_358 : bf16 to vector<32xbf16>
        %max3A_360 = arith.maximumf %add3A_357, %max3A_359 : vector<32xbf16>
        %add3A_361 = arith.addf %add3A_323, %max3A_360 : vector<32xbf16>
        %add3A_362 = arith.addi %get3A_337, %broadcast_in_dim3A_16 : vector<16xi32>
        %gather3A_363 = tpu.vector_load_idx %arg6[%add3A_362] : memref<40960xi32, #tpu.memory_space<vmem>>[vector<16xi32>], vector<16xi32>,
        %bitcast3A_364 = vector.bitcast %gather3A_363 : vector<16xi32> to vector<32xbf16>
        %add3A_365 = arith.addf %bitcast3A_147, %bitcast3A_364 : vector<32xbf16>
        %max3A_366 = arith.constant 0.000000e+00 : bf16
        %max3A_367 = vector.broadcast %max3A_366 : bf16 to vector<32xbf16>
        %max3A_368 = arith.maximumf %add3A_365, %max3A_367 : vector<32xbf16>
        %add3A_369 = arith.addf %add3A_331, %max3A_368 : vector<32xbf16>
        %mul3A_370 = arith.constant 16 : i32
        %mul3A_371 = arith.muli %scan3A_121, %mul3A_370 : i32
        %get3A_372 = arith.constant 6 : i32
        %get3A_373 = arith.index_cast %get3A_372 : i32 to index
        %get3A_374 = arith.index_cast %mul3A_371 : i32 to index
        %get3A_375 = tpu.vector_load %arg7[%get3A_373, %get3A_374] {strides = array<i32>} : memref<16x512xi32, #tpu.memory_space<vmem>>, vector<16xi32>,
        %add3A_376 = arith.addi %get3A_375, %broadcast_in_dim3A_10 : vector<16xi32>
        %gather3A_377 = tpu.vector_load_idx %arg6[%add3A_376] : memref<40960xi32, #tpu.memory_space<vmem>>[vector<16xi32>], vector<16xi32>,
        %bitcast3A_378 = vector.bitcast %gather3A_377 : vector<16xi32> to vector<32xbf16>
        %add3A_379 = arith.addf %bitcast3A, %bitcast3A_378 : vector<32xbf16>
        %max3A_380 = arith.constant 0.000000e+00 : bf16
        %max3A_381 = vector.broadcast %max3A_380 : bf16 to vector<32xbf16>
        %max3A_382 = arith.maximumf %add3A_379, %max3A_381 : vector<32xbf16>
        %add3A_383 = arith.addf %add3A_345, %max3A_382 : vector<32xbf16>
        %add3A_384 = arith.addi %get3A_375, %broadcast_in_dim3A_12 : vector<16xi32>
        %gather3A_385 = tpu.vector_load_idx %arg6[%add3A_384] : memref<40960xi32, #tpu.memory_space<vmem>>[vector<16xi32>], vector<16xi32>,
        %bitcast3A_386 = vector.bitcast %gather3A_385 : vector<16xi32> to vector<32xbf16>
        %add3A_387 = arith.addf %bitcast3A_133, %bitcast3A_386 : vector<32xbf16>
        %max3A_388 = arith.constant 0.000000e+00 : bf16
        %max3A_389 = vector.broadcast %max3A_388 : bf16 to vector<32xbf16>
        %max3A_390 = arith.maximumf %add3A_387, %max3A_389 : vector<32xbf16>
        %add3A_391 = arith.addf %add3A_353, %max3A_390 : vector<32xbf16>
        %add3A_392 = arith.addi %get3A_375, %broadcast_in_dim3A_14 : vector<16xi32>
        %gather3A_393 = tpu.vector_load_idx %arg6[%add3A_392] : memref<40960xi32, #tpu.memory_space<vmem>>[vector<16xi32>], vector<16xi32>,
        %bitcast3A_394 = vector.bitcast %gather3A_393 : vector<16xi32> to vector<32xbf16>
        %add3A_395 = arith.addf %bitcast3A_140, %bitcast3A_394 : vector<32xbf16>
        %max3A_396 = arith.constant 0.000000e+00 : bf16
        %max3A_397 = vector.broadcast %max3A_396 : bf16 to vector<32xbf16>
        %max3A_398 = arith.maximumf %add3A_395, %max3A_397 : vector<32xbf16>
        %add3A_399 = arith.addf %add3A_361, %max3A_398 : vector<32xbf16>
        %add3A_400 = arith.addi %get3A_375, %broadcast_in_dim3A_16 : vector<16xi32>
        %gather3A_401 = tpu.vector_load_idx %arg6[%add3A_400] : memref<40960xi32, #tpu.memory_space<vmem>>[vector<16xi32>], vector<16xi32>,
        %bitcast3A_402 = vector.bitcast %gather3A_401 : vector<16xi32> to vector<32xbf16>
        %add3A_403 = arith.addf %bitcast3A_147, %bitcast3A_402 : vector<32xbf16>
        %max3A_404 = arith.constant 0.000000e+00 : bf16
        %max3A_405 = vector.broadcast %max3A_404 : bf16 to vector<32xbf16>
        %max3A_406 = arith.maximumf %add3A_403, %max3A_405 : vector<32xbf16>
        %add3A_407 = arith.addf %add3A_369, %max3A_406 : vector<32xbf16>
        %mul3A_408 = arith.constant 16 : i32
        %mul3A_409 = arith.muli %scan3A_121, %mul3A_408 : i32
        %get3A_410 = arith.constant 7 : i32
        %get3A_411 = arith.index_cast %get3A_410 : i32 to index
        %get3A_412 = arith.index_cast %mul3A_409 : i32 to index
        %get3A_413 = tpu.vector_load %arg7[%get3A_411, %get3A_412] {strides = array<i32>} : memref<16x512xi32, #tpu.memory_space<vmem>>, vector<16xi32>,
        %add3A_414 = arith.addi %get3A_413, %broadcast_in_dim3A_10 : vector<16xi32>
        %gather3A_415 = tpu.vector_load_idx %arg6[%add3A_414] : memref<40960xi32, #tpu.memory_space<vmem>>[vector<16xi32>], vector<16xi32>,
        %bitcast3A_416 = vector.bitcast %gather3A_415 : vector<16xi32> to vector<32xbf16>
        %add3A_417 = arith.addf %bitcast3A, %bitcast3A_416 : vector<32xbf16>
        %max3A_418 = arith.constant 0.000000e+00 : bf16
        %max3A_419 = vector.broadcast %max3A_418 : bf16 to vector<32xbf16>
        %max3A_420 = arith.maximumf %add3A_417, %max3A_419 : vector<32xbf16>
        %add3A_421 = arith.addf %add3A_383, %max3A_420 : vector<32xbf16>
        %add3A_422 = arith.addi %get3A_413, %broadcast_in_dim3A_12 : vector<16xi32>
        %gather3A_423 = tpu.vector_load_idx %arg6[%add3A_422] : memref<40960xi32, #tpu.memory_space<vmem>>[vector<16xi32>], vector<16xi32>,
        %bitcast3A_424 = vector.bitcast %gather3A_423 : vector<16xi32> to vector<32xbf16>
        %add3A_425 = arith.addf %bitcast3A_133, %bitcast3A_424 : vector<32xbf16>
        %max3A_426 = arith.constant 0.000000e+00 : bf16
        %max3A_427 = vector.broadcast %max3A_426 : bf16 to vector<32xbf16>
        %max3A_428 = arith.maximumf %add3A_425, %max3A_427 : vector<32xbf16>
        %add3A_429 = arith.addf %add3A_391, %max3A_428 : vector<32xbf16>
        %add3A_430 = arith.addi %get3A_413, %broadcast_in_dim3A_14 : vector<16xi32>
        %gather3A_431 = tpu.vector_load_idx %arg6[%add3A_430] : memref<40960xi32, #tpu.memory_space<vmem>>[vector<16xi32>], vector<16xi32>,
        %bitcast3A_432 = vector.bitcast %gather3A_431 : vector<16xi32> to vector<32xbf16>
        %add3A_433 = arith.addf %bitcast3A_140, %bitcast3A_432 : vector<32xbf16>
        %max3A_434 = arith.constant 0.000000e+00 : bf16
        %max3A_435 = vector.broadcast %max3A_434 : bf16 to vector<32xbf16>
        %max3A_436 = arith.maximumf %add3A_433, %max3A_435 : vector<32xbf16>
        %add3A_437 = arith.addf %add3A_399, %max3A_436 : vector<32xbf16>
        %add3A_438 = arith.addi %get3A_413, %broadcast_in_dim3A_16 : vector<16xi32>
        %gather3A_439 = tpu.vector_load_idx %arg6[%add3A_438] : memref<40960xi32, #tpu.memory_space<vmem>>[vector<16xi32>], vector<16xi32>,
        %bitcast3A_440 = vector.bitcast %gather3A_439 : vector<16xi32> to vector<32xbf16>
        %add3A_441 = arith.addf %bitcast3A_147, %bitcast3A_440 : vector<32xbf16>
        %max3A_442 = arith.constant 0.000000e+00 : bf16
        %max3A_443 = vector.broadcast %max3A_442 : bf16 to vector<32xbf16>
        %max3A_444 = arith.maximumf %add3A_441, %max3A_443 : vector<32xbf16>
        %add3A_445 = arith.addf %add3A_407, %max3A_444 : vector<32xbf16>
        %mul3A_446 = arith.constant 16 : i32
        %mul3A_447 = arith.muli %scan3A_121, %mul3A_446 : i32
        %get3A_448 = arith.constant 8 : i32
        %get3A_449 = arith.index_cast %get3A_448 : i32 to index
        %get3A_450 = arith.index_cast %mul3A_447 : i32 to index
        %get3A_451 = tpu.vector_load %arg7[%get3A_449, %get3A_450] {strides = array<i32>} : memref<16x512xi32, #tpu.memory_space<vmem>>, vector<16xi32>,
        %add3A_452 = arith.addi %get3A_451, %broadcast_in_dim3A_10 : vector<16xi32>
        %gather3A_453 = tpu.vector_load_idx %arg6[%add3A_452] : memref<40960xi32, #tpu.memory_space<vmem>>[vector<16xi32>], vector<16xi32>,
        %bitcast3A_454 = vector.bitcast %gather3A_453 : vector<16xi32> to vector<32xbf16>
        %add3A_455 = arith.addf %bitcast3A, %bitcast3A_454 : vector<32xbf16>
        %max3A_456 = arith.constant 0.000000e+00 : bf16
        %max3A_457 = vector.broadcast %max3A_456 : bf16 to vector<32xbf16>
        %max3A_458 = arith.maximumf %add3A_455, %max3A_457 : vector<32xbf16>
        %add3A_459 = arith.addf %add3A_421, %max3A_458 : vector<32xbf16>
        %add3A_460 = arith.addi %get3A_451, %broadcast_in_dim3A_12 : vector<16xi32>
        %gather3A_461 = tpu.vector_load_idx %arg6[%add3A_460] : memref<40960xi32, #tpu.memory_space<vmem>>[vector<16xi32>], vector<16xi32>,
        %bitcast3A_462 = vector.bitcast %gather3A_461 : vector<16xi32> to vector<32xbf16>
        %add3A_463 = arith.addf %bitcast3A_133, %bitcast3A_462 : vector<32xbf16>
        %max3A_464 = arith.constant 0.000000e+00 : bf16
        %max3A_465 = vector.broadcast %max3A_464 : bf16 to vector<32xbf16>
        %max3A_466 = arith.maximumf %add3A_463, %max3A_465 : vector<32xbf16>
        %add3A_467 = arith.addf %add3A_429, %max3A_466 : vector<32xbf16>
        %add3A_468 = arith.addi %get3A_451, %broadcast_in_dim3A_14 : vector<16xi32>
        %gather3A_469 = tpu.vector_load_idx %arg6[%add3A_468] : memref<40960xi32, #tpu.memory_space<vmem>>[vector<16xi32>], vector<16xi32>,
        %bitcast3A_470 = vector.bitcast %gather3A_469 : vector<16xi32> to vector<32xbf16>
        %add3A_471 = arith.addf %bitcast3A_140, %bitcast3A_470 : vector<32xbf16>
        %max3A_472 = arith.constant 0.000000e+00 : bf16
        %max3A_473 = vector.broadcast %max3A_472 : bf16 to vector<32xbf16>
        %max3A_474 = arith.maximumf %add3A_471, %max3A_473 : vector<32xbf16>
        %add3A_475 = arith.addf %add3A_437, %max3A_474 : vector<32xbf16>
        %add3A_476 = arith.addi %get3A_451, %broadcast_in_dim3A_16 : vector<16xi32>
        %gather3A_477 = tpu.vector_load_idx %arg6[%add3A_476] : memref<40960xi32, #tpu.memory_space<vmem>>[vector<16xi32>], vector<16xi32>,
        %bitcast3A_478 = vector.bitcast %gather3A_477 : vector<16xi32> to vector<32xbf16>
        %add3A_479 = arith.addf %bitcast3A_147, %bitcast3A_478 : vector<32xbf16>
        %max3A_480 = arith.constant 0.000000e+00 : bf16
        %max3A_481 = vector.broadcast %max3A_480 : bf16 to vector<32xbf16>
        %max3A_482 = arith.maximumf %add3A_479, %max3A_481 : vector<32xbf16>
        %add3A_483 = arith.addf %add3A_445, %max3A_482 : vector<32xbf16>
        %mul3A_484 = arith.constant 16 : i32
        %mul3A_485 = arith.muli %scan3A_121, %mul3A_484 : i32
        %get3A_486 = arith.constant 9 : i32
        %get3A_487 = arith.index_cast %get3A_486 : i32 to index
        %get3A_488 = arith.index_cast %mul3A_485 : i32 to index
        %get3A_489 = tpu.vector_load %arg7[%get3A_487, %get3A_488] {strides = array<i32>} : memref<16x512xi32, #tpu.memory_space<vmem>>, vector<16xi32>,
        %add3A_490 = arith.addi %get3A_489, %broadcast_in_dim3A_10 : vector<16xi32>
        %gather3A_491 = tpu.vector_load_idx %arg6[%add3A_490] : memref<40960xi32, #tpu.memory_space<vmem>>[vector<16xi32>], vector<16xi32>,
        %bitcast3A_492 = vector.bitcast %gather3A_491 : vector<16xi32> to vector<32xbf16>
        %add3A_493 = arith.addf %bitcast3A, %bitcast3A_492 : vector<32xbf16>
        %max3A_494 = arith.constant 0.000000e+00 : bf16
        %max3A_495 = vector.broadcast %max3A_494 : bf16 to vector<32xbf16>
        %max3A_496 = arith.maximumf %add3A_493, %max3A_495 : vector<32xbf16>
        %add3A_497 = arith.addf %add3A_459, %max3A_496 : vector<32xbf16>
        %add3A_498 = arith.addi %get3A_489, %broadcast_in_dim3A_12 : vector<16xi32>
        %gather3A_499 = tpu.vector_load_idx %arg6[%add3A_498] : memref<40960xi32, #tpu.memory_space<vmem>>[vector<16xi32>], vector<16xi32>,
        %bitcast3A_500 = vector.bitcast %gather3A_499 : vector<16xi32> to vector<32xbf16>
        %add3A_501 = arith.addf %bitcast3A_133, %bitcast3A_500 : vector<32xbf16>
        %max3A_502 = arith.constant 0.000000e+00 : bf16
        %max3A_503 = vector.broadcast %max3A_502 : bf16 to vector<32xbf16>
        %max3A_504 = arith.maximumf %add3A_501, %max3A_503 : vector<32xbf16>
        %add3A_505 = arith.addf %add3A_467, %max3A_504 : vector<32xbf16>
        %add3A_506 = arith.addi %get3A_489, %broadcast_in_dim3A_14 : vector<16xi32>
        %gather3A_507 = tpu.vector_load_idx %arg6[%add3A_506] : memref<40960xi32, #tpu.memory_space<vmem>>[vector<16xi32>], vector<16xi32>,
        %bitcast3A_508 = vector.bitcast %gather3A_507 : vector<16xi32> to vector<32xbf16>
        %add3A_509 = arith.addf %bitcast3A_140, %bitcast3A_508 : vector<32xbf16>
        %max3A_510 = arith.constant 0.000000e+00 : bf16
        %max3A_511 = vector.broadcast %max3A_510 : bf16 to vector<32xbf16>
        %max3A_512 = arith.maximumf %add3A_509, %max3A_511 : vector<32xbf16>
        %add3A_513 = arith.addf %add3A_475, %max3A_512 : vector<32xbf16>
        %add3A_514 = arith.addi %get3A_489, %broadcast_in_dim3A_16 : vector<16xi32>
        %gather3A_515 = tpu.vector_load_idx %arg6[%add3A_514] : memref<40960xi32, #tpu.memory_space<vmem>>[vector<16xi32>], vector<16xi32>,
        %bitcast3A_516 = vector.bitcast %gather3A_515 : vector<16xi32> to vector<32xbf16>
        %add3A_517 = arith.addf %bitcast3A_147, %bitcast3A_516 : vector<32xbf16>
        %max3A_518 = arith.constant 0.000000e+00 : bf16
        %max3A_519 = vector.broadcast %max3A_518 : bf16 to vector<32xbf16>
        %max3A_520 = arith.maximumf %add3A_517, %max3A_519 : vector<32xbf16>
        %add3A_521 = arith.addf %add3A_483, %max3A_520 : vector<32xbf16>
        %mul3A_522 = arith.constant 16 : i32
        %mul3A_523 = arith.muli %scan3A_121, %mul3A_522 : i32
        %get3A_524 = arith.constant 10 : i32
        %get3A_525 = arith.index_cast %get3A_524 : i32 to index
        %get3A_526 = arith.index_cast %mul3A_523 : i32 to index
        %get3A_527 = tpu.vector_load %arg7[%get3A_525, %get3A_526] {strides = array<i32>} : memref<16x512xi32, #tpu.memory_space<vmem>>, vector<16xi32>,
        %add3A_528 = arith.addi %get3A_527, %broadcast_in_dim3A_10 : vector<16xi32>
        %gather3A_529 = tpu.vector_load_idx %arg6[%add3A_528] : memref<40960xi32, #tpu.memory_space<vmem>>[vector<16xi32>], vector<16xi32>,
        %bitcast3A_530 = vector.bitcast %gather3A_529 : vector<16xi32> to vector<32xbf16>
        %add3A_531 = arith.addf %bitcast3A, %bitcast3A_530 : vector<32xbf16>
        %max3A_532 = arith.constant 0.000000e+00 : bf16
        %max3A_533 = vector.broadcast %max3A_532 : bf16 to vector<32xbf16>
        %max3A_534 = arith.maximumf %add3A_531, %max3A_533 : vector<32xbf16>
        %add3A_535 = arith.addf %add3A_497, %max3A_534 : vector<32xbf16>
        %add3A_536 = arith.addi %get3A_527, %broadcast_in_dim3A_12 : vector<16xi32>
        %gather3A_537 = tpu.vector_load_idx %arg6[%add3A_536] : memref<40960xi32, #tpu.memory_space<vmem>>[vector<16xi32>], vector<16xi32>,
        %bitcast3A_538 = vector.bitcast %gather3A_537 : vector<16xi32> to vector<32xbf16>
        %add3A_539 = arith.addf %bitcast3A_133, %bitcast3A_538 : vector<32xbf16>
        %max3A_540 = arith.constant 0.000000e+00 : bf16
        %max3A_541 = vector.broadcast %max3A_540 : bf16 to vector<32xbf16>
        %max3A_542 = arith.maximumf %add3A_539, %max3A_541 : vector<32xbf16>
        %add3A_543 = arith.addf %add3A_505, %max3A_542 : vector<32xbf16>
        %add3A_544 = arith.addi %get3A_527, %broadcast_in_dim3A_14 : vector<16xi32>
        %gather3A_545 = tpu.vector_load_idx %arg6[%add3A_544] : memref<40960xi32, #tpu.memory_space<vmem>>[vector<16xi32>], vector<16xi32>,
        %bitcast3A_546 = vector.bitcast %gather3A_545 : vector<16xi32> to vector<32xbf16>
        %add3A_547 = arith.addf %bitcast3A_140, %bitcast3A_546 : vector<32xbf16>
        %max3A_548 = arith.constant 0.000000e+00 : bf16
        %max3A_549 = vector.broadcast %max3A_548 : bf16 to vector<32xbf16>
        %max3A_550 = arith.maximumf %add3A_547, %max3A_549 : vector<32xbf16>
        %add3A_551 = arith.addf %add3A_513, %max3A_550 : vector<32xbf16>
        %add3A_552 = arith.addi %get3A_527, %broadcast_in_dim3A_16 : vector<16xi32>
        %gather3A_553 = tpu.vector_load_idx %arg6[%add3A_552] : memref<40960xi32, #tpu.memory_space<vmem>>[vector<16xi32>], vector<16xi32>,
        %bitcast3A_554 = vector.bitcast %gather3A_553 : vector<16xi32> to vector<32xbf16>
        %add3A_555 = arith.addf %bitcast3A_147, %bitcast3A_554 : vector<32xbf16>
        %max3A_556 = arith.constant 0.000000e+00 : bf16
        %max3A_557 = vector.broadcast %max3A_556 : bf16 to vector<32xbf16>
        %max3A_558 = arith.maximumf %add3A_555, %max3A_557 : vector<32xbf16>
        %add3A_559 = arith.addf %add3A_521, %max3A_558 : vector<32xbf16>
        %mul3A_560 = arith.constant 16 : i32
        %mul3A_561 = arith.muli %scan3A_121, %mul3A_560 : i32
        %get3A_562 = arith.constant 11 : i32
        %get3A_563 = arith.index_cast %get3A_562 : i32 to index
        %get3A_564 = arith.index_cast %mul3A_561 : i32 to index
        %get3A_565 = tpu.vector_load %arg7[%get3A_563, %get3A_564] {strides = array<i32>} : memref<16x512xi32, #tpu.memory_space<vmem>>, vector<16xi32>,
        %add3A_566 = arith.addi %get3A_565, %broadcast_in_dim3A_10 : vector<16xi32>
        %gather3A_567 = tpu.vector_load_idx %arg6[%add3A_566] : memref<40960xi32, #tpu.memory_space<vmem>>[vector<16xi32>], vector<16xi32>,
        %bitcast3A_568 = vector.bitcast %gather3A_567 : vector<16xi32> to vector<32xbf16>
        %add3A_569 = arith.addf %bitcast3A, %bitcast3A_568 : vector<32xbf16>
        %max3A_570 = arith.constant 0.000000e+00 : bf16
        %max3A_571 = vector.broadcast %max3A_570 : bf16 to vector<32xbf16>
        %max3A_572 = arith.maximumf %add3A_569, %max3A_571 : vector<32xbf16>
        %add3A_573 = arith.addf %add3A_535, %max3A_572 : vector<32xbf16>
        %add3A_574 = arith.addi %get3A_565, %broadcast_in_dim3A_12 : vector<16xi32>
        %gather3A_575 = tpu.vector_load_idx %arg6[%add3A_574] : memref<40960xi32, #tpu.memory_space<vmem>>[vector<16xi32>], vector<16xi32>,
        %bitcast3A_576 = vector.bitcast %gather3A_575 : vector<16xi32> to vector<32xbf16>
        %add3A_577 = arith.addf %bitcast3A_133, %bitcast3A_576 : vector<32xbf16>
        %max3A_578 = arith.constant 0.000000e+00 : bf16
        %max3A_579 = vector.broadcast %max3A_578 : bf16 to vector<32xbf16>
        %max3A_580 = arith.maximumf %add3A_577, %max3A_579 : vector<32xbf16>
        %add3A_581 = arith.addf %add3A_543, %max3A_580 : vector<32xbf16>
        %add3A_582 = arith.addi %get3A_565, %broadcast_in_dim3A_14 : vector<16xi32>
        %gather3A_583 = tpu.vector_load_idx %arg6[%add3A_582] : memref<40960xi32, #tpu.memory_space<vmem>>[vector<16xi32>], vector<16xi32>,
        %bitcast3A_584 = vector.bitcast %gather3A_583 : vector<16xi32> to vector<32xbf16>
        %add3A_585 = arith.addf %bitcast3A_140, %bitcast3A_584 : vector<32xbf16>
        %max3A_586 = arith.constant 0.000000e+00 : bf16
        %max3A_587 = vector.broadcast %max3A_586 : bf16 to vector<32xbf16>
        %max3A_588 = arith.maximumf %add3A_585, %max3A_587 : vector<32xbf16>
        %add3A_589 = arith.addf %add3A_551, %max3A_588 : vector<32xbf16>
        %add3A_590 = arith.addi %get3A_565, %broadcast_in_dim3A_16 : vector<16xi32>
        %gather3A_591 = tpu.vector_load_idx %arg6[%add3A_590] : memref<40960xi32, #tpu.memory_space<vmem>>[vector<16xi32>], vector<16xi32>,
        %bitcast3A_592 = vector.bitcast %gather3A_591 : vector<16xi32> to vector<32xbf16>
        %add3A_593 = arith.addf %bitcast3A_147, %bitcast3A_592 : vector<32xbf16>
        %max3A_594 = arith.constant 0.000000e+00 : bf16
        %max3A_595 = vector.broadcast %max3A_594 : bf16 to vector<32xbf16>
        %max3A_596 = arith.maximumf %add3A_593, %max3A_595 : vector<32xbf16>
        %add3A_597 = arith.addf %add3A_559, %max3A_596 : vector<32xbf16>
        %mul3A_598 = arith.constant 16 : i32
        %mul3A_599 = arith.muli %scan3A_121, %mul3A_598 : i32
        %get3A_600 = arith.constant 12 : i32
        %get3A_601 = arith.index_cast %get3A_600 : i32 to index
        %get3A_602 = arith.index_cast %mul3A_599 : i32 to index
        %get3A_603 = tpu.vector_load %arg7[%get3A_601, %get3A_602] {strides = array<i32>} : memref<16x512xi32, #tpu.memory_space<vmem>>, vector<16xi32>,
        %add3A_604 = arith.addi %get3A_603, %broadcast_in_dim3A_10 : vector<16xi32>
        %gather3A_605 = tpu.vector_load_idx %arg6[%add3A_604] : memref<40960xi32, #tpu.memory_space<vmem>>[vector<16xi32>], vector<16xi32>,
        %bitcast3A_606 = vector.bitcast %gather3A_605 : vector<16xi32> to vector<32xbf16>
        %add3A_607 = arith.addf %bitcast3A, %bitcast3A_606 : vector<32xbf16>
        %max3A_608 = arith.constant 0.000000e+00 : bf16
        %max3A_609 = vector.broadcast %max3A_608 : bf16 to vector<32xbf16>
        %max3A_610 = arith.maximumf %add3A_607, %max3A_609 : vector<32xbf16>
        %add3A_611 = arith.addf %add3A_573, %max3A_610 : vector<32xbf16>
        %add3A_612 = arith.addi %get3A_603, %broadcast_in_dim3A_12 : vector<16xi32>
        %gather3A_613 = tpu.vector_load_idx %arg6[%add3A_612] : memref<40960xi32, #tpu.memory_space<vmem>>[vector<16xi32>], vector<16xi32>,
        %bitcast3A_614 = vector.bitcast %gather3A_613 : vector<16xi32> to vector<32xbf16>
        %add3A_615 = arith.addf %bitcast3A_133, %bitcast3A_614 : vector<32xbf16>
        %max3A_616 = arith.constant 0.000000e+00 : bf16
        %max3A_617 = vector.broadcast %max3A_616 : bf16 to vector<32xbf16>
        %max3A_618 = arith.maximumf %add3A_615, %max3A_617 : vector<32xbf16>
        %add3A_619 = arith.addf %add3A_581, %max3A_618 : vector<32xbf16>
        %add3A_620 = arith.addi %get3A_603, %broadcast_in_dim3A_14 : vector<16xi32>
        %gather3A_621 = tpu.vector_load_idx %arg6[%add3A_620] : memref<40960xi32, #tpu.memory_space<vmem>>[vector<16xi32>], vector<16xi32>,
        %bitcast3A_622 = vector.bitcast %gather3A_621 : vector<16xi32> to vector<32xbf16>
        %add3A_623 = arith.addf %bitcast3A_140, %bitcast3A_622 : vector<32xbf16>
        %max3A_624 = arith.constant 0.000000e+00 : bf16
        %max3A_625 = vector.broadcast %max3A_624 : bf16 to vector<32xbf16>
        %max3A_626 = arith.maximumf %add3A_623, %max3A_625 : vector<32xbf16>
        %add3A_627 = arith.addf %add3A_589, %max3A_626 : vector<32xbf16>
        %add3A_628 = arith.addi %get3A_603, %broadcast_in_dim3A_16 : vector<16xi32>
        %gather3A_629 = tpu.vector_load_idx %arg6[%add3A_628] : memref<40960xi32, #tpu.memory_space<vmem>>[vector<16xi32>], vector<16xi32>,
        %bitcast3A_630 = vector.bitcast %gather3A_629 : vector<16xi32> to vector<32xbf16>
        %add3A_631 = arith.addf %bitcast3A_147, %bitcast3A_630 : vector<32xbf16>
        %max3A_632 = arith.constant 0.000000e+00 : bf16
        %max3A_633 = vector.broadcast %max3A_632 : bf16 to vector<32xbf16>
        %max3A_634 = arith.maximumf %add3A_631, %max3A_633 : vector<32xbf16>
        %add3A_635 = arith.addf %add3A_597, %max3A_634 : vector<32xbf16>
        %mul3A_636 = arith.constant 16 : i32
        %mul3A_637 = arith.muli %scan3A_121, %mul3A_636 : i32
        %get3A_638 = arith.constant 13 : i32
        %get3A_639 = arith.index_cast %get3A_638 : i32 to index
        %get3A_640 = arith.index_cast %mul3A_637 : i32 to index
        %get3A_641 = tpu.vector_load %arg7[%get3A_639, %get3A_640] {strides = array<i32>} : memref<16x512xi32, #tpu.memory_space<vmem>>, vector<16xi32>,
        %add3A_642 = arith.addi %get3A_641, %broadcast_in_dim3A_10 : vector<16xi32>
        %gather3A_643 = tpu.vector_load_idx %arg6[%add3A_642] : memref<40960xi32, #tpu.memory_space<vmem>>[vector<16xi32>], vector<16xi32>,
        %bitcast3A_644 = vector.bitcast %gather3A_643 : vector<16xi32> to vector<32xbf16>
        %add3A_645 = arith.addf %bitcast3A, %bitcast3A_644 : vector<32xbf16>
        %max3A_646 = arith.constant 0.000000e+00 : bf16
        %max3A_647 = vector.broadcast %max3A_646 : bf16 to vector<32xbf16>
        %max3A_648 = arith.maximumf %add3A_645, %max3A_647 : vector<32xbf16>
        %add3A_649 = arith.addf %add3A_611, %max3A_648 : vector<32xbf16>
        %add3A_650 = arith.addi %get3A_641, %broadcast_in_dim3A_12 : vector<16xi32>
        %gather3A_651 = tpu.vector_load_idx %arg6[%add3A_650] : memref<40960xi32, #tpu.memory_space<vmem>>[vector<16xi32>], vector<16xi32>,
        %bitcast3A_652 = vector.bitcast %gather3A_651 : vector<16xi32> to vector<32xbf16>
        %add3A_653 = arith.addf %bitcast3A_133, %bitcast3A_652 : vector<32xbf16>
        %max3A_654 = arith.constant 0.000000e+00 : bf16
        %max3A_655 = vector.broadcast %max3A_654 : bf16 to vector<32xbf16>
        %max3A_656 = arith.maximumf %add3A_653, %max3A_655 : vector<32xbf16>
        %add3A_657 = arith.addf %add3A_619, %max3A_656 : vector<32xbf16>
        %add3A_658 = arith.addi %get3A_641, %broadcast_in_dim3A_14 : vector<16xi32>
        %gather3A_659 = tpu.vector_load_idx %arg6[%add3A_658] : memref<40960xi32, #tpu.memory_space<vmem>>[vector<16xi32>], vector<16xi32>,
        %bitcast3A_660 = vector.bitcast %gather3A_659 : vector<16xi32> to vector<32xbf16>
        %add3A_661 = arith.addf %bitcast3A_140, %bitcast3A_660 : vector<32xbf16>
        %max3A_662 = arith.constant 0.000000e+00 : bf16
        %max3A_663 = vector.broadcast %max3A_662 : bf16 to vector<32xbf16>
        %max3A_664 = arith.maximumf %add3A_661, %max3A_663 : vector<32xbf16>
        %add3A_665 = arith.addf %add3A_627, %max3A_664 : vector<32xbf16>
        %add3A_666 = arith.addi %get3A_641, %broadcast_in_dim3A_16 : vector<16xi32>
        %gather3A_667 = tpu.vector_load_idx %arg6[%add3A_666] : memref<40960xi32, #tpu.memory_space<vmem>>[vector<16xi32>], vector<16xi32>,
        %bitcast3A_668 = vector.bitcast %gather3A_667 : vector<16xi32> to vector<32xbf16>
        %add3A_669 = arith.addf %bitcast3A_147, %bitcast3A_668 : vector<32xbf16>
        %max3A_670 = arith.constant 0.000000e+00 : bf16
        %max3A_671 = vector.broadcast %max3A_670 : bf16 to vector<32xbf16>
        %max3A_672 = arith.maximumf %add3A_669, %max3A_671 : vector<32xbf16>
        %add3A_673 = arith.addf %add3A_635, %max3A_672 : vector<32xbf16>
        %mul3A_674 = arith.constant 16 : i32
        %mul3A_675 = arith.muli %scan3A_121, %mul3A_674 : i32
        %get3A_676 = arith.constant 14 : i32
        %get3A_677 = arith.index_cast %get3A_676 : i32 to index
        %get3A_678 = arith.index_cast %mul3A_675 : i32 to index
        %get3A_679 = tpu.vector_load %arg7[%get3A_677, %get3A_678] {strides = array<i32>} : memref<16x512xi32, #tpu.memory_space<vmem>>, vector<16xi32>,
        %add3A_680 = arith.addi %get3A_679, %broadcast_in_dim3A_10 : vector<16xi32>
        %gather3A_681 = tpu.vector_load_idx %arg6[%add3A_680] : memref<40960xi32, #tpu.memory_space<vmem>>[vector<16xi32>], vector<16xi32>,
        %bitcast3A_682 = vector.bitcast %gather3A_681 : vector<16xi32> to vector<32xbf16>
        %add3A_683 = arith.addf %bitcast3A, %bitcast3A_682 : vector<32xbf16>
        %max3A_684 = arith.constant 0.000000e+00 : bf16
        %max3A_685 = vector.broadcast %max3A_684 : bf16 to vector<32xbf16>
        %max3A_686 = arith.maximumf %add3A_683, %max3A_685 : vector<32xbf16>
        %add3A_687 = arith.addf %add3A_649, %max3A_686 : vector<32xbf16>
        %add3A_688 = arith.addi %get3A_679, %broadcast_in_dim3A_12 : vector<16xi32>
        %gather3A_689 = tpu.vector_load_idx %arg6[%add3A_688] : memref<40960xi32, #tpu.memory_space<vmem>>[vector<16xi32>], vector<16xi32>,
        %bitcast3A_690 = vector.bitcast %gather3A_689 : vector<16xi32> to vector<32xbf16>
        %add3A_691 = arith.addf %bitcast3A_133, %bitcast3A_690 : vector<32xbf16>
        %max3A_692 = arith.constant 0.000000e+00 : bf16
        %max3A_693 = vector.broadcast %max3A_692 : bf16 to vector<32xbf16>
        %max3A_694 = arith.maximumf %add3A_691, %max3A_693 : vector<32xbf16>
        %add3A_695 = arith.addf %add3A_657, %max3A_694 : vector<32xbf16>
        %add3A_696 = arith.addi %get3A_679, %broadcast_in_dim3A_14 : vector<16xi32>
        %gather3A_697 = tpu.vector_load_idx %arg6[%add3A_696] : memref<40960xi32, #tpu.memory_space<vmem>>[vector<16xi32>], vector<16xi32>,
        %bitcast3A_698 = vector.bitcast %gather3A_697 : vector<16xi32> to vector<32xbf16>
        %add3A_699 = arith.addf %bitcast3A_140, %bitcast3A_698 : vector<32xbf16>
        %max3A_700 = arith.constant 0.000000e+00 : bf16
        %max3A_701 = vector.broadcast %max3A_700 : bf16 to vector<32xbf16>
        %max3A_702 = arith.maximumf %add3A_699, %max3A_701 : vector<32xbf16>
        %add3A_703 = arith.addf %add3A_665, %max3A_702 : vector<32xbf16>
        %add3A_704 = arith.addi %get3A_679, %broadcast_in_dim3A_16 : vector<16xi32>
        %gather3A_705 = tpu.vector_load_idx %arg6[%add3A_704] : memref<40960xi32, #tpu.memory_space<vmem>>[vector<16xi32>], vector<16xi32>,
        %bitcast3A_706 = vector.bitcast %gather3A_705 : vector<16xi32> to vector<32xbf16>
        %add3A_707 = arith.addf %bitcast3A_147, %bitcast3A_706 : vector<32xbf16>
        %max3A_708 = arith.constant 0.000000e+00 : bf16
        %max3A_709 = vector.broadcast %max3A_708 : bf16 to vector<32xbf16>
        %max3A_710 = arith.maximumf %add3A_707, %max3A_709 : vector<32xbf16>
        %add3A_711 = arith.addf %add3A_673, %max3A_710 : vector<32xbf16>
        %mul3A_712 = arith.constant 16 : i32
        %mul3A_713 = arith.muli %scan3A_121, %mul3A_712 : i32
        %get3A_714 = arith.constant 15 : i32
        %get3A_715 = arith.index_cast %get3A_714 : i32 to index
        %get3A_716 = arith.index_cast %mul3A_713 : i32 to index
        %get3A_717 = tpu.vector_load %arg7[%get3A_715, %get3A_716] {strides = array<i32>} : memref<16x512xi32, #tpu.memory_space<vmem>>, vector<16xi32>,
        %add3A_718 = arith.addi %get3A_717, %broadcast_in_dim3A_10 : vector<16xi32>
        %gather3A_719 = tpu.vector_load_idx %arg6[%add3A_718] : memref<40960xi32, #tpu.memory_space<vmem>>[vector<16xi32>], vector<16xi32>,
        %bitcast3A_720 = vector.bitcast %gather3A_719 : vector<16xi32> to vector<32xbf16>
        %add3A_721 = arith.addf %bitcast3A, %bitcast3A_720 : vector<32xbf16>
        %max3A_722 = arith.constant 0.000000e+00 : bf16
        %max3A_723 = vector.broadcast %max3A_722 : bf16 to vector<32xbf16>
        %max3A_724 = arith.maximumf %add3A_721, %max3A_723 : vector<32xbf16>
        %add3A_725 = arith.addf %add3A_687, %max3A_724 : vector<32xbf16>
        %add3A_726 = arith.addi %get3A_717, %broadcast_in_dim3A_12 : vector<16xi32>
        %gather3A_727 = tpu.vector_load_idx %arg6[%add3A_726] : memref<40960xi32, #tpu.memory_space<vmem>>[vector<16xi32>], vector<16xi32>,
        %bitcast3A_728 = vector.bitcast %gather3A_727 : vector<16xi32> to vector<32xbf16>
        %add3A_729 = arith.addf %bitcast3A_133, %bitcast3A_728 : vector<32xbf16>
        %max3A_730 = arith.constant 0.000000e+00 : bf16
        %max3A_731 = vector.broadcast %max3A_730 : bf16 to vector<32xbf16>
        %max3A_732 = arith.maximumf %add3A_729, %max3A_731 : vector<32xbf16>
        %add3A_733 = arith.addf %add3A_695, %max3A_732 : vector<32xbf16>
        %add3A_734 = arith.addi %get3A_717, %broadcast_in_dim3A_14 : vector<16xi32>
        %gather3A_735 = tpu.vector_load_idx %arg6[%add3A_734] : memref<40960xi32, #tpu.memory_space<vmem>>[vector<16xi32>], vector<16xi32>,
        %bitcast3A_736 = vector.bitcast %gather3A_735 : vector<16xi32> to vector<32xbf16>
        %add3A_737 = arith.addf %bitcast3A_140, %bitcast3A_736 : vector<32xbf16>
        %max3A_738 = arith.constant 0.000000e+00 : bf16
        %max3A_739 = vector.broadcast %max3A_738 : bf16 to vector<32xbf16>
        %max3A_740 = arith.maximumf %add3A_737, %max3A_739 : vector<32xbf16>
        %add3A_741 = arith.addf %add3A_703, %max3A_740 : vector<32xbf16>
        %add3A_742 = arith.addi %get3A_717, %broadcast_in_dim3A_16 : vector<16xi32>
        %gather3A_743 = tpu.vector_load_idx %arg6[%add3A_742] : memref<40960xi32, #tpu.memory_space<vmem>>[vector<16xi32>], vector<16xi32>,
        %bitcast3A_744 = vector.bitcast %gather3A_743 : vector<16xi32> to vector<32xbf16>
        %add3A_745 = arith.addf %bitcast3A_147, %bitcast3A_744 : vector<32xbf16>
        %max3A_746 = arith.constant 0.000000e+00 : bf16
        %max3A_747 = vector.broadcast %max3A_746 : bf16 to vector<32xbf16>
        %max3A_748 = arith.maximumf %add3A_745, %max3A_747 : vector<32xbf16>
        %add3A_749 = arith.addf %add3A_711, %max3A_748 : vector<32xbf16>
        %unpack3A = tpu.unpack_subelements %add3A_725, 0 {pack_format = #tpu.pack_format<interleaved>} : vector<32xbf16> -> vector<16xf32>
        %unpack3A_750 = tpu.unpack_subelements %add3A_725, 1 {pack_format = #tpu.pack_format<interleaved>} : vector<32xbf16> -> vector<16xf32>
        %mul3A_751 = arith.constant 16 : i32
        %mul3A_752 = arith.muli %scan3A_121, %mul3A_751 : i32
        %swap3A = arith.constant 0 : i32
        %swap3A_753 = arith.index_cast %swap3A : i32 to index
        %swap3A_754 = arith.index_cast %mul3A_752 : i32 to index
        %swap3A_755 = tpu.vector_load %arg11[%swap3A_753, %swap3A_754] {strides = array<i32>} : memref<4x512xf32, #tpu.memory_space<vmem>>, vector<16xf32>,
        tpu.vector_store %arg11[%swap3A_753, %swap3A_754], %unpack3A {strides = array<i32>} : memref<4x512xf32, #tpu.memory_space<vmem>>, vector<16xf32>,
        %mul3A_756 = arith.constant 16 : i32
        %mul3A_757 = arith.muli %scan3A_121, %mul3A_756 : i32
        %swap3A_758 = arith.constant 0 : i32
        %swap3A_759 = arith.index_cast %swap3A_758 : i32 to index
        %swap3A_760 = arith.index_cast %mul3A_757 : i32 to index
        %swap3A_761 = tpu.vector_load %arg13[%swap3A_759, %swap3A_760] {strides = array<i32>} : memref<4x512xf32, #tpu.memory_space<vmem>>, vector<16xf32>,
        tpu.vector_store %arg13[%swap3A_759, %swap3A_760], %unpack3A_750 {strides = array<i32>} : memref<4x512xf32, #tpu.memory_space<vmem>>, vector<16xf32>,
        %unpack3A_762 = tpu.unpack_subelements %add3A_733, 0 {pack_format = #tpu.pack_format<interleaved>} : vector<32xbf16> -> vector<16xf32>
        %unpack3A_763 = tpu.unpack_subelements %add3A_733, 1 {pack_format = #tpu.pack_format<interleaved>} : vector<32xbf16> -> vector<16xf32>
        %mul3A_764 = arith.constant 16 : i32
        %mul3A_765 = arith.muli %scan3A_121, %mul3A_764 : i32
        %swap3A_766 = arith.constant 1 : i32
        %swap3A_767 = arith.index_cast %swap3A_766 : i32 to index
        %swap3A_768 = arith.index_cast %mul3A_765 : i32 to index
        %swap3A_769 = tpu.vector_load %arg11[%swap3A_767, %swap3A_768] {strides = array<i32>} : memref<4x512xf32, #tpu.memory_space<vmem>>, vector<16xf32>,
        tpu.vector_store %arg11[%swap3A_767, %swap3A_768], %unpack3A_762 {strides = array<i32>} : memref<4x512xf32, #tpu.memory_space<vmem>>, vector<16xf32>,
        %mul3A_770 = arith.constant 16 : i32
        %mul3A_771 = arith.muli %scan3A_121, %mul3A_770 : i32
        %swap3A_772 = arith.constant 1 : i32
        %swap3A_773 = arith.index_cast %swap3A_772 : i32 to index
        %swap3A_774 = arith.index_cast %mul3A_771 : i32 to index
        %swap3A_775 = tpu.vector_load %arg13[%swap3A_773, %swap3A_774] {strides = array<i32>} : memref<4x512xf32, #tpu.memory_space<vmem>>, vector<16xf32>,
        tpu.vector_store %arg13[%swap3A_773, %swap3A_774], %unpack3A_763 {strides = array<i32>} : memref<4x512xf32, #tpu.memory_space<vmem>>, vector<16xf32>,
        %unpack3A_776 = tpu.unpack_subelements %add3A_741, 0 {pack_format = #tpu.pack_format<interleaved>} : vector<32xbf16> -> vector<16xf32>
        %unpack3A_777 = tpu.unpack_subelements %add3A_741, 1 {pack_format = #tpu.pack_format<interleaved>} : vector<32xbf16> -> vector<16xf32>
        %mul3A_778 = arith.constant 16 : i32
        %mul3A_779 = arith.muli %scan3A_121, %mul3A_778 : i32
        %swap3A_780 = arith.constant 2 : i32
        %swap3A_781 = arith.index_cast %swap3A_780 : i32 to index
        %swap3A_782 = arith.index_cast %mul3A_779 : i32 to index
        %swap3A_783 = tpu.vector_load %arg11[%swap3A_781, %swap3A_782] {strides = array<i32>} : memref<4x512xf32, #tpu.memory_space<vmem>>, vector<16xf32>,
        tpu.vector_store %arg11[%swap3A_781, %swap3A_782], %unpack3A_776 {strides = array<i32>} : memref<4x512xf32, #tpu.memory_space<vmem>>, vector<16xf32>,
        %mul3A_784 = arith.constant 16 : i32
        %mul3A_785 = arith.muli %scan3A_121, %mul3A_784 : i32
        %swap3A_786 = arith.constant 2 : i32
        %swap3A_787 = arith.index_cast %swap3A_786 : i32 to index
        %swap3A_788 = arith.index_cast %mul3A_785 : i32 to index
        %swap3A_789 = tpu.vector_load %arg13[%swap3A_787, %swap3A_788] {strides = array<i32>} : memref<4x512xf32, #tpu.memory_space<vmem>>, vector<16xf32>,
        tpu.vector_store %arg13[%swap3A_787, %swap3A_788], %unpack3A_777 {strides = array<i32>} : memref<4x512xf32, #tpu.memory_space<vmem>>, vector<16xf32>,
        %unpack3A_790 = tpu.unpack_subelements %add3A_749, 0 {pack_format = #tpu.pack_format<interleaved>} : vector<32xbf16> -> vector<16xf32>
        %unpack3A_791 = tpu.unpack_subelements %add3A_749, 1 {pack_format = #tpu.pack_format<interleaved>} : vector<32xbf16> -> vector<16xf32>
        %mul3A_792 = arith.constant 16 : i32
        %mul3A_793 = arith.muli %scan3A_121, %mul3A_792 : i32
        %swap3A_794 = arith.constant 3 : i32
        %swap3A_795 = arith.index_cast %swap3A_794 : i32 to index
        %swap3A_796 = arith.index_cast %mul3A_793 : i32 to index
        %swap3A_797 = tpu.vector_load %arg11[%swap3A_795, %swap3A_796] {strides = array<i32>} : memref<4x512xf32, #tpu.memory_space<vmem>>, vector<16xf32>,
        tpu.vector_store %arg11[%swap3A_795, %swap3A_796], %unpack3A_790 {strides = array<i32>} : memref<4x512xf32, #tpu.memory_space<vmem>>, vector<16xf32>,
        %mul3A_798 = arith.constant 16 : i32
        %mul3A_799 = arith.muli %scan3A_121, %mul3A_798 : i32
        %swap3A_800 = arith.constant 3 : i32
        %swap3A_801 = arith.index_cast %swap3A_800 : i32 to index
        %swap3A_802 = arith.index_cast %mul3A_799 : i32 to index
        %swap3A_803 = tpu.vector_load %arg13[%swap3A_801, %swap3A_802] {strides = array<i32>} : memref<4x512xf32, #tpu.memory_space<vmem>>, vector<16xf32>,
        tpu.vector_store %arg13[%swap3A_801, %swap3A_802], %unpack3A_791 {strides = array<i32>} : memref<4x512xf32, #tpu.memory_space<vmem>>, vector<16xf32>,
      }
      %scan3A_74 = arith.constant 32 : i32
      %mul3A_75 = arith.constant 512 : i32
      %mul3A_76 = arith.muli %mul3A_46, %mul3A_75 : i32
      %add3A_77 = arith.addi %mul3A_0, %mul3A_76 : i32
      %add3A_78 = arith.constant 64 : i32
      %add3A_79 = arith.addi %add3A_78, %mul3A_2 : i32
      %dma_start3A_80 = tpu.memref_slice %arg5[%mul3A_2, %add3A_77] : memref<128x10240xf32, #tpu.memory_space<hbm>> -> memref<4x512xf32, #tpu.memory_space<hbm>>
      %dma_start3A_81 = tpu.memref_slice %arg5[%mul3A_2, %add3A_77] : memref<128x10240xf32, #tpu.memory_space<hbm>> -> memref<4x512xf32, #tpu.memory_space<hbm>>
      tpu.enqueue_dma source(%arg11 : memref<4x512xf32, #tpu.memory_space<vmem>>) target(%dma_start3A_81 : memref<4x512xf32, #tpu.memory_space<hbm>>) target_semaphore(%arg17 : memref<!tpu.dma_semaphore, #tpu.memory_space<semaphore_mem>>)
      %dma_start3A_82 = tpu.memref_slice %arg5[%add3A_79, %add3A_77] : memref<128x10240xf32, #tpu.memory_space<hbm>> -> memref<4x512xf32, #tpu.memory_space<hbm>>
      %dma_start3A_83 = tpu.memref_slice %arg5[%add3A_79, %add3A_77] : memref<128x10240xf32, #tpu.memory_space<hbm>> -> memref<4x512xf32, #tpu.memory_space<hbm>>
      tpu.enqueue_dma source(%arg13 : memref<4x512xf32, #tpu.memory_space<vmem>>) target(%dma_start3A_83 : memref<4x512xf32, #tpu.memory_space<hbm>>) target_semaphore(%arg17 : memref<!tpu.dma_semaphore, #tpu.memory_space<semaphore_mem>>)
      %lt3A = arith.constant 4 : i32
      %lt3A_84 = arith.cmpi slt, %scan3A_44, %lt3A : i32
      %convert_element_type3A_85 = arith.extui %lt3A_84 : i1 to i32
      %cond3A_86 = arith.constant 0 : i32
      %cond3A_87 = arith.cmpi ne, %convert_element_type3A_85, %cond3A_86 : i32
      scf.if %cond3A_87 {
        %add3A_121 = arith.constant 2 : i32
        %add3A_122 = arith.addi %mul3A_46, %add3A_121 : i32
        %mul3A_123 = arith.constant 512 : i32
        %mul3A_124 = arith.muli %add3A_122, %mul3A_123 : i32
        %add3A_125 = arith.addi %mul3A_0, %mul3A_124 : i32
        %dma_start3A_126 = arith.constant 0 : i32
        %dma_start3A_127 = tpu.memref_slice %arg2[%dma_start3A_126, %add3A_125] : memref<16x10240xi32, #tpu.memory_space<hbm>> -> memref<16x512xi32, #tpu.memory_space<hbm>>
        %dma_start3A_128 = arith.constant 0 : i32
        %dma_start3A_129 = tpu.memref_slice %arg2[%dma_start3A_128, %add3A_125] : memref<16x10240xi32, #tpu.memory_space<hbm>> -> memref<16x512xi32, #tpu.memory_space<hbm>>
        tpu.enqueue_dma source(%dma_start3A_129 : memref<16x512xi32, #tpu.memory_space<hbm>>) target(%arg7 : memref<16x512xi32, #tpu.memory_space<vmem>>) target_semaphore(%arg15 : memref<!tpu.dma_semaphore, #tpu.memory_space<semaphore_mem>>)
        %dma_start3A_130 = tpu.memref_slice %arg3[%mul3A_2, %add3A_125] : memref<64x10240xi32, #tpu.memory_space<hbm>> -> memref<4x512xi32, #tpu.memory_space<hbm>>
        %dma_start3A_131 = tpu.memref_slice %arg3[%mul3A_2, %add3A_125] : memref<64x10240xi32, #tpu.memory_space<hbm>> -> memref<4x512xi32, #tpu.memory_space<hbm>>
        tpu.enqueue_dma source(%dma_start3A_131 : memref<4x512xi32, #tpu.memory_space<hbm>>) target(%arg9 : memref<4x512xi32, #tpu.memory_space<vmem>>) target_semaphore(%arg15 : memref<!tpu.dma_semaphore, #tpu.memory_space<semaphore_mem>>)
      } else {
      }
      %add3A_88 = arith.constant 1 : i32
      %add3A_89 = arith.addi %mul3A_46, %add3A_88 : i32
      %mul3A_90 = arith.constant 512 : i32
      %mul3A_91 = arith.muli %add3A_89, %mul3A_90 : i32
      %add3A_92 = arith.addi %mul3A_0, %mul3A_91 : i32
      %dma_wait3A_93 = arith.constant 0 : i32
      %dma_wait3A_94 = tpu.memref_slice %arg2[%dma_wait3A_93, %add3A_92] : memref<16x10240xi32, #tpu.memory_space<hbm>> -> memref<16x512xi32, #tpu.memory_space<hbm>>
      %dma_wait3A_95 = arith.constant 0 : i32
      %dma_wait3A_96 = tpu.memref_slice %arg2[%dma_wait3A_95, %add3A_92] : memref<16x10240xi32, #tpu.memory_space<hbm>> -> memref<16x512xi32, #tpu.memory_space<hbm>>
      tpu.wait_dma2 semaphore(%arg16 : memref<!tpu.dma_semaphore, #tpu.memory_space<semaphore_mem>>) src(%dma_wait3A_96 : memref<16x512xi32, #tpu.memory_space<hbm>>) dst(%arg8 : memref<16x512xi32, #tpu.memory_space<vmem>>)
      %dma_wait3A_97 = tpu.memref_slice %arg3[%mul3A_2, %add3A_92] : memref<64x10240xi32, #tpu.memory_space<hbm>> -> memref<4x512xi32, #tpu.memory_space<hbm>>
      %dma_wait3A_98 = tpu.memref_slice %arg3[%mul3A_2, %add3A_92] : memref<64x10240xi32, #tpu.memory_space<hbm>> -> memref<4x512xi32, #tpu.memory_space<hbm>>
      tpu.wait_dma2 semaphore(%arg16 : memref<!tpu.dma_semaphore, #tpu.memory_space<semaphore_mem>>) src(%dma_wait3A_98 : memref<4x512xi32, #tpu.memory_space<hbm>>) dst(%arg10 : memref<4x512xi32, #tpu.memory_space<vmem>>)
      %gt3A_99 = arith.constant 0 : i32
      %gt3A_100 = arith.cmpi sgt, %scan3A_44, %gt3A_99 : i32
      %convert_element_type3A_101 = arith.extui %gt3A_100 : i1 to i32
      %cond3A_102 = arith.constant 0 : i32
      %cond3A_103 = arith.cmpi ne, %convert_element_type3A_101, %cond3A_102 : i32
      scf.if %cond3A_103 {
        %sub3A = arith.constant 1 : i32
        %sub3A_121 = arith.subi %mul3A_46, %sub3A : i32
        %mul3A_122 = arith.constant 512 : i32
        %mul3A_123 = arith.muli %sub3A_121, %mul3A_122 : i32
        %add3A_124 = arith.addi %mul3A_0, %mul3A_123 : i32
        %add3A_125 = arith.constant 64 : i32
        %add3A_126 = arith.addi %add3A_125, %mul3A_2 : i32
        %dma_wait3A_127 = tpu.memref_slice %arg5[%mul3A_2, %add3A_124] : memref<128x10240xf32, #tpu.memory_space<hbm>> -> memref<4x512xf32, #tpu.memory_space<hbm>>
        %dma_wait3A_128 = tpu.memref_slice %arg5[%mul3A_2, %add3A_124] : memref<128x10240xf32, #tpu.memory_space<hbm>> -> memref<4x512xf32, #tpu.memory_space<hbm>>
        tpu.wait_dma2 semaphore(%arg18 : memref<!tpu.dma_semaphore, #tpu.memory_space<semaphore_mem>>) src(%arg12 : memref<4x512xf32, #tpu.memory_space<vmem>>) dst(%dma_wait3A_128 : memref<4x512xf32, #tpu.memory_space<hbm>>)
        %dma_wait3A_129 = tpu.memref_slice %arg5[%add3A_126, %add3A_124] : memref<128x10240xf32, #tpu.memory_space<hbm>> -> memref<4x512xf32, #tpu.memory_space<hbm>>
        %dma_wait3A_130 = tpu.memref_slice %arg5[%add3A_126, %add3A_124] : memref<128x10240xf32, #tpu.memory_space<hbm>> -> memref<4x512xf32, #tpu.memory_space<hbm>>
        tpu.wait_dma2 semaphore(%arg18 : memref<!tpu.dma_semaphore, #tpu.memory_space<semaphore_mem>>) src(%arg14 : memref<4x512xf32, #tpu.memory_space<vmem>>) dst(%dma_wait3A_130 : memref<4x512xf32, #tpu.memory_space<hbm>>)
      } else {
      }
      %scan3A_104 = arith.constant 0 : i32
      %scan3A_105 = arith.constant 0 : i32
      %scan3A_106 = arith.constant 32 : i32
      %scan3A_107 = arith.addi %scan3A_105, %scan3A_106 : i32
      %scan3A_108 = arith.constant 1 : i32
      scf.for %scan3A_121 = %scan3A_105 to %scan3A_107 step %scan3A_108  : i32 {
        %mul3A_122 = arith.constant 16 : i32
        %mul3A_123 = arith.muli %scan3A_121, %mul3A_122 : i32
        %get3A = arith.constant 0 : i32
        %get3A_124 = arith.index_cast %get3A : i32 to index
        %get3A_125 = arith.index_cast %mul3A_123 : i32 to index
        %get3A_126 = tpu.vector_load %arg10[%get3A_124, %get3A_125] {strides = array<i32>} : memref<4x512xi32, #tpu.memory_space<vmem>>, vector<16xi32>,
        %bitcast3A = vector.bitcast %get3A_126 : vector<16xi32> to vector<32xbf16>
        %mul3A_127 = arith.constant 16 : i32
        %mul3A_128 = arith.muli %scan3A_121, %mul3A_127 : i32
        %get3A_129 = arith.constant 1 : i32
        %get3A_130 = arith.index_cast %get3A_129 : i32 to index
        %get3A_131 = arith.index_cast %mul3A_128 : i32 to index
        %get3A_132 = tpu.vector_load %arg10[%get3A_130, %get3A_131] {strides = array<i32>} : memref<4x512xi32, #tpu.memory_space<vmem>>, vector<16xi32>,
        %bitcast3A_133 = vector.bitcast %get3A_132 : vector<16xi32> to vector<32xbf16>
        %mul3A_134 = arith.constant 16 : i32
        %mul3A_135 = arith.muli %scan3A_121, %mul3A_134 : i32
        %get3A_136 = arith.constant 2 : i32
        %get3A_137 = arith.index_cast %get3A_136 : i32 to index
        %get3A_138 = arith.index_cast %mul3A_135 : i32 to index
        %get3A_139 = tpu.vector_load %arg10[%get3A_137, %get3A_138] {strides = array<i32>} : memref<4x512xi32, #tpu.memory_space<vmem>>, vector<16xi32>,
        %bitcast3A_140 = vector.bitcast %get3A_139 : vector<16xi32> to vector<32xbf16>
        %mul3A_141 = arith.constant 16 : i32
        %mul3A_142 = arith.muli %scan3A_121, %mul3A_141 : i32
        %get3A_143 = arith.constant 3 : i32
        %get3A_144 = arith.index_cast %get3A_143 : i32 to index
        %get3A_145 = arith.index_cast %mul3A_142 : i32 to index
        %get3A_146 = tpu.vector_load %arg10[%get3A_144, %get3A_145] {strides = array<i32>} : memref<4x512xi32, #tpu.memory_space<vmem>>, vector<16xi32>,
        %bitcast3A_147 = vector.bitcast %get3A_146 : vector<16xi32> to vector<32xbf16>
        %mul3A_148 = arith.constant 16 : i32
        %mul3A_149 = arith.muli %scan3A_121, %mul3A_148 : i32
        %get3A_150 = arith.constant 0 : i32
        %get3A_151 = arith.index_cast %get3A_150 : i32 to index
        %get3A_152 = arith.index_cast %mul3A_149 : i32 to index
        %get3A_153 = tpu.vector_load %arg8[%get3A_151, %get3A_152] {strides = array<i32>} : memref<16x512xi32, #tpu.memory_space<vmem>>, vector<16xi32>,
        %add3A_154 = arith.addi %get3A_153, %broadcast_in_dim3A_10 : vector<16xi32>
        %gather3A = tpu.vector_load_idx %arg6[%add3A_154] : memref<40960xi32, #tpu.memory_space<vmem>>[vector<16xi32>], vector<16xi32>,
        %bitcast3A_155 = vector.bitcast %gather3A : vector<16xi32> to vector<32xbf16>
        %add3A_156 = arith.addf %bitcast3A, %bitcast3A_155 : vector<32xbf16>
        %max3A = arith.constant 0.000000e+00 : bf16
        %max3A_157 = vector.broadcast %max3A : bf16 to vector<32xbf16>
        %max3A_158 = arith.maximumf %add3A_156, %max3A_157 : vector<32xbf16>
        %add3A_159 = arith.addi %get3A_153, %broadcast_in_dim3A_12 : vector<16xi32>
        %gather3A_160 = tpu.vector_load_idx %arg6[%add3A_159] : memref<40960xi32, #tpu.memory_space<vmem>>[vector<16xi32>], vector<16xi32>,
        %bitcast3A_161 = vector.bitcast %gather3A_160 : vector<16xi32> to vector<32xbf16>
        %add3A_162 = arith.addf %bitcast3A_133, %bitcast3A_161 : vector<32xbf16>
        %max3A_163 = arith.constant 0.000000e+00 : bf16
        %max3A_164 = vector.broadcast %max3A_163 : bf16 to vector<32xbf16>
        %max3A_165 = arith.maximumf %add3A_162, %max3A_164 : vector<32xbf16>
        %add3A_166 = arith.addi %get3A_153, %broadcast_in_dim3A_14 : vector<16xi32>
        %gather3A_167 = tpu.vector_load_idx %arg6[%add3A_166] : memref<40960xi32, #tpu.memory_space<vmem>>[vector<16xi32>], vector<16xi32>,
        %bitcast3A_168 = vector.bitcast %gather3A_167 : vector<16xi32> to vector<32xbf16>
        %add3A_169 = arith.addf %bitcast3A_140, %bitcast3A_168 : vector<32xbf16>
        %max3A_170 = arith.constant 0.000000e+00 : bf16
        %max3A_171 = vector.broadcast %max3A_170 : bf16 to vector<32xbf16>
        %max3A_172 = arith.maximumf %add3A_169, %max3A_171 : vector<32xbf16>
        %add3A_173 = arith.addi %get3A_153, %broadcast_in_dim3A_16 : vector<16xi32>
        %gather3A_174 = tpu.vector_load_idx %arg6[%add3A_173] : memref<40960xi32, #tpu.memory_space<vmem>>[vector<16xi32>], vector<16xi32>,
        %bitcast3A_175 = vector.bitcast %gather3A_174 : vector<16xi32> to vector<32xbf16>
        %add3A_176 = arith.addf %bitcast3A_147, %bitcast3A_175 : vector<32xbf16>
        %max3A_177 = arith.constant 0.000000e+00 : bf16
        %max3A_178 = vector.broadcast %max3A_177 : bf16 to vector<32xbf16>
        %max3A_179 = arith.maximumf %add3A_176, %max3A_178 : vector<32xbf16>
        %mul3A_180 = arith.constant 16 : i32
        %mul3A_181 = arith.muli %scan3A_121, %mul3A_180 : i32
        %get3A_182 = arith.constant 1 : i32
        %get3A_183 = arith.index_cast %get3A_182 : i32 to index
        %get3A_184 = arith.index_cast %mul3A_181 : i32 to index
        %get3A_185 = tpu.vector_load %arg8[%get3A_183, %get3A_184] {strides = array<i32>} : memref<16x512xi32, #tpu.memory_space<vmem>>, vector<16xi32>,
        %add3A_186 = arith.addi %get3A_185, %broadcast_in_dim3A_10 : vector<16xi32>
        %gather3A_187 = tpu.vector_load_idx %arg6[%add3A_186] : memref<40960xi32, #tpu.memory_space<vmem>>[vector<16xi32>], vector<16xi32>,
        %bitcast3A_188 = vector.bitcast %gather3A_187 : vector<16xi32> to vector<32xbf16>
        %add3A_189 = arith.addf %bitcast3A, %bitcast3A_188 : vector<32xbf16>
        %max3A_190 = arith.constant 0.000000e+00 : bf16
        %max3A_191 = vector.broadcast %max3A_190 : bf16 to vector<32xbf16>
        %max3A_192 = arith.maximumf %add3A_189, %max3A_191 : vector<32xbf16>
        %add3A_193 = arith.addf %max3A_158, %max3A_192 : vector<32xbf16>
        %add3A_194 = arith.addi %get3A_185, %broadcast_in_dim3A_12 : vector<16xi32>
        %gather3A_195 = tpu.vector_load_idx %arg6[%add3A_194] : memref<40960xi32, #tpu.memory_space<vmem>>[vector<16xi32>], vector<16xi32>,
        %bitcast3A_196 = vector.bitcast %gather3A_195 : vector<16xi32> to vector<32xbf16>
        %add3A_197 = arith.addf %bitcast3A_133, %bitcast3A_196 : vector<32xbf16>
        %max3A_198 = arith.constant 0.000000e+00 : bf16
        %max3A_199 = vector.broadcast %max3A_198 : bf16 to vector<32xbf16>
        %max3A_200 = arith.maximumf %add3A_197, %max3A_199 : vector<32xbf16>
        %add3A_201 = arith.addf %max3A_165, %max3A_200 : vector<32xbf16>
        %add3A_202 = arith.addi %get3A_185, %broadcast_in_dim3A_14 : vector<16xi32>
        %gather3A_203 = tpu.vector_load_idx %arg6[%add3A_202] : memref<40960xi32, #tpu.memory_space<vmem>>[vector<16xi32>], vector<16xi32>,
        %bitcast3A_204 = vector.bitcast %gather3A_203 : vector<16xi32> to vector<32xbf16>
        %add3A_205 = arith.addf %bitcast3A_140, %bitcast3A_204 : vector<32xbf16>
        %max3A_206 = arith.constant 0.000000e+00 : bf16
        %max3A_207 = vector.broadcast %max3A_206 : bf16 to vector<32xbf16>
        %max3A_208 = arith.maximumf %add3A_205, %max3A_207 : vector<32xbf16>
        %add3A_209 = arith.addf %max3A_172, %max3A_208 : vector<32xbf16>
        %add3A_210 = arith.addi %get3A_185, %broadcast_in_dim3A_16 : vector<16xi32>
        %gather3A_211 = tpu.vector_load_idx %arg6[%add3A_210] : memref<40960xi32, #tpu.memory_space<vmem>>[vector<16xi32>], vector<16xi32>,
        %bitcast3A_212 = vector.bitcast %gather3A_211 : vector<16xi32> to vector<32xbf16>
        %add3A_213 = arith.addf %bitcast3A_147, %bitcast3A_212 : vector<32xbf16>
        %max3A_214 = arith.constant 0.000000e+00 : bf16
        %max3A_215 = vector.broadcast %max3A_214 : bf16 to vector<32xbf16>
        %max3A_216 = arith.maximumf %add3A_213, %max3A_215 : vector<32xbf16>
        %add3A_217 = arith.addf %max3A_179, %max3A_216 : vector<32xbf16>
        %mul3A_218 = arith.constant 16 : i32
        %mul3A_219 = arith.muli %scan3A_121, %mul3A_218 : i32
        %get3A_220 = arith.constant 2 : i32
        %get3A_221 = arith.index_cast %get3A_220 : i32 to index
        %get3A_222 = arith.index_cast %mul3A_219 : i32 to index
        %get3A_223 = tpu.vector_load %arg8[%get3A_221, %get3A_222] {strides = array<i32>} : memref<16x512xi32, #tpu.memory_space<vmem>>, vector<16xi32>,
        %add3A_224 = arith.addi %get3A_223, %broadcast_in_dim3A_10 : vector<16xi32>
        %gather3A_225 = tpu.vector_load_idx %arg6[%add3A_224] : memref<40960xi32, #tpu.memory_space<vmem>>[vector<16xi32>], vector<16xi32>,
        %bitcast3A_226 = vector.bitcast %gather3A_225 : vector<16xi32> to vector<32xbf16>
        %add3A_227 = arith.addf %bitcast3A, %bitcast3A_226 : vector<32xbf16>
        %max3A_228 = arith.constant 0.000000e+00 : bf16
        %max3A_229 = vector.broadcast %max3A_228 : bf16 to vector<32xbf16>
        %max3A_230 = arith.maximumf %add3A_227, %max3A_229 : vector<32xbf16>
        %add3A_231 = arith.addf %add3A_193, %max3A_230 : vector<32xbf16>
        %add3A_232 = arith.addi %get3A_223, %broadcast_in_dim3A_12 : vector<16xi32>
        %gather3A_233 = tpu.vector_load_idx %arg6[%add3A_232] : memref<40960xi32, #tpu.memory_space<vmem>>[vector<16xi32>], vector<16xi32>,
        %bitcast3A_234 = vector.bitcast %gather3A_233 : vector<16xi32> to vector<32xbf16>
        %add3A_235 = arith.addf %bitcast3A_133, %bitcast3A_234 : vector<32xbf16>
        %max3A_236 = arith.constant 0.000000e+00 : bf16
        %max3A_237 = vector.broadcast %max3A_236 : bf16 to vector<32xbf16>
        %max3A_238 = arith.maximumf %add3A_235, %max3A_237 : vector<32xbf16>
        %add3A_239 = arith.addf %add3A_201, %max3A_238 : vector<32xbf16>
        %add3A_240 = arith.addi %get3A_223, %broadcast_in_dim3A_14 : vector<16xi32>
        %gather3A_241 = tpu.vector_load_idx %arg6[%add3A_240] : memref<40960xi32, #tpu.memory_space<vmem>>[vector<16xi32>], vector<16xi32>,
        %bitcast3A_242 = vector.bitcast %gather3A_241 : vector<16xi32> to vector<32xbf16>
        %add3A_243 = arith.addf %bitcast3A_140, %bitcast3A_242 : vector<32xbf16>
        %max3A_244 = arith.constant 0.000000e+00 : bf16
        %max3A_245 = vector.broadcast %max3A_244 : bf16 to vector<32xbf16>
        %max3A_246 = arith.maximumf %add3A_243, %max3A_245 : vector<32xbf16>
        %add3A_247 = arith.addf %add3A_209, %max3A_246 : vector<32xbf16>
        %add3A_248 = arith.addi %get3A_223, %broadcast_in_dim3A_16 : vector<16xi32>
        %gather3A_249 = tpu.vector_load_idx %arg6[%add3A_248] : memref<40960xi32, #tpu.memory_space<vmem>>[vector<16xi32>], vector<16xi32>,
        %bitcast3A_250 = vector.bitcast %gather3A_249 : vector<16xi32> to vector<32xbf16>
        %add3A_251 = arith.addf %bitcast3A_147, %bitcast3A_250 : vector<32xbf16>
        %max3A_252 = arith.constant 0.000000e+00 : bf16
        %max3A_253 = vector.broadcast %max3A_252 : bf16 to vector<32xbf16>
        %max3A_254 = arith.maximumf %add3A_251, %max3A_253 : vector<32xbf16>
        %add3A_255 = arith.addf %add3A_217, %max3A_254 : vector<32xbf16>
        %mul3A_256 = arith.constant 16 : i32
        %mul3A_257 = arith.muli %scan3A_121, %mul3A_256 : i32
        %get3A_258 = arith.constant 3 : i32
        %get3A_259 = arith.index_cast %get3A_258 : i32 to index
        %get3A_260 = arith.index_cast %mul3A_257 : i32 to index
        %get3A_261 = tpu.vector_load %arg8[%get3A_259, %get3A_260] {strides = array<i32>} : memref<16x512xi32, #tpu.memory_space<vmem>>, vector<16xi32>,
        %add3A_262 = arith.addi %get3A_261, %broadcast_in_dim3A_10 : vector<16xi32>
        %gather3A_263 = tpu.vector_load_idx %arg6[%add3A_262] : memref<40960xi32, #tpu.memory_space<vmem>>[vector<16xi32>], vector<16xi32>,
        %bitcast3A_264 = vector.bitcast %gather3A_263 : vector<16xi32> to vector<32xbf16>
        %add3A_265 = arith.addf %bitcast3A, %bitcast3A_264 : vector<32xbf16>
        %max3A_266 = arith.constant 0.000000e+00 : bf16
        %max3A_267 = vector.broadcast %max3A_266 : bf16 to vector<32xbf16>
        %max3A_268 = arith.maximumf %add3A_265, %max3A_267 : vector<32xbf16>
        %add3A_269 = arith.addf %add3A_231, %max3A_268 : vector<32xbf16>
        %add3A_270 = arith.addi %get3A_261, %broadcast_in_dim3A_12 : vector<16xi32>
        %gather3A_271 = tpu.vector_load_idx %arg6[%add3A_270] : memref<40960xi32, #tpu.memory_space<vmem>>[vector<16xi32>], vector<16xi32>,
        %bitcast3A_272 = vector.bitcast %gather3A_271 : vector<16xi32> to vector<32xbf16>
        %add3A_273 = arith.addf %bitcast3A_133, %bitcast3A_272 : vector<32xbf16>
        %max3A_274 = arith.constant 0.000000e+00 : bf16
        %max3A_275 = vector.broadcast %max3A_274 : bf16 to vector<32xbf16>
        %max3A_276 = arith.maximumf %add3A_273, %max3A_275 : vector<32xbf16>
        %add3A_277 = arith.addf %add3A_239, %max3A_276 : vector<32xbf16>
        %add3A_278 = arith.addi %get3A_261, %broadcast_in_dim3A_14 : vector<16xi32>
        %gather3A_279 = tpu.vector_load_idx %arg6[%add3A_278] : memref<40960xi32, #tpu.memory_space<vmem>>[vector<16xi32>], vector<16xi32>,
        %bitcast3A_280 = vector.bitcast %gather3A_279 : vector<16xi32> to vector<32xbf16>
        %add3A_281 = arith.addf %bitcast3A_140, %bitcast3A_280 : vector<32xbf16>
        %max3A_282 = arith.constant 0.000000e+00 : bf16
        %max3A_283 = vector.broadcast %max3A_282 : bf16 to vector<32xbf16>
        %max3A_284 = arith.maximumf %add3A_281, %max3A_283 : vector<32xbf16>
        %add3A_285 = arith.addf %add3A_247, %max3A_284 : vector<32xbf16>
        %add3A_286 = arith.addi %get3A_261, %broadcast_in_dim3A_16 : vector<16xi32>
        %gather3A_287 = tpu.vector_load_idx %arg6[%add3A_286] : memref<40960xi32, #tpu.memory_space<vmem>>[vector<16xi32>], vector<16xi32>,
        %bitcast3A_288 = vector.bitcast %gather3A_287 : vector<16xi32> to vector<32xbf16>
        %add3A_289 = arith.addf %bitcast3A_147, %bitcast3A_288 : vector<32xbf16>
        %max3A_290 = arith.constant 0.000000e+00 : bf16
        %max3A_291 = vector.broadcast %max3A_290 : bf16 to vector<32xbf16>
        %max3A_292 = arith.maximumf %add3A_289, %max3A_291 : vector<32xbf16>
        %add3A_293 = arith.addf %add3A_255, %max3A_292 : vector<32xbf16>
        %mul3A_294 = arith.constant 16 : i32
        %mul3A_295 = arith.muli %scan3A_121, %mul3A_294 : i32
        %get3A_296 = arith.constant 4 : i32
        %get3A_297 = arith.index_cast %get3A_296 : i32 to index
        %get3A_298 = arith.index_cast %mul3A_295 : i32 to index
        %get3A_299 = tpu.vector_load %arg8[%get3A_297, %get3A_298] {strides = array<i32>} : memref<16x512xi32, #tpu.memory_space<vmem>>, vector<16xi32>,
        %add3A_300 = arith.addi %get3A_299, %broadcast_in_dim3A_10 : vector<16xi32>
        %gather3A_301 = tpu.vector_load_idx %arg6[%add3A_300] : memref<40960xi32, #tpu.memory_space<vmem>>[vector<16xi32>], vector<16xi32>,
        %bitcast3A_302 = vector.bitcast %gather3A_301 : vector<16xi32> to vector<32xbf16>
        %add3A_303 = arith.addf %bitcast3A, %bitcast3A_302 : vector<32xbf16>
        %max3A_304 = arith.constant 0.000000e+00 : bf16
        %max3A_305 = vector.broadcast %max3A_304 : bf16 to vector<32xbf16>
        %max3A_306 = arith.maximumf %add3A_303, %max3A_305 : vector<32xbf16>
        %add3A_307 = arith.addf %add3A_269, %max3A_306 : vector<32xbf16>
        %add3A_308 = arith.addi %get3A_299, %broadcast_in_dim3A_12 : vector<16xi32>
        %gather3A_309 = tpu.vector_load_idx %arg6[%add3A_308] : memref<40960xi32, #tpu.memory_space<vmem>>[vector<16xi32>], vector<16xi32>,
        %bitcast3A_310 = vector.bitcast %gather3A_309 : vector<16xi32> to vector<32xbf16>
        %add3A_311 = arith.addf %bitcast3A_133, %bitcast3A_310 : vector<32xbf16>
        %max3A_312 = arith.constant 0.000000e+00 : bf16
        %max3A_313 = vector.broadcast %max3A_312 : bf16 to vector<32xbf16>
        %max3A_314 = arith.maximumf %add3A_311, %max3A_313 : vector<32xbf16>
        %add3A_315 = arith.addf %add3A_277, %max3A_314 : vector<32xbf16>
        %add3A_316 = arith.addi %get3A_299, %broadcast_in_dim3A_14 : vector<16xi32>
        %gather3A_317 = tpu.vector_load_idx %arg6[%add3A_316] : memref<40960xi32, #tpu.memory_space<vmem>>[vector<16xi32>], vector<16xi32>,
        %bitcast3A_318 = vector.bitcast %gather3A_317 : vector<16xi32> to vector<32xbf16>
        %add3A_319 = arith.addf %bitcast3A_140, %bitcast3A_318 : vector<32xbf16>
        %max3A_320 = arith.constant 0.000000e+00 : bf16
        %max3A_321 = vector.broadcast %max3A_320 : bf16 to vector<32xbf16>
        %max3A_322 = arith.maximumf %add3A_319, %max3A_321 : vector<32xbf16>
        %add3A_323 = arith.addf %add3A_285, %max3A_322 : vector<32xbf16>
        %add3A_324 = arith.addi %get3A_299, %broadcast_in_dim3A_16 : vector<16xi32>
        %gather3A_325 = tpu.vector_load_idx %arg6[%add3A_324] : memref<40960xi32, #tpu.memory_space<vmem>>[vector<16xi32>], vector<16xi32>,
        %bitcast3A_326 = vector.bitcast %gather3A_325 : vector<16xi32> to vector<32xbf16>
        %add3A_327 = arith.addf %bitcast3A_147, %bitcast3A_326 : vector<32xbf16>
        %max3A_328 = arith.constant 0.000000e+00 : bf16
        %max3A_329 = vector.broadcast %max3A_328 : bf16 to vector<32xbf16>
        %max3A_330 = arith.maximumf %add3A_327, %max3A_329 : vector<32xbf16>
        %add3A_331 = arith.addf %add3A_293, %max3A_330 : vector<32xbf16>
        %mul3A_332 = arith.constant 16 : i32
        %mul3A_333 = arith.muli %scan3A_121, %mul3A_332 : i32
        %get3A_334 = arith.constant 5 : i32
        %get3A_335 = arith.index_cast %get3A_334 : i32 to index
        %get3A_336 = arith.index_cast %mul3A_333 : i32 to index
        %get3A_337 = tpu.vector_load %arg8[%get3A_335, %get3A_336] {strides = array<i32>} : memref<16x512xi32, #tpu.memory_space<vmem>>, vector<16xi32>,
        %add3A_338 = arith.addi %get3A_337, %broadcast_in_dim3A_10 : vector<16xi32>
        %gather3A_339 = tpu.vector_load_idx %arg6[%add3A_338] : memref<40960xi32, #tpu.memory_space<vmem>>[vector<16xi32>], vector<16xi32>,
        %bitcast3A_340 = vector.bitcast %gather3A_339 : vector<16xi32> to vector<32xbf16>
        %add3A_341 = arith.addf %bitcast3A, %bitcast3A_340 : vector<32xbf16>
        %max3A_342 = arith.constant 0.000000e+00 : bf16
        %max3A_343 = vector.broadcast %max3A_342 : bf16 to vector<32xbf16>
        %max3A_344 = arith.maximumf %add3A_341, %max3A_343 : vector<32xbf16>
        %add3A_345 = arith.addf %add3A_307, %max3A_344 : vector<32xbf16>
        %add3A_346 = arith.addi %get3A_337, %broadcast_in_dim3A_12 : vector<16xi32>
        %gather3A_347 = tpu.vector_load_idx %arg6[%add3A_346] : memref<40960xi32, #tpu.memory_space<vmem>>[vector<16xi32>], vector<16xi32>,
        %bitcast3A_348 = vector.bitcast %gather3A_347 : vector<16xi32> to vector<32xbf16>
        %add3A_349 = arith.addf %bitcast3A_133, %bitcast3A_348 : vector<32xbf16>
        %max3A_350 = arith.constant 0.000000e+00 : bf16
        %max3A_351 = vector.broadcast %max3A_350 : bf16 to vector<32xbf16>
        %max3A_352 = arith.maximumf %add3A_349, %max3A_351 : vector<32xbf16>
        %add3A_353 = arith.addf %add3A_315, %max3A_352 : vector<32xbf16>
        %add3A_354 = arith.addi %get3A_337, %broadcast_in_dim3A_14 : vector<16xi32>
        %gather3A_355 = tpu.vector_load_idx %arg6[%add3A_354] : memref<40960xi32, #tpu.memory_space<vmem>>[vector<16xi32>], vector<16xi32>,
        %bitcast3A_356 = vector.bitcast %gather3A_355 : vector<16xi32> to vector<32xbf16>
        %add3A_357 = arith.addf %bitcast3A_140, %bitcast3A_356 : vector<32xbf16>
        %max3A_358 = arith.constant 0.000000e+00 : bf16
        %max3A_359 = vector.broadcast %max3A_358 : bf16 to vector<32xbf16>
        %max3A_360 = arith.maximumf %add3A_357, %max3A_359 : vector<32xbf16>
        %add3A_361 = arith.addf %add3A_323, %max3A_360 : vector<32xbf16>
        %add3A_362 = arith.addi %get3A_337, %broadcast_in_dim3A_16 : vector<16xi32>
        %gather3A_363 = tpu.vector_load_idx %arg6[%add3A_362] : memref<40960xi32, #tpu.memory_space<vmem>>[vector<16xi32>], vector<16xi32>,
        %bitcast3A_364 = vector.bitcast %gather3A_363 : vector<16xi32> to vector<32xbf16>
        %add3A_365 = arith.addf %bitcast3A_147, %bitcast3A_364 : vector<32xbf16>
        %max3A_366 = arith.constant 0.000000e+00 : bf16
        %max3A_367 = vector.broadcast %max3A_366 : bf16 to vector<32xbf16>
        %max3A_368 = arith.maximumf %add3A_365, %max3A_367 : vector<32xbf16>
        %add3A_369 = arith.addf %add3A_331, %max3A_368 : vector<32xbf16>
        %mul3A_370 = arith.constant 16 : i32
        %mul3A_371 = arith.muli %scan3A_121, %mul3A_370 : i32
        %get3A_372 = arith.constant 6 : i32
        %get3A_373 = arith.index_cast %get3A_372 : i32 to index
        %get3A_374 = arith.index_cast %mul3A_371 : i32 to index
        %get3A_375 = tpu.vector_load %arg8[%get3A_373, %get3A_374] {strides = array<i32>} : memref<16x512xi32, #tpu.memory_space<vmem>>, vector<16xi32>,
        %add3A_376 = arith.addi %get3A_375, %broadcast_in_dim3A_10 : vector<16xi32>
        %gather3A_377 = tpu.vector_load_idx %arg6[%add3A_376] : memref<40960xi32, #tpu.memory_space<vmem>>[vector<16xi32>], vector<16xi32>,
        %bitcast3A_378 = vector.bitcast %gather3A_377 : vector<16xi32> to vector<32xbf16>
        %add3A_379 = arith.addf %bitcast3A, %bitcast3A_378 : vector<32xbf16>
        %max3A_380 = arith.constant 0.000000e+00 : bf16
        %max3A_381 = vector.broadcast %max3A_380 : bf16 to vector<32xbf16>
        %max3A_382 = arith.maximumf %add3A_379, %max3A_381 : vector<32xbf16>
        %add3A_383 = arith.addf %add3A_345, %max3A_382 : vector<32xbf16>
        %add3A_384 = arith.addi %get3A_375, %broadcast_in_dim3A_12 : vector<16xi32>
        %gather3A_385 = tpu.vector_load_idx %arg6[%add3A_384] : memref<40960xi32, #tpu.memory_space<vmem>>[vector<16xi32>], vector<16xi32>,
        %bitcast3A_386 = vector.bitcast %gather3A_385 : vector<16xi32> to vector<32xbf16>
        %add3A_387 = arith.addf %bitcast3A_133, %bitcast3A_386 : vector<32xbf16>
        %max3A_388 = arith.constant 0.000000e+00 : bf16
        %max3A_389 = vector.broadcast %max3A_388 : bf16 to vector<32xbf16>
        %max3A_390 = arith.maximumf %add3A_387, %max3A_389 : vector<32xbf16>
        %add3A_391 = arith.addf %add3A_353, %max3A_390 : vector<32xbf16>
        %add3A_392 = arith.addi %get3A_375, %broadcast_in_dim3A_14 : vector<16xi32>
        %gather3A_393 = tpu.vector_load_idx %arg6[%add3A_392] : memref<40960xi32, #tpu.memory_space<vmem>>[vector<16xi32>], vector<16xi32>,
        %bitcast3A_394 = vector.bitcast %gather3A_393 : vector<16xi32> to vector<32xbf16>
        %add3A_395 = arith.addf %bitcast3A_140, %bitcast3A_394 : vector<32xbf16>
        %max3A_396 = arith.constant 0.000000e+00 : bf16
        %max3A_397 = vector.broadcast %max3A_396 : bf16 to vector<32xbf16>
        %max3A_398 = arith.maximumf %add3A_395, %max3A_397 : vector<32xbf16>
        %add3A_399 = arith.addf %add3A_361, %max3A_398 : vector<32xbf16>
        %add3A_400 = arith.addi %get3A_375, %broadcast_in_dim3A_16 : vector<16xi32>
        %gather3A_401 = tpu.vector_load_idx %arg6[%add3A_400] : memref<40960xi32, #tpu.memory_space<vmem>>[vector<16xi32>], vector<16xi32>,
        %bitcast3A_402 = vector.bitcast %gather3A_401 : vector<16xi32> to vector<32xbf16>
        %add3A_403 = arith.addf %bitcast3A_147, %bitcast3A_402 : vector<32xbf16>
        %max3A_404 = arith.constant 0.000000e+00 : bf16
        %max3A_405 = vector.broadcast %max3A_404 : bf16 to vector<32xbf16>
        %max3A_406 = arith.maximumf %add3A_403, %max3A_405 : vector<32xbf16>
        %add3A_407 = arith.addf %add3A_369, %max3A_406 : vector<32xbf16>
        %mul3A_408 = arith.constant 16 : i32
        %mul3A_409 = arith.muli %scan3A_121, %mul3A_408 : i32
        %get3A_410 = arith.constant 7 : i32
        %get3A_411 = arith.index_cast %get3A_410 : i32 to index
        %get3A_412 = arith.index_cast %mul3A_409 : i32 to index
        %get3A_413 = tpu.vector_load %arg8[%get3A_411, %get3A_412] {strides = array<i32>} : memref<16x512xi32, #tpu.memory_space<vmem>>, vector<16xi32>,
        %add3A_414 = arith.addi %get3A_413, %broadcast_in_dim3A_10 : vector<16xi32>
        %gather3A_415 = tpu.vector_load_idx %arg6[%add3A_414] : memref<40960xi32, #tpu.memory_space<vmem>>[vector<16xi32>], vector<16xi32>,
        %bitcast3A_416 = vector.bitcast %gather3A_415 : vector<16xi32> to vector<32xbf16>
        %add3A_417 = arith.addf %bitcast3A, %bitcast3A_416 : vector<32xbf16>
        %max3A_418 = arith.constant 0.000000e+00 : bf16
        %max3A_419 = vector.broadcast %max3A_418 : bf16 to vector<32xbf16>
        %max3A_420 = arith.maximumf %add3A_417, %max3A_419 : vector<32xbf16>
        %add3A_421 = arith.addf %add3A_383, %max3A_420 : vector<32xbf16>
        %add3A_422 = arith.addi %get3A_413, %broadcast_in_dim3A_12 : vector<16xi32>
        %gather3A_423 = tpu.vector_load_idx %arg6[%add3A_422] : memref<40960xi32, #tpu.memory_space<vmem>>[vector<16xi32>], vector<16xi32>,
        %bitcast3A_424 = vector.bitcast %gather3A_423 : vector<16xi32> to vector<32xbf16>
        %add3A_425 = arith.addf %bitcast3A_133, %bitcast3A_424 : vector<32xbf16>
        %max3A_426 = arith.constant 0.000000e+00 : bf16
        %max3A_427 = vector.broadcast %max3A_426 : bf16 to vector<32xbf16>
        %max3A_428 = arith.maximumf %add3A_425, %max3A_427 : vector<32xbf16>
        %add3A_429 = arith.addf %add3A_391, %max3A_428 : vector<32xbf16>
        %add3A_430 = arith.addi %get3A_413, %broadcast_in_dim3A_14 : vector<16xi32>
        %gather3A_431 = tpu.vector_load_idx %arg6[%add3A_430] : memref<40960xi32, #tpu.memory_space<vmem>>[vector<16xi32>], vector<16xi32>,
        %bitcast3A_432 = vector.bitcast %gather3A_431 : vector<16xi32> to vector<32xbf16>
        %add3A_433 = arith.addf %bitcast3A_140, %bitcast3A_432 : vector<32xbf16>
        %max3A_434 = arith.constant 0.000000e+00 : bf16
        %max3A_435 = vector.broadcast %max3A_434 : bf16 to vector<32xbf16>
        %max3A_436 = arith.maximumf %add3A_433, %max3A_435 : vector<32xbf16>
        %add3A_437 = arith.addf %add3A_399, %max3A_436 : vector<32xbf16>
        %add3A_438 = arith.addi %get3A_413, %broadcast_in_dim3A_16 : vector<16xi32>
        %gather3A_439 = tpu.vector_load_idx %arg6[%add3A_438] : memref<40960xi32, #tpu.memory_space<vmem>>[vector<16xi32>], vector<16xi32>,
        %bitcast3A_440 = vector.bitcast %gather3A_439 : vector<16xi32> to vector<32xbf16>
        %add3A_441 = arith.addf %bitcast3A_147, %bitcast3A_440 : vector<32xbf16>
        %max3A_442 = arith.constant 0.000000e+00 : bf16
        %max3A_443 = vector.broadcast %max3A_442 : bf16 to vector<32xbf16>
        %max3A_444 = arith.maximumf %add3A_441, %max3A_443 : vector<32xbf16>
        %add3A_445 = arith.addf %add3A_407, %max3A_444 : vector<32xbf16>
        %mul3A_446 = arith.constant 16 : i32
        %mul3A_447 = arith.muli %scan3A_121, %mul3A_446 : i32
        %get3A_448 = arith.constant 8 : i32
        %get3A_449 = arith.index_cast %get3A_448 : i32 to index
        %get3A_450 = arith.index_cast %mul3A_447 : i32 to index
        %get3A_451 = tpu.vector_load %arg8[%get3A_449, %get3A_450] {strides = array<i32>} : memref<16x512xi32, #tpu.memory_space<vmem>>, vector<16xi32>,
        %add3A_452 = arith.addi %get3A_451, %broadcast_in_dim3A_10 : vector<16xi32>
        %gather3A_453 = tpu.vector_load_idx %arg6[%add3A_452] : memref<40960xi32, #tpu.memory_space<vmem>>[vector<16xi32>], vector<16xi32>,
        %bitcast3A_454 = vector.bitcast %gather3A_453 : vector<16xi32> to vector<32xbf16>
        %add3A_455 = arith.addf %bitcast3A, %bitcast3A_454 : vector<32xbf16>
        %max3A_456 = arith.constant 0.000000e+00 : bf16
        %max3A_457 = vector.broadcast %max3A_456 : bf16 to vector<32xbf16>
        %max3A_458 = arith.maximumf %add3A_455, %max3A_457 : vector<32xbf16>
        %add3A_459 = arith.addf %add3A_421, %max3A_458 : vector<32xbf16>
        %add3A_460 = arith.addi %get3A_451, %broadcast_in_dim3A_12 : vector<16xi32>
        %gather3A_461 = tpu.vector_load_idx %arg6[%add3A_460] : memref<40960xi32, #tpu.memory_space<vmem>>[vector<16xi32>], vector<16xi32>,
        %bitcast3A_462 = vector.bitcast %gather3A_461 : vector<16xi32> to vector<32xbf16>
        %add3A_463 = arith.addf %bitcast3A_133, %bitcast3A_462 : vector<32xbf16>
        %max3A_464 = arith.constant 0.000000e+00 : bf16
        %max3A_465 = vector.broadcast %max3A_464 : bf16 to vector<32xbf16>
        %max3A_466 = arith.maximumf %add3A_463, %max3A_465 : vector<32xbf16>
        %add3A_467 = arith.addf %add3A_429, %max3A_466 : vector<32xbf16>
        %add3A_468 = arith.addi %get3A_451, %broadcast_in_dim3A_14 : vector<16xi32>
        %gather3A_469 = tpu.vector_load_idx %arg6[%add3A_468] : memref<40960xi32, #tpu.memory_space<vmem>>[vector<16xi32>], vector<16xi32>,
        %bitcast3A_470 = vector.bitcast %gather3A_469 : vector<16xi32> to vector<32xbf16>
        %add3A_471 = arith.addf %bitcast3A_140, %bitcast3A_470 : vector<32xbf16>
        %max3A_472 = arith.constant 0.000000e+00 : bf16
        %max3A_473 = vector.broadcast %max3A_472 : bf16 to vector<32xbf16>
        %max3A_474 = arith.maximumf %add3A_471, %max3A_473 : vector<32xbf16>
        %add3A_475 = arith.addf %add3A_437, %max3A_474 : vector<32xbf16>
        %add3A_476 = arith.addi %get3A_451, %broadcast_in_dim3A_16 : vector<16xi32>
        %gather3A_477 = tpu.vector_load_idx %arg6[%add3A_476] : memref<40960xi32, #tpu.memory_space<vmem>>[vector<16xi32>], vector<16xi32>,
        %bitcast3A_478 = vector.bitcast %gather3A_477 : vector<16xi32> to vector<32xbf16>
        %add3A_479 = arith.addf %bitcast3A_147, %bitcast3A_478 : vector<32xbf16>
        %max3A_480 = arith.constant 0.000000e+00 : bf16
        %max3A_481 = vector.broadcast %max3A_480 : bf16 to vector<32xbf16>
        %max3A_482 = arith.maximumf %add3A_479, %max3A_481 : vector<32xbf16>
        %add3A_483 = arith.addf %add3A_445, %max3A_482 : vector<32xbf16>
        %mul3A_484 = arith.constant 16 : i32
        %mul3A_485 = arith.muli %scan3A_121, %mul3A_484 : i32
        %get3A_486 = arith.constant 9 : i32
        %get3A_487 = arith.index_cast %get3A_486 : i32 to index
        %get3A_488 = arith.index_cast %mul3A_485 : i32 to index
        %get3A_489 = tpu.vector_load %arg8[%get3A_487, %get3A_488] {strides = array<i32>} : memref<16x512xi32, #tpu.memory_space<vmem>>, vector<16xi32>,
        %add3A_490 = arith.addi %get3A_489, %broadcast_in_dim3A_10 : vector<16xi32>
        %gather3A_491 = tpu.vector_load_idx %arg6[%add3A_490] : memref<40960xi32, #tpu.memory_space<vmem>>[vector<16xi32>], vector<16xi32>,
        %bitcast3A_492 = vector.bitcast %gather3A_491 : vector<16xi32> to vector<32xbf16>
        %add3A_493 = arith.addf %bitcast3A, %bitcast3A_492 : vector<32xbf16>
        %max3A_494 = arith.constant 0.000000e+00 : bf16
        %max3A_495 = vector.broadcast %max3A_494 : bf16 to vector<32xbf16>
        %max3A_496 = arith.maximumf %add3A_493, %max3A_495 : vector<32xbf16>
        %add3A_497 = arith.addf %add3A_459, %max3A_496 : vector<32xbf16>
        %add3A_498 = arith.addi %get3A_489, %broadcast_in_dim3A_12 : vector<16xi32>
        %gather3A_499 = tpu.vector_load_idx %arg6[%add3A_498] : memref<40960xi32, #tpu.memory_space<vmem>>[vector<16xi32>], vector<16xi32>,
        %bitcast3A_500 = vector.bitcast %gather3A_499 : vector<16xi32> to vector<32xbf16>
        %add3A_501 = arith.addf %bitcast3A_133, %bitcast3A_500 : vector<32xbf16>
        %max3A_502 = arith.constant 0.000000e+00 : bf16
        %max3A_503 = vector.broadcast %max3A_502 : bf16 to vector<32xbf16>
        %max3A_504 = arith.maximumf %add3A_501, %max3A_503 : vector<32xbf16>
        %add3A_505 = arith.addf %add3A_467, %max3A_504 : vector<32xbf16>
        %add3A_506 = arith.addi %get3A_489, %broadcast_in_dim3A_14 : vector<16xi32>
        %gather3A_507 = tpu.vector_load_idx %arg6[%add3A_506] : memref<40960xi32, #tpu.memory_space<vmem>>[vector<16xi32>], vector<16xi32>,
        %bitcast3A_508 = vector.bitcast %gather3A_507 : vector<16xi32> to vector<32xbf16>
        %add3A_509 = arith.addf %bitcast3A_140, %bitcast3A_508 : vector<32xbf16>
        %max3A_510 = arith.constant 0.000000e+00 : bf16
        %max3A_511 = vector.broadcast %max3A_510 : bf16 to vector<32xbf16>
        %max3A_512 = arith.maximumf %add3A_509, %max3A_511 : vector<32xbf16>
        %add3A_513 = arith.addf %add3A_475, %max3A_512 : vector<32xbf16>
        %add3A_514 = arith.addi %get3A_489, %broadcast_in_dim3A_16 : vector<16xi32>
        %gather3A_515 = tpu.vector_load_idx %arg6[%add3A_514] : memref<40960xi32, #tpu.memory_space<vmem>>[vector<16xi32>], vector<16xi32>,
        %bitcast3A_516 = vector.bitcast %gather3A_515 : vector<16xi32> to vector<32xbf16>
        %add3A_517 = arith.addf %bitcast3A_147, %bitcast3A_516 : vector<32xbf16>
        %max3A_518 = arith.constant 0.000000e+00 : bf16
        %max3A_519 = vector.broadcast %max3A_518 : bf16 to vector<32xbf16>
        %max3A_520 = arith.maximumf %add3A_517, %max3A_519 : vector<32xbf16>
        %add3A_521 = arith.addf %add3A_483, %max3A_520 : vector<32xbf16>
        %mul3A_522 = arith.constant 16 : i32
        %mul3A_523 = arith.muli %scan3A_121, %mul3A_522 : i32
        %get3A_524 = arith.constant 10 : i32
        %get3A_525 = arith.index_cast %get3A_524 : i32 to index
        %get3A_526 = arith.index_cast %mul3A_523 : i32 to index
        %get3A_527 = tpu.vector_load %arg8[%get3A_525, %get3A_526] {strides = array<i32>} : memref<16x512xi32, #tpu.memory_space<vmem>>, vector<16xi32>,
        %add3A_528 = arith.addi %get3A_527, %broadcast_in_dim3A_10 : vector<16xi32>
        %gather3A_529 = tpu.vector_load_idx %arg6[%add3A_528] : memref<40960xi32, #tpu.memory_space<vmem>>[vector<16xi32>], vector<16xi32>,
        %bitcast3A_530 = vector.bitcast %gather3A_529 : vector<16xi32> to vector<32xbf16>
        %add3A_531 = arith.addf %bitcast3A, %bitcast3A_530 : vector<32xbf16>
        %max3A_532 = arith.constant 0.000000e+00 : bf16
        %max3A_533 = vector.broadcast %max3A_532 : bf16 to vector<32xbf16>
        %max3A_534 = arith.maximumf %add3A_531, %max3A_533 : vector<32xbf16>
        %add3A_535 = arith.addf %add3A_497, %max3A_534 : vector<32xbf16>
        %add3A_536 = arith.addi %get3A_527, %broadcast_in_dim3A_12 : vector<16xi32>
        %gather3A_537 = tpu.vector_load_idx %arg6[%add3A_536] : memref<40960xi32, #tpu.memory_space<vmem>>[vector<16xi32>], vector<16xi32>,
        %bitcast3A_538 = vector.bitcast %gather3A_537 : vector<16xi32> to vector<32xbf16>
        %add3A_539 = arith.addf %bitcast3A_133, %bitcast3A_538 : vector<32xbf16>
        %max3A_540 = arith.constant 0.000000e+00 : bf16
        %max3A_541 = vector.broadcast %max3A_540 : bf16 to vector<32xbf16>
        %max3A_542 = arith.maximumf %add3A_539, %max3A_541 : vector<32xbf16>
        %add3A_543 = arith.addf %add3A_505, %max3A_542 : vector<32xbf16>
        %add3A_544 = arith.addi %get3A_527, %broadcast_in_dim3A_14 : vector<16xi32>
        %gather3A_545 = tpu.vector_load_idx %arg6[%add3A_544] : memref<40960xi32, #tpu.memory_space<vmem>>[vector<16xi32>], vector<16xi32>,
        %bitcast3A_546 = vector.bitcast %gather3A_545 : vector<16xi32> to vector<32xbf16>
        %add3A_547 = arith.addf %bitcast3A_140, %bitcast3A_546 : vector<32xbf16>
        %max3A_548 = arith.constant 0.000000e+00 : bf16
        %max3A_549 = vector.broadcast %max3A_548 : bf16 to vector<32xbf16>
        %max3A_550 = arith.maximumf %add3A_547, %max3A_549 : vector<32xbf16>
        %add3A_551 = arith.addf %add3A_513, %max3A_550 : vector<32xbf16>
        %add3A_552 = arith.addi %get3A_527, %broadcast_in_dim3A_16 : vector<16xi32>
        %gather3A_553 = tpu.vector_load_idx %arg6[%add3A_552] : memref<40960xi32, #tpu.memory_space<vmem>>[vector<16xi32>], vector<16xi32>,
        %bitcast3A_554 = vector.bitcast %gather3A_553 : vector<16xi32> to vector<32xbf16>
        %add3A_555 = arith.addf %bitcast3A_147, %bitcast3A_554 : vector<32xbf16>
        %max3A_556 = arith.constant 0.000000e+00 : bf16
        %max3A_557 = vector.broadcast %max3A_556 : bf16 to vector<32xbf16>
        %max3A_558 = arith.maximumf %add3A_555, %max3A_557 : vector<32xbf16>
        %add3A_559 = arith.addf %add3A_521, %max3A_558 : vector<32xbf16>
        %mul3A_560 = arith.constant 16 : i32
        %mul3A_561 = arith.muli %scan3A_121, %mul3A_560 : i32
        %get3A_562 = arith.constant 11 : i32
        %get3A_563 = arith.index_cast %get3A_562 : i32 to index
        %get3A_564 = arith.index_cast %mul3A_561 : i32 to index
        %get3A_565 = tpu.vector_load %arg8[%get3A_563, %get3A_564] {strides = array<i32>} : memref<16x512xi32, #tpu.memory_space<vmem>>, vector<16xi32>,
        %add3A_566 = arith.addi %get3A_565, %broadcast_in_dim3A_10 : vector<16xi32>
        %gather3A_567 = tpu.vector_load_idx %arg6[%add3A_566] : memref<40960xi32, #tpu.memory_space<vmem>>[vector<16xi32>], vector<16xi32>,
        %bitcast3A_568 = vector.bitcast %gather3A_567 : vector<16xi32> to vector<32xbf16>
        %add3A_569 = arith.addf %bitcast3A, %bitcast3A_568 : vector<32xbf16>
        %max3A_570 = arith.constant 0.000000e+00 : bf16
        %max3A_571 = vector.broadcast %max3A_570 : bf16 to vector<32xbf16>
        %max3A_572 = arith.maximumf %add3A_569, %max3A_571 : vector<32xbf16>
        %add3A_573 = arith.addf %add3A_535, %max3A_572 : vector<32xbf16>
        %add3A_574 = arith.addi %get3A_565, %broadcast_in_dim3A_12 : vector<16xi32>
        %gather3A_575 = tpu.vector_load_idx %arg6[%add3A_574] : memref<40960xi32, #tpu.memory_space<vmem>>[vector<16xi32>], vector<16xi32>,
        %bitcast3A_576 = vector.bitcast %gather3A_575 : vector<16xi32> to vector<32xbf16>
        %add3A_577 = arith.addf %bitcast3A_133, %bitcast3A_576 : vector<32xbf16>
        %max3A_578 = arith.constant 0.000000e+00 : bf16
        %max3A_579 = vector.broadcast %max3A_578 : bf16 to vector<32xbf16>
        %max3A_580 = arith.maximumf %add3A_577, %max3A_579 : vector<32xbf16>
        %add3A_581 = arith.addf %add3A_543, %max3A_580 : vector<32xbf16>
        %add3A_582 = arith.addi %get3A_565, %broadcast_in_dim3A_14 : vector<16xi32>
        %gather3A_583 = tpu.vector_load_idx %arg6[%add3A_582] : memref<40960xi32, #tpu.memory_space<vmem>>[vector<16xi32>], vector<16xi32>,
        %bitcast3A_584 = vector.bitcast %gather3A_583 : vector<16xi32> to vector<32xbf16>
        %add3A_585 = arith.addf %bitcast3A_140, %bitcast3A_584 : vector<32xbf16>
        %max3A_586 = arith.constant 0.000000e+00 : bf16
        %max3A_587 = vector.broadcast %max3A_586 : bf16 to vector<32xbf16>
        %max3A_588 = arith.maximumf %add3A_585, %max3A_587 : vector<32xbf16>
        %add3A_589 = arith.addf %add3A_551, %max3A_588 : vector<32xbf16>
        %add3A_590 = arith.addi %get3A_565, %broadcast_in_dim3A_16 : vector<16xi32>
        %gather3A_591 = tpu.vector_load_idx %arg6[%add3A_590] : memref<40960xi32, #tpu.memory_space<vmem>>[vector<16xi32>], vector<16xi32>,
        %bitcast3A_592 = vector.bitcast %gather3A_591 : vector<16xi32> to vector<32xbf16>
        %add3A_593 = arith.addf %bitcast3A_147, %bitcast3A_592 : vector<32xbf16>
        %max3A_594 = arith.constant 0.000000e+00 : bf16
        %max3A_595 = vector.broadcast %max3A_594 : bf16 to vector<32xbf16>
        %max3A_596 = arith.maximumf %add3A_593, %max3A_595 : vector<32xbf16>
        %add3A_597 = arith.addf %add3A_559, %max3A_596 : vector<32xbf16>
        %mul3A_598 = arith.constant 16 : i32
        %mul3A_599 = arith.muli %scan3A_121, %mul3A_598 : i32
        %get3A_600 = arith.constant 12 : i32
        %get3A_601 = arith.index_cast %get3A_600 : i32 to index
        %get3A_602 = arith.index_cast %mul3A_599 : i32 to index
        %get3A_603 = tpu.vector_load %arg8[%get3A_601, %get3A_602] {strides = array<i32>} : memref<16x512xi32, #tpu.memory_space<vmem>>, vector<16xi32>,
        %add3A_604 = arith.addi %get3A_603, %broadcast_in_dim3A_10 : vector<16xi32>
        %gather3A_605 = tpu.vector_load_idx %arg6[%add3A_604] : memref<40960xi32, #tpu.memory_space<vmem>>[vector<16xi32>], vector<16xi32>,
        %bitcast3A_606 = vector.bitcast %gather3A_605 : vector<16xi32> to vector<32xbf16>
        %add3A_607 = arith.addf %bitcast3A, %bitcast3A_606 : vector<32xbf16>
        %max3A_608 = arith.constant 0.000000e+00 : bf16
        %max3A_609 = vector.broadcast %max3A_608 : bf16 to vector<32xbf16>
        %max3A_610 = arith.maximumf %add3A_607, %max3A_609 : vector<32xbf16>
        %add3A_611 = arith.addf %add3A_573, %max3A_610 : vector<32xbf16>
        %add3A_612 = arith.addi %get3A_603, %broadcast_in_dim3A_12 : vector<16xi32>
        %gather3A_613 = tpu.vector_load_idx %arg6[%add3A_612] : memref<40960xi32, #tpu.memory_space<vmem>>[vector<16xi32>], vector<16xi32>,
        %bitcast3A_614 = vector.bitcast %gather3A_613 : vector<16xi32> to vector<32xbf16>
        %add3A_615 = arith.addf %bitcast3A_133, %bitcast3A_614 : vector<32xbf16>
        %max3A_616 = arith.constant 0.000000e+00 : bf16
        %max3A_617 = vector.broadcast %max3A_616 : bf16 to vector<32xbf16>
        %max3A_618 = arith.maximumf %add3A_615, %max3A_617 : vector<32xbf16>
        %add3A_619 = arith.addf %add3A_581, %max3A_618 : vector<32xbf16>
        %add3A_620 = arith.addi %get3A_603, %broadcast_in_dim3A_14 : vector<16xi32>
        %gather3A_621 = tpu.vector_load_idx %arg6[%add3A_620] : memref<40960xi32, #tpu.memory_space<vmem>>[vector<16xi32>], vector<16xi32>,
        %bitcast3A_622 = vector.bitcast %gather3A_621 : vector<16xi32> to vector<32xbf16>
        %add3A_623 = arith.addf %bitcast3A_140, %bitcast3A_622 : vector<32xbf16>
        %max3A_624 = arith.constant 0.000000e+00 : bf16
        %max3A_625 = vector.broadcast %max3A_624 : bf16 to vector<32xbf16>
        %max3A_626 = arith.maximumf %add3A_623, %max3A_625 : vector<32xbf16>
        %add3A_627 = arith.addf %add3A_589, %max3A_626 : vector<32xbf16>
        %add3A_628 = arith.addi %get3A_603, %broadcast_in_dim3A_16 : vector<16xi32>
        %gather3A_629 = tpu.vector_load_idx %arg6[%add3A_628] : memref<40960xi32, #tpu.memory_space<vmem>>[vector<16xi32>], vector<16xi32>,
        %bitcast3A_630 = vector.bitcast %gather3A_629 : vector<16xi32> to vector<32xbf16>
        %add3A_631 = arith.addf %bitcast3A_147, %bitcast3A_630 : vector<32xbf16>
        %max3A_632 = arith.constant 0.000000e+00 : bf16
        %max3A_633 = vector.broadcast %max3A_632 : bf16 to vector<32xbf16>
        %max3A_634 = arith.maximumf %add3A_631, %max3A_633 : vector<32xbf16>
        %add3A_635 = arith.addf %add3A_597, %max3A_634 : vector<32xbf16>
        %mul3A_636 = arith.constant 16 : i32
        %mul3A_637 = arith.muli %scan3A_121, %mul3A_636 : i32
        %get3A_638 = arith.constant 13 : i32
        %get3A_639 = arith.index_cast %get3A_638 : i32 to index
        %get3A_640 = arith.index_cast %mul3A_637 : i32 to index
        %get3A_641 = tpu.vector_load %arg8[%get3A_639, %get3A_640] {strides = array<i32>} : memref<16x512xi32, #tpu.memory_space<vmem>>, vector<16xi32>,
        %add3A_642 = arith.addi %get3A_641, %broadcast_in_dim3A_10 : vector<16xi32>
        %gather3A_643 = tpu.vector_load_idx %arg6[%add3A_642] : memref<40960xi32, #tpu.memory_space<vmem>>[vector<16xi32>], vector<16xi32>,
        %bitcast3A_644 = vector.bitcast %gather3A_643 : vector<16xi32> to vector<32xbf16>
        %add3A_645 = arith.addf %bitcast3A, %bitcast3A_644 : vector<32xbf16>
        %max3A_646 = arith.constant 0.000000e+00 : bf16
        %max3A_647 = vector.broadcast %max3A_646 : bf16 to vector<32xbf16>
        %max3A_648 = arith.maximumf %add3A_645, %max3A_647 : vector<32xbf16>
        %add3A_649 = arith.addf %add3A_611, %max3A_648 : vector<32xbf16>
        %add3A_650 = arith.addi %get3A_641, %broadcast_in_dim3A_12 : vector<16xi32>
        %gather3A_651 = tpu.vector_load_idx %arg6[%add3A_650] : memref<40960xi32, #tpu.memory_space<vmem>>[vector<16xi32>], vector<16xi32>,
        %bitcast3A_652 = vector.bitcast %gather3A_651 : vector<16xi32> to vector<32xbf16>
        %add3A_653 = arith.addf %bitcast3A_133, %bitcast3A_652 : vector<32xbf16>
        %max3A_654 = arith.constant 0.000000e+00 : bf16
        %max3A_655 = vector.broadcast %max3A_654 : bf16 to vector<32xbf16>
        %max3A_656 = arith.maximumf %add3A_653, %max3A_655 : vector<32xbf16>
        %add3A_657 = arith.addf %add3A_619, %max3A_656 : vector<32xbf16>
        %add3A_658 = arith.addi %get3A_641, %broadcast_in_dim3A_14 : vector<16xi32>
        %gather3A_659 = tpu.vector_load_idx %arg6[%add3A_658] : memref<40960xi32, #tpu.memory_space<vmem>>[vector<16xi32>], vector<16xi32>,
        %bitcast3A_660 = vector.bitcast %gather3A_659 : vector<16xi32> to vector<32xbf16>
        %add3A_661 = arith.addf %bitcast3A_140, %bitcast3A_660 : vector<32xbf16>
        %max3A_662 = arith.constant 0.000000e+00 : bf16
        %max3A_663 = vector.broadcast %max3A_662 : bf16 to vector<32xbf16>
        %max3A_664 = arith.maximumf %add3A_661, %max3A_663 : vector<32xbf16>
        %add3A_665 = arith.addf %add3A_627, %max3A_664 : vector<32xbf16>
        %add3A_666 = arith.addi %get3A_641, %broadcast_in_dim3A_16 : vector<16xi32>
        %gather3A_667 = tpu.vector_load_idx %arg6[%add3A_666] : memref<40960xi32, #tpu.memory_space<vmem>>[vector<16xi32>], vector<16xi32>,
        %bitcast3A_668 = vector.bitcast %gather3A_667 : vector<16xi32> to vector<32xbf16>
        %add3A_669 = arith.addf %bitcast3A_147, %bitcast3A_668 : vector<32xbf16>
        %max3A_670 = arith.constant 0.000000e+00 : bf16
        %max3A_671 = vector.broadcast %max3A_670 : bf16 to vector<32xbf16>
        %max3A_672 = arith.maximumf %add3A_669, %max3A_671 : vector<32xbf16>
        %add3A_673 = arith.addf %add3A_635, %max3A_672 : vector<32xbf16>
        %mul3A_674 = arith.constant 16 : i32
        %mul3A_675 = arith.muli %scan3A_121, %mul3A_674 : i32
        %get3A_676 = arith.constant 14 : i32
        %get3A_677 = arith.index_cast %get3A_676 : i32 to index
        %get3A_678 = arith.index_cast %mul3A_675 : i32 to index
        %get3A_679 = tpu.vector_load %arg8[%get3A_677, %get3A_678] {strides = array<i32>} : memref<16x512xi32, #tpu.memory_space<vmem>>, vector<16xi32>,
        %add3A_680 = arith.addi %get3A_679, %broadcast_in_dim3A_10 : vector<16xi32>
        %gather3A_681 = tpu.vector_load_idx %arg6[%add3A_680] : memref<40960xi32, #tpu.memory_space<vmem>>[vector<16xi32>], vector<16xi32>,
        %bitcast3A_682 = vector.bitcast %gather3A_681 : vector<16xi32> to vector<32xbf16>
        %add3A_683 = arith.addf %bitcast3A, %bitcast3A_682 : vector<32xbf16>
        %max3A_684 = arith.constant 0.000000e+00 : bf16
        %max3A_685 = vector.broadcast %max3A_684 : bf16 to vector<32xbf16>
        %max3A_686 = arith.maximumf %add3A_683, %max3A_685 : vector<32xbf16>
        %add3A_687 = arith.addf %add3A_649, %max3A_686 : vector<32xbf16>
        %add3A_688 = arith.addi %get3A_679, %broadcast_in_dim3A_12 : vector<16xi32>
        %gather3A_689 = tpu.vector_load_idx %arg6[%add3A_688] : memref<40960xi32, #tpu.memory_space<vmem>>[vector<16xi32>], vector<16xi32>,
        %bitcast3A_690 = vector.bitcast %gather3A_689 : vector<16xi32> to vector<32xbf16>
        %add3A_691 = arith.addf %bitcast3A_133, %bitcast3A_690 : vector<32xbf16>
        %max3A_692 = arith.constant 0.000000e+00 : bf16
        %max3A_693 = vector.broadcast %max3A_692 : bf16 to vector<32xbf16>
        %max3A_694 = arith.maximumf %add3A_691, %max3A_693 : vector<32xbf16>
        %add3A_695 = arith.addf %add3A_657, %max3A_694 : vector<32xbf16>
        %add3A_696 = arith.addi %get3A_679, %broadcast_in_dim3A_14 : vector<16xi32>
        %gather3A_697 = tpu.vector_load_idx %arg6[%add3A_696] : memref<40960xi32, #tpu.memory_space<vmem>>[vector<16xi32>], vector<16xi32>,
        %bitcast3A_698 = vector.bitcast %gather3A_697 : vector<16xi32> to vector<32xbf16>
        %add3A_699 = arith.addf %bitcast3A_140, %bitcast3A_698 : vector<32xbf16>
        %max3A_700 = arith.constant 0.000000e+00 : bf16
        %max3A_701 = vector.broadcast %max3A_700 : bf16 to vector<32xbf16>
        %max3A_702 = arith.maximumf %add3A_699, %max3A_701 : vector<32xbf16>
        %add3A_703 = arith.addf %add3A_665, %max3A_702 : vector<32xbf16>
        %add3A_704 = arith.addi %get3A_679, %broadcast_in_dim3A_16 : vector<16xi32>
        %gather3A_705 = tpu.vector_load_idx %arg6[%add3A_704] : memref<40960xi32, #tpu.memory_space<vmem>>[vector<16xi32>], vector<16xi32>,
        %bitcast3A_706 = vector.bitcast %gather3A_705 : vector<16xi32> to vector<32xbf16>
        %add3A_707 = arith.addf %bitcast3A_147, %bitcast3A_706 : vector<32xbf16>
        %max3A_708 = arith.constant 0.000000e+00 : bf16
        %max3A_709 = vector.broadcast %max3A_708 : bf16 to vector<32xbf16>
        %max3A_710 = arith.maximumf %add3A_707, %max3A_709 : vector<32xbf16>
        %add3A_711 = arith.addf %add3A_673, %max3A_710 : vector<32xbf16>
        %mul3A_712 = arith.constant 16 : i32
        %mul3A_713 = arith.muli %scan3A_121, %mul3A_712 : i32
        %get3A_714 = arith.constant 15 : i32
        %get3A_715 = arith.index_cast %get3A_714 : i32 to index
        %get3A_716 = arith.index_cast %mul3A_713 : i32 to index
        %get3A_717 = tpu.vector_load %arg8[%get3A_715, %get3A_716] {strides = array<i32>} : memref<16x512xi32, #tpu.memory_space<vmem>>, vector<16xi32>,
        %add3A_718 = arith.addi %get3A_717, %broadcast_in_dim3A_10 : vector<16xi32>
        %gather3A_719 = tpu.vector_load_idx %arg6[%add3A_718] : memref<40960xi32, #tpu.memory_space<vmem>>[vector<16xi32>], vector<16xi32>,
        %bitcast3A_720 = vector.bitcast %gather3A_719 : vector<16xi32> to vector<32xbf16>
        %add3A_721 = arith.addf %bitcast3A, %bitcast3A_720 : vector<32xbf16>
        %max3A_722 = arith.constant 0.000000e+00 : bf16
        %max3A_723 = vector.broadcast %max3A_722 : bf16 to vector<32xbf16>
        %max3A_724 = arith.maximumf %add3A_721, %max3A_723 : vector<32xbf16>
        %add3A_725 = arith.addf %add3A_687, %max3A_724 : vector<32xbf16>
        %add3A_726 = arith.addi %get3A_717, %broadcast_in_dim3A_12 : vector<16xi32>
        %gather3A_727 = tpu.vector_load_idx %arg6[%add3A_726] : memref<40960xi32, #tpu.memory_space<vmem>>[vector<16xi32>], vector<16xi32>,
        %bitcast3A_728 = vector.bitcast %gather3A_727 : vector<16xi32> to vector<32xbf16>
        %add3A_729 = arith.addf %bitcast3A_133, %bitcast3A_728 : vector<32xbf16>
        %max3A_730 = arith.constant 0.000000e+00 : bf16
        %max3A_731 = vector.broadcast %max3A_730 : bf16 to vector<32xbf16>
        %max3A_732 = arith.maximumf %add3A_729, %max3A_731 : vector<32xbf16>
        %add3A_733 = arith.addf %add3A_695, %max3A_732 : vector<32xbf16>
        %add3A_734 = arith.addi %get3A_717, %broadcast_in_dim3A_14 : vector<16xi32>
        %gather3A_735 = tpu.vector_load_idx %arg6[%add3A_734] : memref<40960xi32, #tpu.memory_space<vmem>>[vector<16xi32>], vector<16xi32>,
        %bitcast3A_736 = vector.bitcast %gather3A_735 : vector<16xi32> to vector<32xbf16>
        %add3A_737 = arith.addf %bitcast3A_140, %bitcast3A_736 : vector<32xbf16>
        %max3A_738 = arith.constant 0.000000e+00 : bf16
        %max3A_739 = vector.broadcast %max3A_738 : bf16 to vector<32xbf16>
        %max3A_740 = arith.maximumf %add3A_737, %max3A_739 : vector<32xbf16>
        %add3A_741 = arith.addf %add3A_703, %max3A_740 : vector<32xbf16>
        %add3A_742 = arith.addi %get3A_717, %broadcast_in_dim3A_16 : vector<16xi32>
        %gather3A_743 = tpu.vector_load_idx %arg6[%add3A_742] : memref<40960xi32, #tpu.memory_space<vmem>>[vector<16xi32>], vector<16xi32>,
        %bitcast3A_744 = vector.bitcast %gather3A_743 : vector<16xi32> to vector<32xbf16>
        %add3A_745 = arith.addf %bitcast3A_147, %bitcast3A_744 : vector<32xbf16>
        %max3A_746 = arith.constant 0.000000e+00 : bf16
        %max3A_747 = vector.broadcast %max3A_746 : bf16 to vector<32xbf16>
        %max3A_748 = arith.maximumf %add3A_745, %max3A_747 : vector<32xbf16>
        %add3A_749 = arith.addf %add3A_711, %max3A_748 : vector<32xbf16>
        %unpack3A = tpu.unpack_subelements %add3A_725, 0 {pack_format = #tpu.pack_format<interleaved>} : vector<32xbf16> -> vector<16xf32>
        %unpack3A_750 = tpu.unpack_subelements %add3A_725, 1 {pack_format = #tpu.pack_format<interleaved>} : vector<32xbf16> -> vector<16xf32>
        %mul3A_751 = arith.constant 16 : i32
        %mul3A_752 = arith.muli %scan3A_121, %mul3A_751 : i32
        %swap3A = arith.constant 0 : i32
        %swap3A_753 = arith.index_cast %swap3A : i32 to index
        %swap3A_754 = arith.index_cast %mul3A_752 : i32 to index
        %swap3A_755 = tpu.vector_load %arg12[%swap3A_753, %swap3A_754] {strides = array<i32>} : memref<4x512xf32, #tpu.memory_space<vmem>>, vector<16xf32>,
        tpu.vector_store %arg12[%swap3A_753, %swap3A_754], %unpack3A {strides = array<i32>} : memref<4x512xf32, #tpu.memory_space<vmem>>, vector<16xf32>,
        %mul3A_756 = arith.constant 16 : i32
        %mul3A_757 = arith.muli %scan3A_121, %mul3A_756 : i32
        %swap3A_758 = arith.constant 0 : i32
        %swap3A_759 = arith.index_cast %swap3A_758 : i32 to index
        %swap3A_760 = arith.index_cast %mul3A_757 : i32 to index
        %swap3A_761 = tpu.vector_load %arg14[%swap3A_759, %swap3A_760] {strides = array<i32>} : memref<4x512xf32, #tpu.memory_space<vmem>>, vector<16xf32>,
        tpu.vector_store %arg14[%swap3A_759, %swap3A_760], %unpack3A_750 {strides = array<i32>} : memref<4x512xf32, #tpu.memory_space<vmem>>, vector<16xf32>,
        %unpack3A_762 = tpu.unpack_subelements %add3A_733, 0 {pack_format = #tpu.pack_format<interleaved>} : vector<32xbf16> -> vector<16xf32>
        %unpack3A_763 = tpu.unpack_subelements %add3A_733, 1 {pack_format = #tpu.pack_format<interleaved>} : vector<32xbf16> -> vector<16xf32>
        %mul3A_764 = arith.constant 16 : i32
        %mul3A_765 = arith.muli %scan3A_121, %mul3A_764 : i32
        %swap3A_766 = arith.constant 1 : i32
        %swap3A_767 = arith.index_cast %swap3A_766 : i32 to index
        %swap3A_768 = arith.index_cast %mul3A_765 : i32 to index
        %swap3A_769 = tpu.vector_load %arg12[%swap3A_767, %swap3A_768] {strides = array<i32>} : memref<4x512xf32, #tpu.memory_space<vmem>>, vector<16xf32>,
        tpu.vector_store %arg12[%swap3A_767, %swap3A_768], %unpack3A_762 {strides = array<i32>} : memref<4x512xf32, #tpu.memory_space<vmem>>, vector<16xf32>,
        %mul3A_770 = arith.constant 16 : i32
        %mul3A_771 = arith.muli %scan3A_121, %mul3A_770 : i32
        %swap3A_772 = arith.constant 1 : i32
        %swap3A_773 = arith.index_cast %swap3A_772 : i32 to index
        %swap3A_774 = arith.index_cast %mul3A_771 : i32 to index
        %swap3A_775 = tpu.vector_load %arg14[%swap3A_773, %swap3A_774] {strides = array<i32>} : memref<4x512xf32, #tpu.memory_space<vmem>>, vector<16xf32>,
        tpu.vector_store %arg14[%swap3A_773, %swap3A_774], %unpack3A_763 {strides = array<i32>} : memref<4x512xf32, #tpu.memory_space<vmem>>, vector<16xf32>,
        %unpack3A_776 = tpu.unpack_subelements %add3A_741, 0 {pack_format = #tpu.pack_format<interleaved>} : vector<32xbf16> -> vector<16xf32>
        %unpack3A_777 = tpu.unpack_subelements %add3A_741, 1 {pack_format = #tpu.pack_format<interleaved>} : vector<32xbf16> -> vector<16xf32>
        %mul3A_778 = arith.constant 16 : i32
        %mul3A_779 = arith.muli %scan3A_121, %mul3A_778 : i32
        %swap3A_780 = arith.constant 2 : i32
        %swap3A_781 = arith.index_cast %swap3A_780 : i32 to index
        %swap3A_782 = arith.index_cast %mul3A_779 : i32 to index
        %swap3A_783 = tpu.vector_load %arg12[%swap3A_781, %swap3A_782] {strides = array<i32>} : memref<4x512xf32, #tpu.memory_space<vmem>>, vector<16xf32>,
        tpu.vector_store %arg12[%swap3A_781, %swap3A_782], %unpack3A_776 {strides = array<i32>} : memref<4x512xf32, #tpu.memory_space<vmem>>, vector<16xf32>,
        %mul3A_784 = arith.constant 16 : i32
        %mul3A_785 = arith.muli %scan3A_121, %mul3A_784 : i32
        %swap3A_786 = arith.constant 2 : i32
        %swap3A_787 = arith.index_cast %swap3A_786 : i32 to index
        %swap3A_788 = arith.index_cast %mul3A_785 : i32 to index
        %swap3A_789 = tpu.vector_load %arg14[%swap3A_787, %swap3A_788] {strides = array<i32>} : memref<4x512xf32, #tpu.memory_space<vmem>>, vector<16xf32>,
        tpu.vector_store %arg14[%swap3A_787, %swap3A_788], %unpack3A_777 {strides = array<i32>} : memref<4x512xf32, #tpu.memory_space<vmem>>, vector<16xf32>,
        %unpack3A_790 = tpu.unpack_subelements %add3A_749, 0 {pack_format = #tpu.pack_format<interleaved>} : vector<32xbf16> -> vector<16xf32>
        %unpack3A_791 = tpu.unpack_subelements %add3A_749, 1 {pack_format = #tpu.pack_format<interleaved>} : vector<32xbf16> -> vector<16xf32>
        %mul3A_792 = arith.constant 16 : i32
        %mul3A_793 = arith.muli %scan3A_121, %mul3A_792 : i32
        %swap3A_794 = arith.constant 3 : i32
        %swap3A_795 = arith.index_cast %swap3A_794 : i32 to index
        %swap3A_796 = arith.index_cast %mul3A_793 : i32 to index
        %swap3A_797 = tpu.vector_load %arg12[%swap3A_795, %swap3A_796] {strides = array<i32>} : memref<4x512xf32, #tpu.memory_space<vmem>>, vector<16xf32>,
        tpu.vector_store %arg12[%swap3A_795, %swap3A_796], %unpack3A_790 {strides = array<i32>} : memref<4x512xf32, #tpu.memory_space<vmem>>, vector<16xf32>,
        %mul3A_798 = arith.constant 16 : i32
        %mul3A_799 = arith.muli %scan3A_121, %mul3A_798 : i32
        %swap3A_800 = arith.constant 3 : i32
        %swap3A_801 = arith.index_cast %swap3A_800 : i32 to index
        %swap3A_802 = arith.index_cast %mul3A_799 : i32 to index
        %swap3A_803 = tpu.vector_load %arg14[%swap3A_801, %swap3A_802] {strides = array<i32>} : memref<4x512xf32, #tpu.memory_space<vmem>>, vector<16xf32>,
        tpu.vector_store %arg14[%swap3A_801, %swap3A_802], %unpack3A_791 {strides = array<i32>} : memref<4x512xf32, #tpu.memory_space<vmem>>, vector<16xf32>,
      }
      %scan3A_109 = arith.constant 32 : i32
      %add3A_110 = arith.constant 1 : i32
      %add3A_111 = arith.addi %mul3A_46, %add3A_110 : i32
      %mul3A_112 = arith.constant 512 : i32
      %mul3A_113 = arith.muli %add3A_111, %mul3A_112 : i32
      %add3A_114 = arith.addi %mul3A_0, %mul3A_113 : i32
      %add3A_115 = arith.constant 64 : i32
      %add3A_116 = arith.addi %add3A_115, %mul3A_2 : i32
      %dma_start3A_117 = tpu.memref_slice %arg5[%mul3A_2, %add3A_114] : memref<128x10240xf32, #tpu.memory_space<hbm>> -> memref<4x512xf32, #tpu.memory_space<hbm>>
      %dma_start3A_118 = tpu.memref_slice %arg5[%mul3A_2, %add3A_114] : memref<128x10240xf32, #tpu.memory_space<hbm>> -> memref<4x512xf32, #tpu.memory_space<hbm>>
      tpu.enqueue_dma source(%arg12 : memref<4x512xf32, #tpu.memory_space<vmem>>) target(%dma_start3A_118 : memref<4x512xf32, #tpu.memory_space<hbm>>) target_semaphore(%arg18 : memref<!tpu.dma_semaphore, #tpu.memory_space<semaphore_mem>>)
      %dma_start3A_119 = tpu.memref_slice %arg5[%add3A_116, %add3A_114] : memref<128x10240xf32, #tpu.memory_space<hbm>> -> memref<4x512xf32, #tpu.memory_space<hbm>>
      %dma_start3A_120 = tpu.memref_slice %arg5[%add3A_116, %add3A_114] : memref<128x10240xf32, #tpu.memory_space<hbm>> -> memref<4x512xf32, #tpu.memory_space<hbm>>
      tpu.enqueue_dma source(%arg14 : memref<4x512xf32, #tpu.memory_space<vmem>>) target(%dma_start3A_120 : memref<4x512xf32, #tpu.memory_space<hbm>>) target_semaphore(%arg18 : memref<!tpu.dma_semaphore, #tpu.memory_space<semaphore_mem>>)
    }
    %scan3A_28 = arith.constant 5 : i32
    %add3A_29 = arith.constant 4096 : i32
    %add3A_30 = arith.addi %mul3A_0, %add3A_29 : i32
    %add3A_31 = arith.constant 64 : i32
    %add3A_32 = arith.addi %add3A_31, %mul3A_2 : i32
    %dma_wait3A = tpu.memref_slice %arg5[%mul3A_2, %add3A_30] : memref<128x10240xf32, #tpu.memory_space<hbm>> -> memref<4x512xf32, #tpu.memory_space<hbm>>
    %dma_wait3A_33 = tpu.memref_slice %arg5[%mul3A_2, %add3A_30] : memref<128x10240xf32, #tpu.memory_space<hbm>> -> memref<4x512xf32, #tpu.memory_space<hbm>>
    tpu.wait_dma2 semaphore(%arg17 : memref<!tpu.dma_semaphore, #tpu.memory_space<semaphore_mem>>) src(%arg11 : memref<4x512xf32, #tpu.memory_space<vmem>>) dst(%dma_wait3A_33 : memref<4x512xf32, #tpu.memory_space<hbm>>)
    %dma_wait3A_34 = tpu.memref_slice %arg5[%add3A_32, %add3A_30] : memref<128x10240xf32, #tpu.memory_space<hbm>> -> memref<4x512xf32, #tpu.memory_space<hbm>>
    %dma_wait3A_35 = tpu.memref_slice %arg5[%add3A_32, %add3A_30] : memref<128x10240xf32, #tpu.memory_space<hbm>> -> memref<4x512xf32, #tpu.memory_space<hbm>>
    tpu.wait_dma2 semaphore(%arg17 : memref<!tpu.dma_semaphore, #tpu.memory_space<semaphore_mem>>) src(%arg13 : memref<4x512xf32, #tpu.memory_space<vmem>>) dst(%dma_wait3A_35 : memref<4x512xf32, #tpu.memory_space<hbm>>)
    %add3A_36 = arith.constant 4608 : i32
    %add3A_37 = arith.addi %mul3A_0, %add3A_36 : i32
    %add3A_38 = arith.constant 64 : i32
    %add3A_39 = arith.addi %add3A_38, %mul3A_2 : i32
    %dma_wait3A_40 = tpu.memref_slice %arg5[%mul3A_2, %add3A_37] : memref<128x10240xf32, #tpu.memory_space<hbm>> -> memref<4x512xf32, #tpu.memory_space<hbm>>
    %dma_wait3A_41 = tpu.memref_slice %arg5[%mul3A_2, %add3A_37] : memref<128x10240xf32, #tpu.memory_space<hbm>> -> memref<4x512xf32, #tpu.memory_space<hbm>>
    tpu.wait_dma2 semaphore(%arg18 : memref<!tpu.dma_semaphore, #tpu.memory_space<semaphore_mem>>) src(%arg12 : memref<4x512xf32, #tpu.memory_space<vmem>>) dst(%dma_wait3A_41 : memref<4x512xf32, #tpu.memory_space<hbm>>)
    %dma_wait3A_42 = tpu.memref_slice %arg5[%add3A_39, %add3A_37] : memref<128x10240xf32, #tpu.memory_space<hbm>> -> memref<4x512xf32, #tpu.memory_space<hbm>>
    %dma_wait3A_43 = tpu.memref_slice %arg5[%add3A_39, %add3A_37] : memref<128x10240xf32, #tpu.memory_space<hbm>> -> memref<4x512xf32, #tpu.memory_space<hbm>>
    tpu.wait_dma2 semaphore(%arg18 : memref<!tpu.dma_semaphore, #tpu.memory_space<semaphore_mem>>) src(%arg14 : memref<4x512xf32, #tpu.memory_space<vmem>>) dst(%dma_wait3A_43 : memref<4x512xf32, #tpu.memory_space<hbm>>)
    return
  }
}

module attributes {stable_mosaic.version = 14 : i64} {
  func.func @_pre_body(%arg0: i32, %arg1: memref<5120x128xf32, #tpu.memory_space<vmem>>, %arg2: memref<256x128xf32, #tpu.memory_space<vmem>>, %arg3: memref<128x1xf32, #tpu.memory_space<vmem>>, %arg4: memref<64x5120xi32, #tpu.memory_space<vmem>>, %arg5: memref<64x5120xi32, #tpu.memory_space<vmem>>) attributes {dimension_semantics = [#tpu.dimension_semantics<arbitrary>], iteration_bounds = array<i64: 2>, scalar_prefetch = 0 : i64, scratch_operands = 0 : i64, tpu.core_type = #tpu.core_type<tc>, window_params = [{transform_indices = @transform_0, window_bounds = array<i64: 5120, 128>}, {pipeline_mode = #tpu.pipeline_mode<synchronous>, transform_indices = @transform_1, window_bounds = array<i64: 256, 128>}, {pipeline_mode = #tpu.pipeline_mode<synchronous>, transform_indices = @transform_2, window_bounds = array<i64: 128, 1>}, {transform_indices = @transform_3, window_bounds = array<i64: 64, 5120>}, {transform_indices = @transform_4, window_bounds = array<i64: 64, 5120>}]} {
    %get3A = arith.constant 0 : index
    %get3A_0 = arith.constant 0 : index
    %get3A_1 = vector.load %arg1[%get3A, %get3A_0] : memref<5120x128xf32, #tpu.memory_space<vmem>>, vector<5120x128xf32>
    %get3A_2 = arith.constant 0 : index
    %get3A_3 = arith.constant 0 : index
    %get3A_4 = vector.load %arg2[%get3A_2, %get3A_3] : memref<256x128xf32, #tpu.memory_space<vmem>>, vector<256x128xf32>
    %slice3A = vector.extract_strided_slice %get3A_4 {offsets = [0, 0], sizes = [128, 128], strides = [1, 1]} : vector<256x128xf32> to vector<128x128xf32>
    %dot_general3A = arith.constant dense<0.000000e+00> : vector<128x5120xf32>
    %dot_general3A_5 = tpu.matmul %slice3A, %get3A_1, %dot_general3A {dimension_numbers = #tpu.dot_dimension_numbers<[0], [1], [1], [0], [0, 1, 1, 0], [], []>, transpose_lhs_hint = false} : vector<128x128xf32>, vector<5120x128xf32>, vector<128x5120xf32> -> vector<128x5120xf32>
    %get3A_6 = arith.constant 0 : index
    %get3A_7 = arith.constant 0 : index
    %get3A_8 = vector.load %arg3[%get3A_6, %get3A_7] : memref<128x1xf32, #tpu.memory_space<vmem>>, vector<128x1xf32>
    %add3A = vector.broadcast %get3A_8 : vector<128x1xf32> to vector<128x5120xf32>
    %add3A_9 = arith.addf %dot_general3A_5, %add3A : vector<128x5120xf32>
    %slice3A_10 = vector.extract_strided_slice %get3A_4 {offsets = [128, 0], sizes = [128, 128], strides = [1, 1]} : vector<256x128xf32> to vector<128x128xf32>
    %dot_general3A_11 = arith.constant dense<0.000000e+00> : vector<128x5120xf32>
    %dot_general3A_12 = tpu.matmul %slice3A_10, %get3A_1, %dot_general3A_11 {dimension_numbers = #tpu.dot_dimension_numbers<[0], [1], [1], [0], [0, 1, 1, 0], [], []>, transpose_lhs_hint = false} : vector<128x128xf32>, vector<5120x128xf32>, vector<128x5120xf32> -> vector<128x5120xf32>
    %slice3A_13 = vector.extract_strided_slice %add3A_9 {offsets = [0, 0], sizes = [64, 5120], strides = [1, 1]} : vector<128x5120xf32> to vector<64x5120xf32>
    %convert_element_type3A = arith.truncf %slice3A_13 : vector<64x5120xf32> to vector<64x5120xbf16>
    %bitcast_convert_type3A = tpu.bitcast %convert_element_type3A : vector<64x5120xbf16> -> vector<64x5120xi16>
    %slice3A_14 = vector.extract_strided_slice %add3A_9 {offsets = [64, 0], sizes = [64, 5120], strides = [1, 1]} : vector<128x5120xf32> to vector<64x5120xf32>
    %convert_element_type3A_15 = arith.truncf %slice3A_14 : vector<64x5120xf32> to vector<64x5120xbf16>
    %bitcast_convert_type3A_16 = tpu.bitcast %convert_element_type3A_15 : vector<64x5120xbf16> -> vector<64x5120xi16>
    %convert_element_type3A_17 = arith.extui %bitcast_convert_type3A : vector<64x5120xi16> to vector<64x5120xi32>
    %convert_element_type3A_18 = arith.extui %bitcast_convert_type3A_16 : vector<64x5120xi16> to vector<64x5120xi32>
    %shift_left3A = arith.constant 16 : i32
    %shift_left3A_19 = vector.broadcast %shift_left3A : i32 to vector<64x5120xi32>
    %shift_left3A_20 = arith.shli %convert_element_type3A_18, %shift_left3A_19 : vector<64x5120xi32>
    %or3A = arith.ori %convert_element_type3A_17, %shift_left3A_20 : vector<64x5120xi32>
    %bitcast_convert_type3A_21 = tpu.bitcast %or3A : vector<64x5120xi32> -> vector<64x5120xi32>
    %swap3A = arith.constant 0 : index
    %swap3A_22 = arith.constant 0 : index
    %swap3A_23 = vector.load %arg4[%swap3A, %swap3A_22] : memref<64x5120xi32, #tpu.memory_space<vmem>>, vector<64x5120xi32>
    tpu.vector_store %arg4[%swap3A, %swap3A_22], %bitcast_convert_type3A_21 {strides = array<i32>} : memref<64x5120xi32, #tpu.memory_space<vmem>>, vector<64x5120xi32>,
    %slice3A_24 = vector.extract_strided_slice %dot_general3A_12 {offsets = [0, 0], sizes = [64, 5120], strides = [1, 1]} : vector<128x5120xf32> to vector<64x5120xf32>
    %convert_element_type3A_25 = arith.truncf %slice3A_24 : vector<64x5120xf32> to vector<64x5120xbf16>
    %bitcast_convert_type3A_26 = tpu.bitcast %convert_element_type3A_25 : vector<64x5120xbf16> -> vector<64x5120xi16>
    %slice3A_27 = vector.extract_strided_slice %dot_general3A_12 {offsets = [64, 0], sizes = [64, 5120], strides = [1, 1]} : vector<128x5120xf32> to vector<64x5120xf32>
    %convert_element_type3A_28 = arith.truncf %slice3A_27 : vector<64x5120xf32> to vector<64x5120xbf16>
    %bitcast_convert_type3A_29 = tpu.bitcast %convert_element_type3A_28 : vector<64x5120xbf16> -> vector<64x5120xi16>
    %convert_element_type3A_30 = arith.extui %bitcast_convert_type3A_26 : vector<64x5120xi16> to vector<64x5120xi32>
    %convert_element_type3A_31 = arith.extui %bitcast_convert_type3A_29 : vector<64x5120xi16> to vector<64x5120xi32>
    %shift_left3A_32 = arith.constant 16 : i32
    %shift_left3A_33 = vector.broadcast %shift_left3A_32 : i32 to vector<64x5120xi32>
    %shift_left3A_34 = arith.shli %convert_element_type3A_31, %shift_left3A_33 : vector<64x5120xi32>
    %or3A_35 = arith.ori %convert_element_type3A_30, %shift_left3A_34 : vector<64x5120xi32>
    %bitcast_convert_type3A_36 = tpu.bitcast %or3A_35 : vector<64x5120xi32> -> vector<64x5120xi32>
    %swap3A_37 = arith.constant 0 : index
    %swap3A_38 = arith.constant 0 : index
    %swap3A_39 = vector.load %arg5[%swap3A_37, %swap3A_38] : memref<64x5120xi32, #tpu.memory_space<vmem>>, vector<64x5120xi32>
    tpu.vector_store %arg5[%swap3A_37, %swap3A_38], %bitcast_convert_type3A_36 {strides = array<i32>} : memref<64x5120xi32, #tpu.memory_space<vmem>>, vector<64x5120xi32>,
    return
  }
  func.func @transform_0(%arg0: i32) -> (i32, i32) {
    %c0_i32 = arith.constant 0 : i32
    %c0_i32_0 = arith.constant 0 : i32
    return %arg0, %c0_i32 : i32, i32
  }
  func.func @transform_1(%arg0: i32) -> (i32, i32) {
    %c0_i32 = arith.constant 0 : i32
    %c0_i32_0 = arith.constant 0 : i32
    %c0_i32_1 = arith.constant 0 : i32
    return %c0_i32, %c0_i32_0 : i32, i32
  }
  func.func @transform_2(%arg0: i32) -> (i32, i32) {
    %c0_i32 = arith.constant 0 : i32
    %c0_i32_0 = arith.constant 0 : i32
    %c0_i32_1 = arith.constant 0 : i32
    return %c0_i32, %c0_i32_0 : i32, i32
  }
  func.func @transform_3(%arg0: i32) -> (i32, i32) {
    %c0_i32 = arith.constant 0 : i32
    %c0_i32_0 = arith.constant 0 : i32
    return %c0_i32, %arg0 : i32, i32
  }
  func.func @transform_4(%arg0: i32) -> (i32, i32) {
    %c0_i32 = arith.constant 0 : i32
    %c0_i32_0 = arith.constant 0 : i32
    return %c0_i32, %arg0 : i32, i32
  }
}

module attributes {stable_mosaic.version = 14 : i64} {
  func.func @_post_body(%arg0: i32, %arg1: memref<128x5120xf32, #tpu.memory_space<vmem>>, %arg2: memref<5120x128xf32, #tpu.memory_space<vmem>>, %arg3: memref<128x128xf32, #tpu.memory_space<vmem>>, %arg4: memref<1x128xf32, #tpu.memory_space<vmem>>, %arg5: memref<256x128xf32, #tpu.memory_space<vmem>>, %arg6: memref<1x128xf32, #tpu.memory_space<vmem>>, %arg7: memref<128x128xf32, #tpu.memory_space<vmem>>, %arg8: memref<1x128xf32, #tpu.memory_space<vmem>>, %arg9: memref<5120x128xf32, #tpu.memory_space<vmem>>) attributes {dimension_semantics = [#tpu.dimension_semantics<arbitrary>], iteration_bounds = array<i64: 2>, scalar_prefetch = 0 : i64, scratch_operands = 0 : i64, tpu.core_type = #tpu.core_type<tc>, window_params = [{transform_indices = @transform_0, window_bounds = array<i64: 128, 5120>}, {transform_indices = @transform_1, window_bounds = array<i64: 5120, 128>}, {pipeline_mode = #tpu.pipeline_mode<synchronous>, transform_indices = @transform_2, window_bounds = array<i64: 128, 128>}, {pipeline_mode = #tpu.pipeline_mode<synchronous>, transform_indices = @transform_3, window_bounds = array<i64: 1, 128>}, {pipeline_mode = #tpu.pipeline_mode<synchronous>, transform_indices = @transform_4, window_bounds = array<i64: 256, 128>}, {pipeline_mode = #tpu.pipeline_mode<synchronous>, transform_indices = @transform_5, window_bounds = array<i64: 1, 128>}, {pipeline_mode = #tpu.pipeline_mode<synchronous>, transform_indices = @transform_6, window_bounds = array<i64: 128, 128>}, {pipeline_mode = #tpu.pipeline_mode<synchronous>, transform_indices = @transform_7, window_bounds = array<i64: 1, 128>}, {transform_indices = @transform_8, window_bounds = array<i64: 5120, 128>}]} {
    %get3A = arith.constant 0 : index
    %get3A_0 = arith.constant 0 : index
    %get3A_1 = vector.load %arg1[%get3A, %get3A_0] : memref<128x5120xf32, #tpu.memory_space<vmem>>, vector<128x5120xf32>
    %get3A_2 = arith.constant 0 : index
    %get3A_3 = arith.constant 0 : index
    %get3A_4 = vector.load %arg3[%get3A_2, %get3A_3] : memref<128x128xf32, #tpu.memory_space<vmem>>, vector<128x128xf32>
    %dot_general3A = arith.constant dense<0.000000e+00> : vector<5120x128xf32>
    %dot_general3A_5 = tpu.matmul %get3A_1, %get3A_4, %dot_general3A {dimension_numbers = #tpu.dot_dimension_numbers<[0], [0], [1], [1], [0, 1, 1, 1], [], []>, transpose_lhs_hint = false} : vector<128x5120xf32>, vector<128x128xf32>, vector<5120x128xf32> -> vector<5120x128xf32>
    %mul3A = arith.constant 6.250000e-02 : f32
    %mul3A_6 = vector.broadcast %mul3A : f32 to vector<5120x128xf32>
    %mul3A_7 = arith.mulf %dot_general3A_5, %mul3A_6 : vector<5120x128xf32>
    %get3A_8 = arith.constant 0 : index
    %get3A_9 = arith.constant 0 : index
    %get3A_10 = vector.load %arg4[%get3A_8, %get3A_9] : memref<1x128xf32, #tpu.memory_space<vmem>>, vector<1x128xf32>
    %add3A = vector.broadcast %get3A_10 : vector<1x128xf32> to vector<5120x128xf32>
    %add3A_11 = arith.addf %mul3A_7, %add3A : vector<5120x128xf32>
    %get3A_12 = arith.constant 0 : index
    %get3A_13 = arith.constant 0 : index
    %get3A_14 = vector.load %arg2[%get3A_12, %get3A_13] : memref<5120x128xf32, #tpu.memory_space<vmem>>, vector<5120x128xf32>
    %get3A_15 = arith.constant 0 : index
    %get3A_16 = arith.constant 0 : index
    %get3A_17 = vector.load %arg5[%get3A_15, %get3A_16] : memref<256x128xf32, #tpu.memory_space<vmem>>, vector<256x128xf32>
    %slice3A = vector.extract_strided_slice %get3A_17 {offsets = [0, 0], sizes = [128, 128], strides = [1, 1]} : vector<256x128xf32> to vector<128x128xf32>
    %dot_general3A_18 = arith.constant dense<0.000000e+00> : vector<5120x128xf32>
    %dot_general3A_19 = tpu.matmul %get3A_14, %slice3A, %dot_general3A_18 {dimension_numbers = #tpu.dot_dimension_numbers<[1], [0], [0], [1], [0, 0, 1, 1], [], []>, transpose_lhs_hint = false} : vector<5120x128xf32>, vector<128x128xf32>, vector<5120x128xf32> -> vector<5120x128xf32>
    %slice3A_20 = vector.extract_strided_slice %get3A_17 {offsets = [128, 0], sizes = [128, 128], strides = [1, 1]} : vector<256x128xf32> to vector<128x128xf32>
    %dot_general3A_21 = arith.constant dense<0.000000e+00> : vector<5120x128xf32>
    %dot_general3A_22 = tpu.matmul %add3A_11, %slice3A_20, %dot_general3A_21 {dimension_numbers = #tpu.dot_dimension_numbers<[1], [0], [0], [1], [0, 0, 1, 1], [], []>, transpose_lhs_hint = false} : vector<5120x128xf32>, vector<128x128xf32>, vector<5120x128xf32> -> vector<5120x128xf32>
    %add3A_23 = arith.addf %dot_general3A_19, %dot_general3A_22 : vector<5120x128xf32>
    %get3A_24 = arith.constant 0 : index
    %get3A_25 = arith.constant 0 : index
    %get3A_26 = vector.load %arg6[%get3A_24, %get3A_25] : memref<1x128xf32, #tpu.memory_space<vmem>>, vector<1x128xf32>
    %add3A_27 = vector.broadcast %get3A_26 : vector<1x128xf32> to vector<5120x128xf32>
    %add3A_28 = arith.addf %add3A_23, %add3A_27 : vector<5120x128xf32>
    %max3A = arith.constant 0.000000e+00 : f32
    %max3A_29 = vector.broadcast %max3A : f32 to vector<5120x128xf32>
    %max3A_30 = arith.maximumf %add3A_28, %max3A_29 : vector<5120x128xf32>
    %get3A_31 = arith.constant 0 : index
    %get3A_32 = arith.constant 0 : index
    %get3A_33 = vector.load %arg7[%get3A_31, %get3A_32] : memref<128x128xf32, #tpu.memory_space<vmem>>, vector<128x128xf32>
    %dot_general3A_34 = arith.constant dense<0.000000e+00> : vector<5120x128xf32>
    %dot_general3A_35 = tpu.matmul %max3A_30, %get3A_33, %dot_general3A_34 {dimension_numbers = #tpu.dot_dimension_numbers<[1], [0], [0], [1], [0, 0, 1, 1], [], []>, transpose_lhs_hint = false} : vector<5120x128xf32>, vector<128x128xf32>, vector<5120x128xf32> -> vector<5120x128xf32>
    %get3A_36 = arith.constant 0 : index
    %get3A_37 = arith.constant 0 : index
    %get3A_38 = vector.load %arg8[%get3A_36, %get3A_37] : memref<1x128xf32, #tpu.memory_space<vmem>>, vector<1x128xf32>
    %add3A_39 = vector.broadcast %get3A_38 : vector<1x128xf32> to vector<5120x128xf32>
    %add3A_40 = arith.addf %dot_general3A_35, %add3A_39 : vector<5120x128xf32>
    %swap3A = arith.constant 0 : index
    %swap3A_41 = arith.constant 0 : index
    %swap3A_42 = vector.load %arg9[%swap3A, %swap3A_41] : memref<5120x128xf32, #tpu.memory_space<vmem>>, vector<5120x128xf32>
    tpu.vector_store %arg9[%swap3A, %swap3A_41], %add3A_40 {strides = array<i32>} : memref<5120x128xf32, #tpu.memory_space<vmem>>, vector<5120x128xf32>,
    return
  }
  func.func @transform_0(%arg0: i32) -> (i32, i32) {
    %c0_i32 = arith.constant 0 : i32
    %c0_i32_0 = arith.constant 0 : i32
    return %c0_i32, %arg0 : i32, i32
  }
  func.func @transform_1(%arg0: i32) -> (i32, i32) {
    %c0_i32 = arith.constant 0 : i32
    %c0_i32_0 = arith.constant 0 : i32
    return %arg0, %c0_i32 : i32, i32
  }
  func.func @transform_2(%arg0: i32) -> (i32, i32) {
    %c0_i32 = arith.constant 0 : i32
    %c0_i32_0 = arith.constant 0 : i32
    %c0_i32_1 = arith.constant 0 : i32
    return %c0_i32, %c0_i32_0 : i32, i32
  }
  func.func @transform_3(%arg0: i32) -> (i32, i32) {
    %c0_i32 = arith.constant 0 : i32
    %c0_i32_0 = arith.constant 0 : i32
    %c0_i32_1 = arith.constant 0 : i32
    return %c0_i32, %c0_i32_0 : i32, i32
  }
  func.func @transform_4(%arg0: i32) -> (i32, i32) {
    %c0_i32 = arith.constant 0 : i32
    %c0_i32_0 = arith.constant 0 : i32
    %c0_i32_1 = arith.constant 0 : i32
    return %c0_i32, %c0_i32_0 : i32, i32
  }
  func.func @transform_5(%arg0: i32) -> (i32, i32) {
    %c0_i32 = arith.constant 0 : i32
    %c0_i32_0 = arith.constant 0 : i32
    %c0_i32_1 = arith.constant 0 : i32
    return %c0_i32, %c0_i32_0 : i32, i32
  }
  func.func @transform_6(%arg0: i32) -> (i32, i32) {
    %c0_i32 = arith.constant 0 : i32
    %c0_i32_0 = arith.constant 0 : i32
    %c0_i32_1 = arith.constant 0 : i32
    return %c0_i32, %c0_i32_0 : i32, i32
  }
  func.func @transform_7(%arg0: i32) -> (i32, i32) {
    %c0_i32 = arith.constant 0 : i32
    %c0_i32_0 = arith.constant 0 : i32
    %c0_i32_1 = arith.constant 0 : i32
    return %c0_i32, %c0_i32_0 : i32, i32
  }
  func.func @transform_8(%arg0: i32) -> (i32, i32) {
    %c0_i32 = arith.constant 0 : i32
    %c0_i32_0 = arith.constant 0 : i32
    return %arg0, %c0_i32 : i32, i32
  }
}

</mosaic_0001>

<sc_bundles>
// kernel: kernel.5.cloned.1.call-start
scs
__scs_entry_jumppad:
0x0: {  	(pc) =	sbr.rel $0x88, $3  }
0x1: {  	(tag) =	ssettag $0x0;
	lr =	simm.s32 $0x1  }
0x2: {  	[smem:$0x3F97] =	sst lr;
	_ =	strace $0xD0000000  }
0x3: {  	_ = 	snop  }
0x4: {  	_ = 	snop  }
0x5: {  	_ = 	snop  }
0x6: {  	_ = 	snop  }
0x7: {  	_ = 	snop  }
__scs_overlays_trampoline_lowered:
0x8: {  	[smem:$0x3FA6] =	sst s0  }
0x9: {  	[smem:$0x3FA7] =	sst s1  }
0xa: {  	[smem:$0x3FA8] =	sst s2  }
0xb: {  	[smem:$0x3FA9] =	sst s3  }
0xc: {  	[smem:$0x3FAA] =	sst s4  }
0xd: {  	[smem:$0x3FAB] =	sst s5  }
0xe: {  	[smem:$0x3FAC] =	sst s6  }
0xf: {  	[smem:$0x3FAD] =	sst s7  }
0x10: {  	[smem:$0x3FAE] =	sst s8  }
0x11: {  	[smem:$0x3FAF] =	sst s9;
	s0 =	simm.s32 @!p0 $0x0  }
0x12: {  	s1 =	sld [smem:$0x3F95];
	s0 =	simm.s32 @p0 $0x1  }
0x13: {  	[smem:$0x3FB0] =	sst s0;
	s0 =	simm.s32 @!p1 $0x0  }
0x14: {  	s2 =	sld [smem:$0x3F94];
	s0 =	simm.s32 @p1 $0x1  }
0x15: {  	[smem:$0x3FB1] =	sst s0;
	s0 =	simm.s32 @!p2 $0x0  }
0x16: {  	s3 =	sld [smem:$0x3FDB];
	s0 =	simm.s32 @p2 $0x1  }
0x17: {  	s4 =	simm.s32 $0x1BF5;
	[smem:$0x3FB3] =	sst s0  }
0x18: {  	s0 =	sld [smem:$0x3F96];
	_ =	swait.ge [sflag:s4], $0x0  }
0x19: {  	s7 =	sld [smem:$0x3F97]  }
0x1a: {  	s8 =	sadd.s32 $0xFFFFE003, lr  }
0x1b: {  	s9 =	sadd.s32 $0xFFFFFEF7, lr;
	s5 =	simm.s32 $0xFFFFFFFF;
	p2 =	slt.u32 s8, $0xFFFFF086  }
0x1c: {  	p1 =	slt.u32 s9, $0xF7A;
	s5 =	simm.s32 @!p2 $0x0  }
0x1d: {  	s5 =	simm.s32 @p1 $0x1;
	p0 =	seq.s32 s7, s2  }
0x1e: {  	s7 =	smul.u32 @!p0 $0xF7A, s2;
	p2 =	seq.s32 @!p0 s5, $0x0  }
0x1f: {  	s9 =	smul.u32 $0xF7A, s1;
	s8 =	simm.s32 @!p0 $0x1BF5;
	p2 =	por !p2, p0  }
0x20: {  	[sflag:s8] =	ssyncset.s32 @!p0 $0xFFFFF086;
	s6 =	sadd.s32 @!p0 s3, s7;
	s7 =	simm.s32 @!p0 $0x108  }
0x21: {  	s3 =	sadd.s32 s3, s9;
	s6 =	sadd.s32 @!p0 $0x88, s6;
	s7 =	simm.s32 @p2 $0x1082  }
0x22: {  	[simem:s7], [sflag:s8] =	dma.local @!p0 [hbm:s6], $0xF7A  }
0x23: {  	s9 =	sor.u32 $0xD0000000, s2;
	s6 =	simm.s32 $0x108;
	_ =	swait.ge @!p0 [sflag:s8], $0x0  }
0x24: {  	s3 =	sadd.s32 $0x88, s3;
	s6 =	simm.s32 @!p1 $0x1082;
	[sflag:s4] =	ssyncset.s32 $0xFFFFF086  }
0x25: {  	[simem:s6], [sflag:s4] =	dma.local [hbm:s3], $0xF7A  }
0x26: {  	[smem:$0x3F97] =	sst s1;
	(tag) =	ssettag s2;
	_ =	strace s9  }
0x27: {  	s1 =	sld [smem:$0x3FA7]  }
0x28: {  	s2 =	sld [smem:$0x3FA8]  }
0x29: {  	s4 =	sld [smem:$0x3FAA]  }
0x2a: {  	p0 =	seq.s32 s5, $0x0;
	s5 =	sld [smem:$0x3FAB]  }
0x2b: {  	s6 =	sld [smem:$0x3FAC]  }
0x2c: {  	s7 =	sld [smem:$0x3FAD]  }
0x2d: {  	s3 =	simm.s32 $0x108;
	s8 =	sld [smem:$0x3FAE]  }
0x2e: {  	s3 =	simm.s32 @!p0 $0x1082;
	s9 =	sld [smem:$0x3FAF]  }
0x2f: {  	lr =	sadd.s32 s0, s3;
	s0 =	sld [smem:$0x3FA6]  }
0x30: {  	s3 =	sld [smem:$0x3FA9]  }
0x31: {  	[smem:$0x3FB2] =	sst s10  }
0x32: {  	s10 =	sld [smem:$0x3FB0];
	_ =	sdelay $0x3  }
0x33: {  	p0 =	seq.s32 s10, $0x1;
	s10 =	sld [smem:$0x3FB2];
	_ =	sdelay $0x3  }
0x34: {  	[smem:$0x3FB2] =	sst s10  }
0x35: {  	s10 =	sld [smem:$0x3FB1];
	_ =	sdelay $0x3  }
0x36: {  	p1 =	seq.s32 s10, $0x1;
	s10 =	sld [smem:$0x3FB2];
	_ =	sdelay $0x3  }
0x37: {  	[smem:$0x3FB2] =	sst s10  }
0x38: {  	s10 =	sld [smem:$0x3FB3]  }
0x39: {  	_ = 	snop;
	(pc) =	sbr.ind lr, $3  }
0x3a: {  	_ = 	snop  }
0x3b: {  	_ = 	snop  }
0x3c: {  	p2 =	seq.s32 s10, $0x1;
	s10 =	sld [smem:$0x3FB2]  }
0x3d: {  	_ =	shalt  }
0x3e: {  	_ =	shalt  }
0x3f: {  	_ =	shalt  }
0x40: {  	_ =	shalt  }
0x41: {  	_ =	shalt  }
0x42: {  	_ =	shalt  }
0x43: {  	_ =	shalt  }
0x44: {  	_ =	shalt  }
0x45: {  	_ =	shalt  }
0x46: {  	_ =	shalt  }
0x47: {  	_ =	shalt  }
0x48: {  	_ =	shalt  }
0x49: {  	_ =	shalt  }
0x4a: {  	_ =	shalt  }
0x4b: {  	_ =	shalt  }
0x4c: {  	_ =	shalt  }
0x4d: {  	_ =	shalt  }
0x4e: {  	_ =	shalt  }
0x4f: {  	_ =	shalt  }
0x50: {  	_ =	shalt  }
0x51: {  	_ =	shalt  }
0x52: {  	_ =	shalt  }
0x53: {  	_ =	shalt  }
0x54: {  	_ =	shalt  }
0x55: {  	_ =	shalt  }
0x56: {  	_ =	shalt  }
0x57: {  	_ =	shalt  }
0x58: {  	_ =	shalt  }
0x59: {  	_ =	shalt  }
0x5a: {  	_ =	shalt  }
0x5b: {  	_ =	shalt  }
0x5c: {  	_ =	shalt  }
0x5d: {  	_ =	shalt  }
0x5e: {  	_ =	shalt  }
0x5f: {  	_ =	shalt  }
0x60: {  	_ =	shalt  }
0x61: {  	_ =	shalt  }
0x62: {  	_ =	shalt  }
0x63: {  	_ =	shalt  }
0x64: {  	_ =	shalt  }
0x65: {  	_ =	shalt  }
0x66: {  	_ =	shalt  }
0x67: {  	_ =	shalt  }
0x68: {  	_ =	shalt  }
0x69: {  	_ =	shalt  }
0x6a: {  	_ =	shalt  }
0x6b: {  	_ =	shalt  }
0x6c: {  	_ =	shalt  }
0x6d: {  	_ =	shalt  }
0x6e: {  	_ =	shalt  }
0x6f: {  	_ =	shalt  }
0x70: {  	_ =	shalt  }
0x71: {  	_ =	shalt  }
0x72: {  	_ =	shalt  }
0x73: {  	_ =	shalt  }
0x74: {  	_ =	shalt  }
0x75: {  	_ =	shalt  }
0x76: {  	_ =	shalt  }
0x77: {  	_ =	shalt  }
0x78: {  	_ =	shalt  }
0x79: {  	_ =	shalt  }
0x7a: {  	_ =	shalt  }
0x7b: {  	_ =	shalt  }
0x7c: {  	_ =	shalt  }
0x7d: {  	_ =	shalt  }
0x7e: {  	_ =	shalt  }
0x7f: {  	_ =	shalt  }
0x80: {  	_ =	shalt  }
0x81: {  	_ =	shalt  }
0x82: {  	_ =	shalt  }
0x83: {  	_ =	shalt  }
0x84: {  	_ =	shalt  }
0x85: {  	_ =	shalt  }
0x86: {  	_ =	shalt  }
0x87: {  	_ =	shalt  }
.Lfunc_end0:
.L_simem_size_0:
called_computation_lowered:
.L_overlay_start_0:
0x88: {  	s2 =	sld [smem:$0x3FD9]  }
0x89: {  	s3 =	sld [smem:$0x3FFE];
	_ =	sdelay $0x1  }
0x8a: {  	s1 =	srdreg.scid  }
0x8b: {  	s0 =	sand.u32 $0x1, s1  }
0x8c: {  	s17 =	sshll.u32 s0, $0xA;
	s2 =	sadd.s32 s3, s2  }
0x8d: {  	s2 =	sadd.s32 s2, s17  }
0x8e: {  	[smem:$0x3FBE] =	sst s2  }
0x8f: {  	_ = 	snop  }
0x90: {  	s2 =	sld [smem:$0x3FD0];
	(tm) =	ssettm $0x1  }
0x91: {  	s18 =	sld [smem:$0x3FFB];
	_ =	sdelay $0x3  }
0x92: {  	_ =	strace s18  }
0x93: {  	s3 =	sld [smem:$0x3FFC];
	_ =	sdelay $0x3  }
0x94: {  	_ =	strace s3  }
0x95: {  	s3 =	sld [smem:$0x3FFD];
	_ =	sdelay $0x3  }
0x96: {  	_ =	strace s3  }
0x97: {  	_ =	strace $0x8FFFFFFF  }
0x98: {  	s19 =	sld [smem:$0x3FDB];
	_ =	sdelay $0x1  }
0x99: {  	s4 =	simm.s32 $_scs_section_size  }
0x9a: {  	s5 =	simm.s32 $_size__tile_overlayer_lowered;
	s6 =	simm.s32 $_tile_overlayer_lowered  }
0x9b: {  	s22 =	simm.s32 $0x1BFF;
	s21 =	sshll.u32 s6, $0x1;
	s3 =	sadd.s32 s4, s19  }
0x9c: {  	s7 =	simm.s32 $0x0;
	s20 =	sshll.u32 s5, $0x1;
	s5 =	sadd.s32 s21, s3  }
0x9d: {  	[timem:s7], [sflag:s22] =	dma.local [hbm:s5], s20  }
0x9e: {  	_ =	swait.ge [sflag:s22], s20  }
0x9f: {  	s4 =	ssub.s32 $0x0, s20;
	[sflag:s22] =	ssyncset.done $0x0  }
0xa0: {  	[sflag:s22] =	ssyncadd.s32 s4;
	_ =	sdelay $0x1  }
0xa1: {  	s23 =	simm.s32 $0x1B8B  }
0xa2: {  	_ =	swait.ge [sflag:s23], $0x1  }
0xa3: {  	[sflag:s23] =	ssyncset.done $0x0  }
0xa4: {  	s25 =	simm.s32 $0x1B8E;
	s24 =	sld [smem:$0x3FFE];
	[sflag:s23] =	ssyncadd.s32 $0xFFFFFFFF  }
0xa5: {  	s26 =	simm.s32 $execute0_lowered;
	[smem:$0x3FD2] =	sst s25  }
0xa6: {  	s5 =	sshll.u32 s26, $0x1;
	_ =	strace $0x80000046;
	[dreg:$0x1] =	wrdreg $0xFFFFFFFF  }
0xa7: {  	s28 =	simm.s32 $_size_execute0_lowered;
	s3 =	sadd.s32 s3, s5;
	[dreg:$0x0] =	wrdreg $0x0  }
0xa8: {  	s5 =	sshll.u32 s28, $0x1;
	[dreg:$0x2] =	wrdreg s3  }
0xa9: {  	[dreg:$0x3] =	wrdreg s5  }
0xaa: {  	[dreg:$0x4] =	wrdreg $0xC0  }
0xab: {  	_ =	task [dreg:s7], $0x5FFFF  }
0xac: {  	[dreg:$0x1] =	wrdreg $0xFFFFFFFF  }
0xad: {  	[dreg:$0x0] =	wrdreg $0x60  }
0xae: {  	[dreg:$0x2] =	wrdreg s24  }
0xaf: {  	[dreg:$0x3] =	wrdreg s2  }
0xb0: {  	[dreg:$0x4] =	wrdreg $0x9  }
0xb1: {  	_ =	task.clear_ibuf [dreg:s7], $0x5FFFF;
	_ =	strace $0x90000046  }
0xb2: {  	s29 =	simm.s32 $0x9;
	_ =	strace $0x80000048  }
0xb3: {  	_ =	swait.ge [sflag:s29], $0x1  }
0xb4: {  	[sflag:s29] =	ssyncadd.s32 $0xFFFFFFFF  }
0xb5: {  	_ =	strace $0x90000048  }
0xb6: {  	_ =	sfence  }
0xb7: {  	s30 =	sld [smem:$0x0];
	_ =	sdelay $0x2  }
0xb8: {  	s31 =	sshll.u32 s1, $0xD;
	s1 =	sshrl.u32 s1, $0x2  }
0xb9: {  	s3 =	sand.u32 $0x4000, s31;
	s1 =	sadd.s32 s1, s30  }
0xba: {  	s0 =	sor.u32 s3, s0;
	s1 =	sshll.u32 s1, $0x11  }
0xbb: {  	s0 =	sor.u32 s1, s0  }
0xbc: {  	s0 =	sadd.s32 $0x8F2B, s0  }
0xbd: {  	[sflag:s0] =	ssyncadd.remote.s32 $0x1  }
0xbe: {  	_ =	sfence.sel $0xFFFF  }
0xbf: {  	[dreg:$0x0] =	wrdreg $0xFFFFFFFF;
	(pc) =	sbr.abs _section_cstart, $3  }
0xc0: {  	[dreg:$0x1] =	wrdreg $0xFFFFFFFF  }
0xc1: {  	_ =	task.clear_ibuf [dreg:s7], $0x2FFFF;
	_ =	strace $0x9FFFFFFF  }
0xc2: {  	(tm) =	ssettm $0x7FFFFFFF  }
0xc3: {  	_ =	shalt  }
tec
execute0_lowered:
.L_overlay_start_1:
0x0: {  	(tag) =	ssettag $0x1  }
0x1: {  	s0 =	rddreg [dreg:$0x0]  }
0x2: {  	s13 =	rddreg [dreg:$0x1];
	s3 =	simm.s32 $0x0  }
0x3: {  	s2 =	stileid.u32;
	s4 =	srdreg.scid;
	s28 =	simm.s32 $0x1000  }
0x4: {  	s29 =	simm.s32 $0x14000;
	s31 =	simm.s32 $0x200;
	[smem:$0x7FF] =	sst s3  }
0x5: {  	s1 =	sshrl.u32 s2, $0x1;
	s2 =	sshll.u32 s2, $0x9;
	s9 =	sand.u32 $0x1, s4  }
0x6: {  	s4 =	sadd.s32 $0x1C00, s0;
	s8 =	sadd.s32 $0x1AC00, s0;
	s1 =	smul.u32 $0x14000, s1  }
0x7: {  	_ =	strace $0x80000047;
	s10 =	ssub.s32 $0x2, s9;
	s7 =	smul.u32 $0xA000, s9  }
0x8: {  	s2 =	sand.u32 $0x200, s2;
	s9 =	smul.u32 $0x1400, s9;
	s11 =	sshrl.u32 s10, $0x1  }
0x9: {  	s5 =	sor.u32 s2, s1;
	s21 =	ssub.s32 s10, s11;
	s1 =	sadd.s32 s7, s1  }
0xa: {  	s26 =	sshrl.u32 s7, $0x3;
	s17 =	sadd.s32 $0x400, s9;
	s10 =	simm.s32 $0xF800  }
0xb: {  	s11 =	simm.s32 $0x10800;
	s6 =	sshrl.u32 s5, $0x3;
	s1 =	sor.u32 s2, s1  }
0xc: {  	s2 =	sadd.s32 s4, s26;
	s16 =	sadd.s32 $0xA0000, s5;
	s12 =	sadd.s32 s6, s0  }
0xd: {  	s1 =	sshrl.u32 s1, $0x3;
	[dreg:$0x7] =	wrdreg s2;
	s0 =	smax.u32 s21, $0x1  }
0xe: {  	s30 =	sshrl.u32 s16, $0x3;
	s22 =	sadd.s32 $0x6C00, s12;
	[dreg:$0x9] =	wrdreg s0  }
0xf: {  	s19 =	sadd.s32 s13, s6;
	s23 =	sadd.s32 $0x6C10, s12;
	[dreg:$0x3] =	wrdreg s22  }
0x10: {  	s24 =	sadd.s32 $0x6C20, s12;
	s25 =	sadd.s32 $0x6C30, s12;
	[dreg:$0x4] =	wrdreg s23  }
0x11: {  	s1 =	sadd.s32 s13, s1;
	s20 =	sadd.s32 s8, s30;
	[dreg:$0x5] =	wrdreg s24  }
0x12: {  	s0 =	simm.s32 $0x2;
	s12 =	simm.s32 $0x0;
	[dreg:$0x6] =	wrdreg s25  }
0x13: {  	v0 =	vimm.bf16 $0.0e+00;
	[dreg:$0x8] =	wrdreg s1;
	s22 =	simm.s32 $0x400;
	s25 =	simm.s32 $0x1  }
.LBB2_1:
0x14: {  	[dreg:$0xa] =	wrdreg s12  }
0x15: {  	s1 =	rddreg [dreg:$0x3];
	s2 =	simm.s32 $0x80;
	s26 =	simm.s32 $0x5  }
0x16: {  	[tilespmem:s3], [sflag:$0x5] =	stream.strided.gather [hbm4b:s1+s2], $0x2800, s22, s2, $0x38;
	[tilespmem:$0x11000] =	vst v63  }
0x17: {  	_ =	swait.ge [sflag:s26], $0x2800  }
0x18: {  	[sflag:s26] =	ssyncset.done $0x0  }
0x19: {  	s13 =	simm.s32 $0x2800;
	s30 =	rddreg [dreg:$0x4];
	[sflag:s26] =	ssyncadd.s32 $0xFFFFD800  }
0x1a: {  	[tilespmem:s13], [sflag:$0x5] =	stream.strided.gather [hbm4b:s30+s2], $0x2800, s22, s2, $0x38;
	[tilespmem:$0x11000] =	vst v63  }
0x1b: {  	_ =	swait.ge [sflag:s26], $0x2800  }
0x1c: {  	[sflag:s26] =	ssyncset.done $0x0  }
0x1d: {  	s15 =	simm.s32 $0x5000;
	s14 =	rddreg [dreg:$0x5];
	[sflag:s26] =	ssyncadd.s32 $0xFFFFD800  }
0x1e: {  	[tilespmem:s15], [sflag:$0x5] =	stream.strided.gather [hbm4b:s14+s2], $0x2800, s22, s2, $0x38;
	[tilespmem:$0x11000] =	vst v63  }
0x1f: {  	_ =	swait.ge [sflag:s26], $0x2800  }
0x20: {  	[sflag:s26] =	ssyncset.done $0x0  }
0x21: {  	s21 =	simm.s32 $0x7800;
	s18 =	rddreg [dreg:$0x6];
	[sflag:s26] =	ssyncadd.s32 $0xFFFFD800  }
0x22: {  	[tilespmem:s21], [sflag:$0x5] =	stream.strided.gather [hbm4b:s18+s2], $0x2800, s22, s2, $0x38;
	[tilespmem:$0x11000] =	vst v63  }
0x23: {  	_ =	swait.ge [sflag:s26], $0x2800  }
0x24: {  	[sflag:s26] =	ssyncset.done $0x0  }
0x25: {  	s24 =	simm.s32 $0xA000;
	s23 =	rddreg [dreg:$0x7];
	[sflag:s26] =	ssyncadd.s32 $0xFFFFD800  }
0x26: {  	[tilespmem:s24], [sflag:$0x1] =	stream.strided.gather [hbm4b:s23+s28], $0x2000, s29, s28, $0x38;
	[tilespmem:$0x11000] =	vst v63  }
0x27: {  	s30 =	simm.s32 $0xE000;
	s15 =	simm.s32 $0x0;
	s26 =	rddreg [dreg:$0x8]  }
0x28: {  	[tilespmem:s30], [sflag:$0x1] =	stream.strided.gather [hbm4b:s26+s31], $0x800, s22, s31, $0x38;
	[tilespmem:$0x11000] =	vst v63  }
.LBB2_2:
0x29: {  	s12 =	sshll.u32 s15, $0xA  }
0x2a: {  	s1 =	sadd.s32 s12, s9  }
0x2b: {  	s2 =	simm.s32 $0xC000;
	s18 =	sadd.s32 $0x200, s1  }
0x2c: {  	s24 =	rddreg [dreg:$0x1];
	s1 =	sadd.s32 s4, s18;
	s21 =	sadd.s32 s18, s6  }
0x2d: {  	[tilespmem:s2], [sflag:$0x2] =	stream.strided.gather [hbm4b:s1+s28], $0x2000, s29, s28, $0x38;
	[tilespmem:$0x11000] =	vst v63  }
0x2e: {  	s26 =	simm.s32 $0xE800;
	s1 =	sadd.s32 s24, s21  }
0x2f: {  	[tilespmem:s26], [sflag:$0x2] =	stream.strided.gather [hbm4b:s1+s31], $0x800, s22, s31, $0x38;
	[tilespmem:$0x11000] =	vst v63  }
0x30: {  	_ =	swait.ge [sflag:s25], $0x2000  }
0x31: {  	[sflag:s25] =	ssyncset.done $0x0  }
0x32: {  	[sflag:s25] =	ssyncadd.s32 $0xFFFFE000  }
0x33: {  	_ =	swait.ge [sflag:s25], $0x800  }
0x34: {  	p0 =	seq.s32 s15, $0x0;
	[sflag:s25] =	ssyncset.done $0x0  }
0x35: {  	s1 =	simm.s32 @!p0 $0x3;
	[sflag:s25] =	ssyncadd.s32 $0xFFFFF800  }
0x36: {  	_ =	swait.ge @!p0 [sflag:s1], $0x800  }
0x37: {  	[sflag:s1] =	ssyncset.done @!p0 $0x0  }
0x38: {  	[sflag:s1] =	ssyncadd.s32 @!p0 $0xFFFFF800  }
0x39: {  	s30 =	sshll.u32 s15, $0xD;
	_ =	swait.ge @!p0 [sflag:s1], $0x800  }
0x3a: {  	s14 =	simm.s32 $0x0;
	s13 =	sadd.s32 s7, s30;
	[sflag:s1] =	ssyncset.done @!p0 $0x0  }
0x3b: {  	s23 =	sadd.s32 s5, s13;
	s2 =	simm.s32 $0x0;
	[sflag:s1] =	ssyncadd.s32 @!p0 $0xFFFFF800  }
.LBB2_3:
0x3c: {  	s1 =	sshll.u32 s2, $0x7  }
0x3d: {  	s24 =	sand.u32 $0x70, s14;
	s30 =	sshll.u32 s2, $0x6;
	s1 =	sand.u32 $0x3FFFFC00, s1  }
0x3e: {  	s30 =	sand.u32 $0xFFFFFE00, s30;
	s26 =	sor.u32 s24, s1  }
0x3f: {  	s1 =	sor.u32 s24, s30;
	v5 =	vld [tilespmem:s26+$0xA000]  }
0x40: {  	v4 =	vld [tilespmem:s1+$0xE000]  }
0x41: {  	v7 =	vld [tilespmem:s26+$0xA080]  }
0x42: {  	v3 =	vld [tilespmem:s1+$0xE080]  }
0x43: {  	v2 =	vld [tilespmem:s1+$0xE100]  }
0x44: {  	v12 =	vld [tilespmem:s26+$0xA100]  }
0x45: {  	v14 =	vld [tilespmem:s26+$0xA180]  }
0x46: {  	v19 =	vld [tilespmem:s26+$0xA200]  }
0x47: {  	v31 =	vld [tilespmem:s26+$0xA280]  }
0x48: {  	v39 =	vld [tilespmem:s26+$0xA300]  }
0x49: {  	s30 =	sor.u32 s30, s14;
	v47 =	vld [tilespmem:s26+$0xA380]  }
0x4a: {  	s24 =	sor.u32 $0x180, s30;
	v55 =	vld [tilespmem:s26+$0xB000]  }
0x4b: {  	v1 =	vld [tilespmem:s24+$0xE000];
	v6 =	vadd.s32 $0x2800, v5  }
0x4c: {  	v8 =	vadd.s32 $0x5000, v5;
	v9 =	vadd.s32 $0x7800, v5;
	v5 =	vld.idx.msk [tilespmem:v5+s3+$0x0], $0xffff  }
0x4d: {  	v10 =	vadd.s32 $0x2800, v7;
	v13 =	vld.idx.msk [tilespmem:v7+s3+$0x0], $0xffff  }
0x4e: {  	v15 =	vadd.s32 $0x2800, v12;
	v16 =	vadd.s32 $0x5000, v12;
	v17 =	vadd.s32 $0x7800, v12;
	v12 =	vld.idx.msk [tilespmem:v12+s3+$0x0], $0xffff  }
0x4f: {  	v11 =	vadd.s32 $0x5000, v7;
	v34 =	vld.idx.msk [tilespmem:v19+s3+$0x0], $0xffff  }
0x50: {  	v6 =	vld.idx.msk [tilespmem:v6+s3+$0x0], $0xffff  }
0x51: {  	v8 =	vld.idx.msk [tilespmem:v8+s3+$0x0], $0xffff  }
0x52: {  	v9 =	vld.idx.msk [tilespmem:v9+s3+$0x0], $0xffff  }
0x53: {  	v18 =	vadd.s32 $0x2800, v14;
	v10 =	vld.idx.msk [tilespmem:v10+s3+$0x0], $0xffff  }
0x54: {  	v25 =	vadd.s32 $0x5000, v14;
	v11 =	vld.idx.msk [tilespmem:v11+s3+$0x0], $0xffff  }
0x55: {  	v20 =	vadd.s32 $0x7800, v14;
	v15 =	vld.idx.msk [tilespmem:v15+s3+$0x0], $0xffff  }
0x56: {  	v29 =	vadd.s32 $0x2800, v19;
	v24 =	vld.idx.msk [tilespmem:v16+s3+$0x0], $0xffff  }
0x57: {  	v41 =	vadd.s32 $0x5000, v31;
	v17 =	vld.idx.msk [tilespmem:v17+s3+$0x0], $0xffff  }
0x58: {  	v43 =	vadd.s32 $0x7800, v31;
	v28 =	vld.idx.msk [tilespmem:v18+s3+$0x0], $0xffff  }
0x59: {  	v48 =	vadd.s32 $0x2800, v39;
	v16 =	vld.idx.msk [tilespmem:v25+s3+$0x0], $0xffff  }
0x5a: {  	v50 =	vadd.s32 $0x5000, v39;
	v20 =	vld.idx.msk [tilespmem:v20+s3+$0x0], $0xffff  }
0x5b: {  	v58 =	vadd.s32 $0x5000, v47;
	v36 =	vld.idx.msk [tilespmem:v29+s3+$0x0], $0xffff  }
0x5c: {  	v49 =	vld.idx.msk [tilespmem:v41+s3+$0x0], $0xffff  }
0x5d: {  	v32 =	vadd.s32 $0x5000, v19;
	v21 =	vadd.s32 $0x7800, v19;
	v19 =	vld.idx.msk [tilespmem:v43+s3+$0x0], $0xffff  }
0x5e: {  	v57 =	vld.idx.msk [tilespmem:v48+s3+$0x0], $0xffff  }
0x5f: {  	v18 =	vld.idx.msk [tilespmem:v50+s3+$0x0], $0xffff  }
0x60: {  	v38 =	vadd.s32 $0x2800, v31;
	v25 =	vld.idx.msk [tilespmem:v58+s3+$0x0], $0xffff;
	v5 =	vadd.bf16 v5, v4  }
0x61: {  	v51 =	vadd.s32 $0x7800, v39;
	v29 =	vld.idx.msk [tilespmem:v55+s3+$0x0], $0xffff;
	v13 =	vadd.bf16 v13, v4;
	v27 =	vadd.bf16 v12, v4  }
0x62: {  	v54 =	vadd.s32 $0x2800, v47;
	v41 =	vld [tilespmem:s26+$0xB180];
	v46 =	vadd.bf16 v34, v4;
	v6 =	vadd.bf16 v6, v3  }
0x63: {  	v7 =	vadd.s32 $0x7800, v7;
	v48 =	vld [tilespmem:s26+$0xB200];
	v8 =	vadd.bf16 v8, v2;
	v10 =	vadd.bf16 v10, v3  }
0x64: {  	v61 =	vadd.s32 $0x7800, v47;
	v58 =	vld [tilespmem:s26+$0xB280];
	v9 =	vadd.bf16 v9, v1;
	v11 =	vadd.bf16 v11, v2  }
0x65: {  	v63 =	vadd.s32 $0x2800, v55;
	v30 =	vadd.bf16 v15, v3;
	v17 =	vadd.bf16 v17, v1  }
0x66: {  	v40 =	vld.idx.msk [tilespmem:v32+s3+$0x0], $0xffff;
	v5 =	vmax.bf16 v5, v0;
	v37 =	vadd.bf16 v28, v3;
	v16 =	vadd.bf16 v16, v2  }
0x67: {  	v60 =	vld.idx.msk [tilespmem:v51+s3+$0x0], $0xffff;
	v13 =	vmax.bf16 v13, v0;
	v45 =	vadd.bf16 v20, v1;
	v19 =	vadd.bf16 v19, v1  }
0x68: {  	v7 =	vld.idx.msk [tilespmem:v7+s3+$0x0], $0xffff;
	v28 =	vadd.bf16 v18, v2;
	v18 =	vadd.bf16 v29, v4;
	v51 =	vadd.s32 $0x7800, v41  }
0x69: {  	v62 =	vld.idx.msk [tilespmem:v54+s3+$0x0], $0xffff;
	v54 =	vadd.s32 $0x2800, v48;
	v29 =	vadd.s32 $0x7800, v58;
	v5 =	vadd.bf16 v13, v5  }
0x6a: {  	v26 =	vld.idx.msk [tilespmem:v14+s3+$0x0], $0xffff;
	v13 =	vadd.bf16 v24, v2;
	v6 =	vmax.bf16 v6, v0;
	v8 =	vmax.bf16 v8, v0  }
0x6b: {  	v12 =	vld.idx.msk [tilespmem:v38+s3+$0x0], $0xffff;
	v10 =	vmax.bf16 v10, v0;
	v11 =	vmax.bf16 v11, v0;
	v9 =	vmax.bf16 v9, v0  }
0x6c: {  	v35 =	vmax.bf16 v17, v0;
	v44 =	vmax.bf16 v16, v0;
	v16 =	vmax.bf16 v45, v0  }
0x6d: {  	v42 =	vld.idx.msk [tilespmem:v21+s3+$0x0], $0xffff;
	v17 =	vadd.bf16 v40, v2;
	v23 =	vmax.bf16 v19, v0;
	v7 =	vadd.bf16 v7, v1  }
0x6e: {  	v15 =	vld.idx.msk [tilespmem:v31+s3+$0x0], $0xffff;
	v6 =	vadd.bf16 v10, v6;
	v8 =	vadd.bf16 v11, v8;
	v11 =	vmax.bf16 v27, v0  }
0x6f: {  	v31 =	vld [tilespmem:s26+$0xB100];
	v33 =	vmax.bf16 v13, v0;
	v10 =	vadd.bf16 v26, v4;
	v13 =	vadd.bf16 v36, v3  }
0x70: {  	v24 =	vld [tilespmem:s26+$0xB080];
	v12 =	vadd.bf16 v12, v3;
	v27 =	vadd.s32 $0x5000, v55;
	v5 =	vadd.bf16 v11, v5  }
0x71: {  	v53 =	vmax.bf16 v17, v0;
	v11 =	vld.idx.msk [tilespmem:v47+s3+$0x0], $0xffff;
	v17 =	vadd.s32 $0x7800, v55;
	v47 =	vadd.s32 $0x2800, v41  }
0x72: {  	v7 =	vmax.bf16 v7, v0;
	v8 =	vadd.bf16 v33, v8;
	v10 =	vmax.bf16 v10, v0  }
0x73: {  	v13 =	vmax.bf16 v13, v0;
	v56 =	vadd.bf16 v15, v4;
	v12 =	vmax.bf16 v12, v0  }
0x74: {  	v52 =	vld.idx.msk [tilespmem:v39+s3+$0x0], $0xffff;
	v15 =	vadd.bf16 v57, v3;
	v33 =	vadd.bf16 v25, v2;
	v39 =	vadd.s32 $0x2800, v31  }
0x75: {  	v26 =	vld.idx.msk [tilespmem:v61+s3+$0x0], $0xffff;
	v57 =	vadd.s32 $0x5000, v48;
	v7 =	vadd.bf16 v7, v9;
	v9 =	vmax.bf16 v30, v0  }
0x76: {  	v61 =	vld.idx.msk [tilespmem:v48+s3+$0x0], $0xffff;
	v5 =	vadd.bf16 v10, v5;
	v10 =	vadd.bf16 v42, v1;
	v30 =	vadd.s32 $0x2800, v24  }
0x77: {  	v42 =	vmax.bf16 v18, v0;
	v6 =	vadd.bf16 v9, v6;
	v9 =	vmax.bf16 v37, v0  }
0x78: {  	v8 =	vadd.bf16 v44, v8;
	v59 =	vmax.bf16 v56, v0;
	v15 =	vmax.bf16 v15, v0  }
0x79: {  	v37 =	vadd.s32 $0x7800, v24;
	v44 =	vadd.s32 $0x5000, v31;
	v7 =	vadd.bf16 v35, v7  }
0x7a: {  	v18 =	vld.idx.msk [tilespmem:v51+s3+$0x0], $0xffff;
	v6 =	vadd.bf16 v9, v6;
	v9 =	vmax.bf16 v46, v0;
	v8 =	vadd.bf16 v53, v8  }
0x7b: {  	v45 =	vld.idx.msk [tilespmem:v31+s3+$0x0], $0xffff;
	v11 =	vadd.bf16 v11, v4;
	v46 =	vadd.s32 $0x7800, v31;
	v31 =	vadd.bf16 v61, v4  }
0x7c: {  	v10 =	vmax.bf16 v10, v0;
	v7 =	vadd.bf16 v16, v7;
	v5 =	vadd.bf16 v9, v5  }
0x7d: {  	v35 =	vadd.s32 $0x5000, v24;
	v16 =	vadd.bf16 v49, v2;
	v9 =	vadd.bf16 v52, v4  }
0x7e: {  	v34 =	vld.idx.msk [tilespmem:v27+s3+$0x0], $0xffff;
	v49 =	vadd.s32 $0x5000, v41;
	v6 =	vadd.bf16 v13, v6;
	v13 =	vadd.bf16 v60, v1  }
0x7f: {  	v36 =	vld.idx.msk [tilespmem:v17+s3+$0x0], $0xffff;
	v11 =	vmax.bf16 v11, v0;
	v18 =	vadd.bf16 v18, v1;
	v7 =	vadd.bf16 v10, v7  }
0x80: {  	v38 =	vld.idx.msk [tilespmem:v24+s3+$0x0], $0xffff;
	v5 =	vadd.bf16 v59, v5;
	v22 =	vmax.bf16 v16, v0;
	v9 =	vmax.bf16 v9, v0  }
0x81: {  	v24 =	vld [tilespmem:s26+$0xB300];
	v10 =	vadd.bf16 v62, v3;
	v16 =	vadd.bf16 v26, v1;
	v59 =	vadd.s32 $0x7800, v48  }
0x82: {  	v19 =	vld.idx.msk [tilespmem:v39+s3+$0x0], $0xffff;
	v26 =	vadd.s32 $0x2800, v58;
	v6 =	vadd.bf16 v12, v6;
	v8 =	vadd.bf16 v22, v8  }
0x83: {  	v25 =	vld.idx.msk [tilespmem:v57+s3+$0x0], $0xffff;
	v32 =	vmax.bf16 v13, v0;
	v13 =	vmax.bf16 v33, v0;
	v14 =	vadd.bf16 v34, v2  }
0x84: {  	v50 =	vld.idx.msk [tilespmem:v44+s3+$0x0], $0xffff;
	v7 =	vadd.bf16 v23, v7;
	v5 =	vadd.bf16 v9, v5;
	v9 =	vmax.bf16 v28, v0  }
0x85: {  	v12 =	vld.idx.msk [tilespmem:v63+s3+$0x0], $0xffff;
	v10 =	vmax.bf16 v10, v0;
	v40 =	vmax.bf16 v16, v0;
	v17 =	vadd.bf16 v38, v4  }
0x86: {  	v43 =	vld.idx.msk [tilespmem:v35+s3+$0x0], $0xffff;
	v28 =	vadd.s32 $0x5000, v58;
	v6 =	vadd.bf16 v15, v6;
	v8 =	vadd.bf16 v9, v8  }
0x87: {  	v63 =	vld.idx.msk [tilespmem:v54+s3+$0x0], $0xffff;
	v33 =	vadd.s32 $0x2800, v24;
	v9 =	vadd.bf16 v36, v1;
	v53 =	vadd.bf16 v19, v3  }
0x88: {  	v38 =	vld.idx.msk [tilespmem:v29+s3+$0x0], $0xffff;
	v14 =	vmax.bf16 v14, v0;
	v34 =	vadd.bf16 v25, v2;
	v7 =	vadd.bf16 v32, v7  }
0x89: {  	v15 =	vld.idx.msk [tilespmem:v30+s3+$0x0], $0xffff;
	v5 =	vadd.bf16 v11, v5;
	v17 =	vmax.bf16 v17, v0;
	v32 =	vmax.bf16 v18, v0  }
0x8a: {  	v11 =	vld.idx.msk [tilespmem:v37+s3+$0x0], $0xffff;
	v37 =	vadd.s32 $0x5000, v24;
	v6 =	vadd.bf16 v10, v6;
	v8 =	vadd.bf16 v13, v8  }
0x8b: {  	v30 =	vld [tilespmem:s26+$0xB380];
	v9 =	vmax.bf16 v9, v0;
	v10 =	vadd.bf16 v45, v4;
	v12 =	vadd.bf16 v12, v3  }
0x8c: {  	v55 =	vld.idx.msk [tilespmem:v49+s3+$0x0], $0xffff;
	v56 =	vmax.bf16 v53, v0;
	v7 =	vadd.bf16 v40, v7;
	v5 =	vadd.bf16 v42, v5  }
0x8d: {  	v13 =	vld.idx.msk [tilespmem:v41+s3+$0x0], $0xffff;
	v16 =	vadd.bf16 v43, v2;
	v8 =	vadd.bf16 v14, v8;
	v10 =	vmax.bf16 v10, v0  }
0x8e: {  	v35 =	vld.idx.msk [tilespmem:v26+s3+$0x0], $0xffff;
	v12 =	vmax.bf16 v12, v0;
	v7 =	vadd.bf16 v9, v7;
	v15 =	vadd.bf16 v15, v3  }
0x8f: {  	v40 =	vld.idx.msk [tilespmem:v24+s3+$0x0], $0xffff;
	v5 =	vadd.bf16 v17, v5;
	v52 =	vmax.bf16 v16, v0;
	v17 =	vadd.bf16 v50, v2  }
0x90: {  	v42 =	vld.idx.msk [tilespmem:v33+s3+$0x0], $0xffff;
	v39 =	vadd.s32 $0x2800, v30;
	v6 =	vadd.bf16 v12, v6;
	v11 =	vadd.bf16 v11, v1  }
0x91: {  	v43 =	vadd.s32 $0x5000, v30;
	v12 =	vld.idx.msk [tilespmem:v46+s3+$0x0], $0xffff;
	v8 =	vadd.bf16 v52, v8;
	v46 =	vadd.bf16 v38, v1  }
0x92: {  	v9 =	vld.idx.msk [tilespmem:v47+s3+$0x0], $0xffff;
	v15 =	vmax.bf16 v15, v0;
	v5 =	vadd.bf16 v10, v5;
	v60 =	vadd.bf16 v13, v4  }
0x93: {  	v62 =	vmax.bf16 v17, v0;
	v17 =	vadd.bf16 v63, v3;
	v44 =	vadd.bf16 v35, v3  }
0x94: {  	v16 =	vld.idx.msk [tilespmem:v58+s3+$0x0], $0xffff;
	v6 =	vadd.bf16 v15, v6;
	v11 =	vmax.bf16 v11, v0;
	v8 =	vadd.bf16 v62, v8  }
0x95: {  	v20 =	vadd.s32 $0x7800, v30;
	v49 =	vadd.bf16 v40, v4;
	v7 =	vadd.bf16 v11, v7  }
0x96: {  	v27 =	vld.idx.msk [tilespmem:v59+s3+$0x0], $0xffff;
	v13 =	vmax.bf16 v34, v0;
	v11 =	vadd.bf16 v55, v2;
	v52 =	vadd.bf16 v42, v3  }
0x97: {  	v45 =	vld.idx.msk [tilespmem:v30+s3+$0x0], $0xffff;
	v10 =	vmax.bf16 v60, v0;
	v6 =	vadd.bf16 v56, v6;
	v9 =	vadd.bf16 v9, v3  }
0x98: {  	v15 =	vld.idx.msk [tilespmem:v37+s3+$0x0], $0xffff;
	v51 =	vmax.bf16 v46, v0;
	v5 =	vadd.bf16 v10, v5;
	v12 =	vadd.bf16 v12, v1  }
0x99: {  	v41 =	vadd.bf16 v16, v4;
	v11 =	vmax.bf16 v11, v0;
	v9 =	vmax.bf16 v9, v0  }
0x9a: {  	v10 =	vld.idx.msk [tilespmem:v28+s3+$0x0], $0xffff;
	v8 =	vadd.bf16 v11, v8;
	v11 =	vmax.bf16 v31, v0;
	v12 =	vmax.bf16 v12, v0  }
0x9b: {  	v47 =	vld.idx.msk [tilespmem:v39+s3+$0x0], $0xffff;
	v6 =	vadd.bf16 v9, v6;
	v7 =	vadd.bf16 v12, v7;
	v12 =	vadd.s32 $0x7800, v24  }
0x9c: {  	v36 =	vmax.bf16 v17, v0;
	v5 =	vadd.bf16 v11, v5;
	v9 =	vadd.bf16 v27, v1  }
0x9d: {  	v54 =	vmax.bf16 v49, v0;
	v4 =	vadd.bf16 v45, v4;
	v56 =	vadd.bf16 v15, v2  }
0x9e: {  	v53 =	vld.idx.msk [tilespmem:v43+s3+$0x0], $0xffff;
	v55 =	vmax.bf16 v52, v0;
	v8 =	vadd.bf16 v13, v8;
	v6 =	vadd.bf16 v36, v6  }
0x9f: {  	v13 =	vmax.bf16 v41, v0;
	v10 =	vadd.bf16 v10, v2;
	v7 =	vadd.bf16 v32, v7  }
0xa0: {  	v9 =	vmax.bf16 v9, v0;
	v5 =	vadd.bf16 v13, v5;
	v3 =	vadd.bf16 v47, v3;
	v50 =	vld.idx.msk [tilespmem:v12+s3+$0x0], $0xffff  }
0xa1: {  	v4 =	vmax.bf16 v4, v0;
	v7 =	vadd.bf16 v9, v7;
	v9 =	vmax.bf16 v44, v0  }
0xa2: {  	v57 =	vld.idx.msk [tilespmem:v20+s3+$0x0], $0xffff;
	v48 =	vmax.bf16 v10, v0;
	v5 =	vadd.bf16 v54, v5;
	v6 =	vadd.bf16 v9, v6  }
0xa3: {  	v58 =	vmax.bf16 v56, v0;
	v2 =	vadd.bf16 v53, v2;
	v8 =	vadd.bf16 v48, v8  }
0xa4: {  	v3 =	vmax.bf16 v3, v0;
	v4 =	vadd.bf16 v4, v5;
	v6 =	vadd.bf16 v55, v6  }
0xa5: {  	v2 =	vmax.bf16 v2, v0;
	v7 =	vadd.bf16 v51, v7;
	v59 =	vadd.bf16 v50, v1  }
0xa6: {  	v5 =	vadd.bf16 v58, v8;
	v61 =	vunpack.i.l.bf16.f32 v4;
	v3 =	vadd.bf16 v3, v6  }
0xa7: {  	v4 =	vunpack.i.u.bf16.f32 v4;
	[tilespmem:s1+$0xF000] =	vst v61;
	v1 =	vadd.bf16 v57, v1;
	v60 =	vmax.bf16 v59, v0  }
0xa8: {  	v2 =	vadd.bf16 v2, v5;
	[tilespmem:s1+$0x10000] =	vst v4;
	v63 =	vunpack.i.l.bf16.f32 v3;
	v62 =	vadd.bf16 v60, v7  }
0xa9: {  	p1 =	sne.s32 s2, $0x1F;
	v3 =	vunpack.i.u.bf16.f32 v3;
	v1 =	vmax.bf16 v1, v0;
	[tilespmem:s1+$0xF080] =	vst v63  }
.Ltmp0:
0xaa: {  	[tilespmem:s1+$0x10080] =	vst v3;
	v3 =	vunpack.i.l.bf16.f32 v2;
	v1 =	vadd.bf16 v1, v62;
	(pc) =	sbr.rel @p1 .LBB2_3-.Ltmp0, $4  }
0xab: {  	v2 =	vunpack.i.u.bf16.f32 v2;
	[tilespmem:s1+$0xF100] =	vst v3  }
0xac: {  	[tilespmem:s1+$0x10100] =	vst v2;
	v2 =	vunpack.i.l.bf16.f32 v1  }
0xad: {  	v1 =	vunpack.i.u.bf16.f32 v1;
	[tilespmem:s24+$0xF000] =	vst v2  }
0xae: {  	s2 =	sadd.s32 $0x1, s2;
	s14 =	sadd.s32 $0x10, s14;
	[tilespmem:s24+$0x10000] =	vst v1  }
0xaf: {  	s1 =	sshrl.u32 s23, $0x3  }
0xb0: {  	s2 =	simm.s32 $0xF000;
	s26 =	sadd.s32 s16, s13;
	s1 =	sadd.s32 s8, s1  }
0xb1: {  	[hbm4b:s1+s31] =	stream.strided.scatter [tilespmem:s2], [sflag:$0x3], $0x800, s22, s31, $0x38;
	[tilespmem:$0x11000] =	vst v63  }
0xb2: {  	s1 =	sshrl.u32 s26, $0x3  }
0xb3: {  	s30 =	simm.s32 $0x10000;
	p1 =	seq.s32 s15, $0x4;
	s1 =	sadd.s32 s8, s1  }
0xb4: {  	[hbm4b:s1+s31] =	stream.strided.scatter [tilespmem:s30], [sflag:$0x3], $0x800, s22, s31, $0x38;
	[tilespmem:$0x11000] =	vst v63  }
0xb5: {  	s13 =	simm.s32 @!p1 $0x14000;
	s14 =	simm.s32 @!p1 $0xA000;
	s1 =	sadd.s32 @!p1 s12, s17  }
0xb6: {  	s12 =	simm.s32 @!p1 $0x1000;
	s2 =	sadd.s32 @!p1 s4, s1;
	s1 =	sadd.s32 @!p1 s19, s1  }
0xb7: {  	[tilespmem:s14], [sflag:$0x1] =	stream.strided.gather @!p1 [hbm4b:s2+s12], $0x2000, s13, s12, $0x38;
	[tilespmem:$0x11000] =	vst v63  }
0xb8: {  	s2 =	simm.s32 @!p1 $0x200;
	s12 =	simm.s32 @!p1 $0x400;
	s13 =	simm.s32 @!p1 $0xE000  }
0xb9: {  	[tilespmem:s13], [sflag:$0x1] =	stream.strided.gather @!p1 [hbm4b:s1+s2], $0x800, s12, s2, $0x38;
	[tilespmem:$0x11000] =	vst v63  }
0xba: {  	_ =	swait.ge [sflag:s0], $0x2000  }
0xbb: {  	[sflag:s0] =	ssyncset.done $0x0  }
0xbc: {  	[sflag:s0] =	ssyncadd.s32 $0xFFFFE000  }
0xbd: {  	_ =	swait.ge [sflag:s0], $0x800  }
0xbe: {  	[sflag:s0] =	ssyncset.done $0x0  }
0xbf: {  	s1 =	simm.s32 @!p0 $0x4;
	[sflag:s0] =	ssyncadd.s32 $0xFFFFF800  }
0xc0: {  	_ =	swait.ge @!p0 [sflag:s1], $0x800  }
0xc1: {  	[sflag:s1] =	ssyncset.done @!p0 $0x0  }
0xc2: {  	[sflag:s1] =	ssyncadd.s32 @!p0 $0xFFFFF800  }
0xc3: {  	_ =	swait.ge @!p0 [sflag:s1], $0x800  }
0xc4: {  	[sflag:s1] =	ssyncset.done @!p0 $0x0  }
0xc5: {  	s12 =	simm.s32 $0x0;
	s2 =	simm.s32 $0x0;
	[sflag:s1] =	ssyncadd.s32 @!p0 $0xFFFFF800  }
.LBB2_5:
0xc6: {  	s1 =	sshll.u32 s2, $0x7  }
0xc7: {  	s13 =	sand.u32 $0x70, s12;
	s26 =	sshll.u32 s2, $0x6;
	s1 =	sand.u32 $0x3FFFFC00, s1  }
0xc8: {  	s23 =	sand.u32 $0xFFFFFE00, s26;
	s14 =	sor.u32 s13, s1  }
0xc9: {  	s1 =	sor.u32 s13, s23;
	v5 =	vld [tilespmem:s14+$0xC000]  }
0xca: {  	v4 =	vld [tilespmem:s1+$0xE800]  }
0xcb: {  	v7 =	vld [tilespmem:s14+$0xC080]  }
0xcc: {  	v3 =	vld [tilespmem:s1+$0xE880]  }
0xcd: {  	v2 =	vld [tilespmem:s1+$0xE900]  }
0xce: {  	v12 =	vld [tilespmem:s14+$0xC100]  }
0xcf: {  	v14 =	vld [tilespmem:s14+$0xC180]  }
0xd0: {  	v19 =	vld [tilespmem:s14+$0xC200]  }
0xd1: {  	v31 =	vld [tilespmem:s14+$0xC280]  }
0xd2: {  	v39 =	vld [tilespmem:s14+$0xC300]  }
0xd3: {  	s30 =	sor.u32 s23, s12;
	v47 =	vld [tilespmem:s14+$0xC380]  }
0xd4: {  	s13 =	sor.u32 $0x180, s30;
	v55 =	vld [tilespmem:s14+$0xD000]  }
0xd5: {  	v1 =	vld [tilespmem:s13+$0xE800];
	v6 =	vadd.s32 $0x2800, v5  }
0xd6: {  	v8 =	vadd.s32 $0x5000, v5;
	v9 =	vadd.s32 $0x7800, v5;
	v5 =	vld.idx.msk [tilespmem:v5+s3+$0x0], $0xffff  }
0xd7: {  	v10 =	vadd.s32 $0x2800, v7;
	v13 =	vld.idx.msk [tilespmem:v7+s3+$0x0], $0xffff  }
0xd8: {  	v15 =	vadd.s32 $0x2800, v12;
	v16 =	vadd.s32 $0x5000, v12;
	v17 =	vadd.s32 $0x7800, v12;
	v12 =	vld.idx.msk [tilespmem:v12+s3+$0x0], $0xffff  }
0xd9: {  	v11 =	vadd.s32 $0x5000, v7;
	v34 =	vld.idx.msk [tilespmem:v19+s3+$0x0], $0xffff  }
0xda: {  	v6 =	vld.idx.msk [tilespmem:v6+s3+$0x0], $0xffff  }
0xdb: {  	v8 =	vld.idx.msk [tilespmem:v8+s3+$0x0], $0xffff  }
0xdc: {  	v9 =	vld.idx.msk [tilespmem:v9+s3+$0x0], $0xffff  }
0xdd: {  	v18 =	vadd.s32 $0x2800, v14;
	v10 =	vld.idx.msk [tilespmem:v10+s3+$0x0], $0xffff  }
0xde: {  	v25 =	vadd.s32 $0x5000, v14;
	v11 =	vld.idx.msk [tilespmem:v11+s3+$0x0], $0xffff  }
0xdf: {  	v20 =	vadd.s32 $0x7800, v14;
	v15 =	vld.idx.msk [tilespmem:v15+s3+$0x0], $0xffff  }
0xe0: {  	v29 =	vadd.s32 $0x2800, v19;
	v24 =	vld.idx.msk [tilespmem:v16+s3+$0x0], $0xffff  }
0xe1: {  	v41 =	vadd.s32 $0x5000, v31;
	v17 =	vld.idx.msk [tilespmem:v17+s3+$0x0], $0xffff  }
0xe2: {  	v43 =	vadd.s32 $0x7800, v31;
	v28 =	vld.idx.msk [tilespmem:v18+s3+$0x0], $0xffff  }
0xe3: {  	v48 =	vadd.s32 $0x2800, v39;
	v16 =	vld.idx.msk [tilespmem:v25+s3+$0x0], $0xffff  }
0xe4: {  	v50 =	vadd.s32 $0x5000, v39;
	v20 =	vld.idx.msk [tilespmem:v20+s3+$0x0], $0xffff  }
0xe5: {  	v58 =	vadd.s32 $0x5000, v47;
	v36 =	vld.idx.msk [tilespmem:v29+s3+$0x0], $0xffff  }
0xe6: {  	v49 =	vld.idx.msk [tilespmem:v41+s3+$0x0], $0xffff  }
0xe7: {  	v32 =	vadd.s32 $0x5000, v19;
	v21 =	vadd.s32 $0x7800, v19;
	v19 =	vld.idx.msk [tilespmem:v43+s3+$0x0], $0xffff  }
0xe8: {  	v57 =	vld.idx.msk [tilespmem:v48+s3+$0x0], $0xffff  }
0xe9: {  	v18 =	vld.idx.msk [tilespmem:v50+s3+$0x0], $0xffff  }
0xea: {  	v38 =	vadd.s32 $0x2800, v31;
	v25 =	vld.idx.msk [tilespmem:v58+s3+$0x0], $0xffff;
	v5 =	vadd.bf16 v5, v4  }
0xeb: {  	v51 =	vadd.s32 $0x7800, v39;
	v29 =	vld.idx.msk [tilespmem:v55+s3+$0x0], $0xffff;
	v13 =	vadd.bf16 v13, v4;
	v27 =	vadd.bf16 v12, v4  }
0xec: {  	v54 =	vadd.s32 $0x2800, v47;
	v41 =	vld [tilespmem:s14+$0xD180];
	v46 =	vadd.bf16 v34, v4;
	v6 =	vadd.bf16 v6, v3  }
0xed: {  	v7 =	vadd.s32 $0x7800, v7;
	v48 =	vld [tilespmem:s14+$0xD200];
	v8 =	vadd.bf16 v8, v2;
	v10 =	vadd.bf16 v10, v3  }
0xee: {  	v61 =	vadd.s32 $0x7800, v47;
	v58 =	vld [tilespmem:s14+$0xD280];
	v9 =	vadd.bf16 v9, v1;
	v11 =	vadd.bf16 v11, v2  }
0xef: {  	v63 =	vadd.s32 $0x2800, v55;
	v30 =	vadd.bf16 v15, v3;
	v17 =	vadd.bf16 v17, v1  }
0xf0: {  	v40 =	vld.idx.msk [tilespmem:v32+s3+$0x0], $0xffff;
	v5 =	vmax.bf16 v5, v0;
	v37 =	vadd.bf16 v28, v3;
	v16 =	vadd.bf16 v16, v2  }
0xf1: {  	v60 =	vld.idx.msk [tilespmem:v51+s3+$0x0], $0xffff;
	v13 =	vmax.bf16 v13, v0;
	v45 =	vadd.bf16 v20, v1;
	v19 =	vadd.bf16 v19, v1  }
0xf2: {  	v7 =	vld.idx.msk [tilespmem:v7+s3+$0x0], $0xffff;
	v28 =	vadd.bf16 v18, v2;
	v18 =	vadd.bf16 v29, v4;
	v51 =	vadd.s32 $0x7800, v41  }
0xf3: {  	v62 =	vld.idx.msk [tilespmem:v54+s3+$0x0], $0xffff;
	v54 =	vadd.s32 $0x2800, v48;
	v29 =	vadd.s32 $0x7800, v58;
	v5 =	vadd.bf16 v13, v5  }
0xf4: {  	v26 =	vld.idx.msk [tilespmem:v14+s3+$0x0], $0xffff;
	v13 =	vadd.bf16 v24, v2;
	v6 =	vmax.bf16 v6, v0;
	v8 =	vmax.bf16 v8, v0  }
0xf5: {  	v12 =	vld.idx.msk [tilespmem:v38+s3+$0x0], $0xffff;
	v10 =	vmax.bf16 v10, v0;
	v11 =	vmax.bf16 v11, v0;
	v9 =	vmax.bf16 v9, v0  }
0xf6: {  	v35 =	vmax.bf16 v17, v0;
	v44 =	vmax.bf16 v16, v0;
	v16 =	vmax.bf16 v45, v0  }
0xf7: {  	v42 =	vld.idx.msk [tilespmem:v21+s3+$0x0], $0xffff;
	v17 =	vadd.bf16 v40, v2;
	v23 =	vmax.bf16 v19, v0;
	v7 =	vadd.bf16 v7, v1  }
0xf8: {  	v15 =	vld.idx.msk [tilespmem:v31+s3+$0x0], $0xffff;
	v6 =	vadd.bf16 v10, v6;
	v8 =	vadd.bf16 v11, v8;
	v11 =	vmax.bf16 v27, v0  }
0xf9: {  	v31 =	vld [tilespmem:s14+$0xD100];
	v33 =	vmax.bf16 v13, v0;
	v10 =	vadd.bf16 v26, v4;
	v13 =	vadd.bf16 v36, v3  }
0xfa: {  	v24 =	vld [tilespmem:s14+$0xD080];
	v12 =	vadd.bf16 v12, v3;
	v27 =	vadd.s32 $0x5000, v55;
	v5 =	vadd.bf16 v11, v5  }
0xfb: {  	v53 =	vmax.bf16 v17, v0;
	v11 =	vld.idx.msk [tilespmem:v47+s3+$0x0], $0xffff;
	v17 =	vadd.s32 $0x7800, v55;
	v47 =	vadd.s32 $0x2800, v41  }
0xfc: {  	v7 =	vmax.bf16 v7, v0;
	v8 =	vadd.bf16 v33, v8;
	v10 =	vmax.bf16 v10, v0  }
0xfd: {  	v13 =	vmax.bf16 v13, v0;
	v56 =	vadd.bf16 v15, v4;
	v12 =	vmax.bf16 v12, v0  }
0xfe: {  	v52 =	vld.idx.msk [tilespmem:v39+s3+$0x0], $0xffff;
	v15 =	vadd.bf16 v57, v3;
	v33 =	vadd.bf16 v25, v2;
	v39 =	vadd.s32 $0x2800, v31  }
0xff: {  	v26 =	vld.idx.msk [tilespmem:v61+s3+$0x0], $0xffff;
	v57 =	vadd.s32 $0x5000, v48;
	v7 =	vadd.bf16 v7, v9;
	v9 =	vmax.bf16 v30, v0  }
0x100: {  	v61 =	vld.idx.msk [tilespmem:v48+s3+$0x0], $0xffff;
	v5 =	vadd.bf16 v10, v5;
	v10 =	vadd.bf16 v42, v1;
	v30 =	vadd.s32 $0x2800, v24  }
0x101: {  	v42 =	vmax.bf16 v18, v0;
	v6 =	vadd.bf16 v9, v6;
	v9 =	vmax.bf16 v37, v0  }
0x102: {  	v8 =	vadd.bf16 v44, v8;
	v59 =	vmax.bf16 v56, v0;
	v15 =	vmax.bf16 v15, v0  }
0x103: {  	v37 =	vadd.s32 $0x7800, v24;
	v44 =	vadd.s32 $0x5000, v31;
	v7 =	vadd.bf16 v35, v7  }
0x104: {  	v18 =	vld.idx.msk [tilespmem:v51+s3+$0x0], $0xffff;
	v6 =	vadd.bf16 v9, v6;
	v9 =	vmax.bf16 v46, v0;
	v8 =	vadd.bf16 v53, v8  }
0x105: {  	v45 =	vld.idx.msk [tilespmem:v31+s3+$0x0], $0xffff;
	v11 =	vadd.bf16 v11, v4;
	v46 =	vadd.s32 $0x7800, v31;
	v31 =	vadd.bf16 v61, v4  }
0x106: {  	v10 =	vmax.bf16 v10, v0;
	v7 =	vadd.bf16 v16, v7;
	v5 =	vadd.bf16 v9, v5  }
0x107: {  	v35 =	vadd.s32 $0x5000, v24;
	v16 =	vadd.bf16 v49, v2;
	v9 =	vadd.bf16 v52, v4  }
0x108: {  	v34 =	vld.idx.msk [tilespmem:v27+s3+$0x0], $0xffff;
	v49 =	vadd.s32 $0x5000, v41;
	v6 =	vadd.bf16 v13, v6;
	v13 =	vadd.bf16 v60, v1  }
0x109: {  	v36 =	vld.idx.msk [tilespmem:v17+s3+$0x0], $0xffff;
	v11 =	vmax.bf16 v11, v0;
	v18 =	vadd.bf16 v18, v1;
	v7 =	vadd.bf16 v10, v7  }
0x10a: {  	v38 =	vld.idx.msk [tilespmem:v24+s3+$0x0], $0xffff;
	v5 =	vadd.bf16 v59, v5;
	v22 =	vmax.bf16 v16, v0;
	v9 =	vmax.bf16 v9, v0  }
0x10b: {  	v24 =	vld [tilespmem:s14+$0xD300];
	v10 =	vadd.bf16 v62, v3;
	v16 =	vadd.bf16 v26, v1;
	v59 =	vadd.s32 $0x7800, v48  }
0x10c: {  	v19 =	vld.idx.msk [tilespmem:v39+s3+$0x0], $0xffff;
	v26 =	vadd.s32 $0x2800, v58;
	v6 =	vadd.bf16 v12, v6;
	v8 =	vadd.bf16 v22, v8  }
0x10d: {  	v25 =	vld.idx.msk [tilespmem:v57+s3+$0x0], $0xffff;
	v32 =	vmax.bf16 v13, v0;
	v13 =	vmax.bf16 v33, v0;
	v14 =	vadd.bf16 v34, v2  }
0x10e: {  	v50 =	vld.idx.msk [tilespmem:v44+s3+$0x0], $0xffff;
	v7 =	vadd.bf16 v23, v7;
	v5 =	vadd.bf16 v9, v5;
	v9 =	vmax.bf16 v28, v0  }
0x10f: {  	v12 =	vld.idx.msk [tilespmem:v63+s3+$0x0], $0xffff;
	v10 =	vmax.bf16 v10, v0;
	v40 =	vmax.bf16 v16, v0;
	v17 =	vadd.bf16 v38, v4  }
0x110: {  	v43 =	vld.idx.msk [tilespmem:v35+s3+$0x0], $0xffff;
	v28 =	vadd.s32 $0x5000, v58;
	v6 =	vadd.bf16 v15, v6;
	v8 =	vadd.bf16 v9, v8  }
0x111: {  	v63 =	vld.idx.msk [tilespmem:v54+s3+$0x0], $0xffff;
	v33 =	vadd.s32 $0x2800, v24;
	v9 =	vadd.bf16 v36, v1;
	v53 =	vadd.bf16 v19, v3  }
0x112: {  	v38 =	vld.idx.msk [tilespmem:v29+s3+$0x0], $0xffff;
	v14 =	vmax.bf16 v14, v0;
	v34 =	vadd.bf16 v25, v2;
	v7 =	vadd.bf16 v32, v7  }
0x113: {  	v15 =	vld.idx.msk [tilespmem:v30+s3+$0x0], $0xffff;
	v5 =	vadd.bf16 v11, v5;
	v17 =	vmax.bf16 v17, v0;
	v32 =	vmax.bf16 v18, v0  }
0x114: {  	v11 =	vld.idx.msk [tilespmem:v37+s3+$0x0], $0xffff;
	v37 =	vadd.s32 $0x5000, v24;
	v6 =	vadd.bf16 v10, v6;
	v8 =	vadd.bf16 v13, v8  }
0x115: {  	v30 =	vld [tilespmem:s14+$0xD380];
	v9 =	vmax.bf16 v9, v0;
	v10 =	vadd.bf16 v45, v4;
	v12 =	vadd.bf16 v12, v3  }
0x116: {  	v55 =	vld.idx.msk [tilespmem:v49+s3+$0x0], $0xffff;
	v56 =	vmax.bf16 v53, v0;
	v7 =	vadd.bf16 v40, v7;
	v5 =	vadd.bf16 v42, v5  }
0x117: {  	v13 =	vld.idx.msk [tilespmem:v41+s3+$0x0], $0xffff;
	v16 =	vadd.bf16 v43, v2;
	v8 =	vadd.bf16 v14, v8;
	v10 =	vmax.bf16 v10, v0  }
0x118: {  	v35 =	vld.idx.msk [tilespmem:v26+s3+$0x0], $0xffff;
	v12 =	vmax.bf16 v12, v0;
	v7 =	vadd.bf16 v9, v7;
	v15 =	vadd.bf16 v15, v3  }
0x119: {  	v40 =	vld.idx.msk [tilespmem:v24+s3+$0x0], $0xffff;
	v5 =	vadd.bf16 v17, v5;
	v52 =	vmax.bf16 v16, v0;
	v17 =	vadd.bf16 v50, v2  }
0x11a: {  	v42 =	vld.idx.msk [tilespmem:v33+s3+$0x0], $0xffff;
	v39 =	vadd.s32 $0x2800, v30;
	v6 =	vadd.bf16 v12, v6;
	v11 =	vadd.bf16 v11, v1  }
0x11b: {  	v43 =	vadd.s32 $0x5000, v30;
	v12 =	vld.idx.msk [tilespmem:v46+s3+$0x0], $0xffff;
	v8 =	vadd.bf16 v52, v8;
	v46 =	vadd.bf16 v38, v1  }
0x11c: {  	v9 =	vld.idx.msk [tilespmem:v47+s3+$0x0], $0xffff;
	v15 =	vmax.bf16 v15, v0;
	v5 =	vadd.bf16 v10, v5;
	v60 =	vadd.bf16 v13, v4  }
0x11d: {  	v62 =	vmax.bf16 v17, v0;
	v17 =	vadd.bf16 v63, v3;
	v44 =	vadd.bf16 v35, v3  }
0x11e: {  	v16 =	vld.idx.msk [tilespmem:v58+s3+$0x0], $0xffff;
	v6 =	vadd.bf16 v15, v6;
	v11 =	vmax.bf16 v11, v0;
	v8 =	vadd.bf16 v62, v8  }
0x11f: {  	v20 =	vadd.s32 $0x7800, v30;
	v49 =	vadd.bf16 v40, v4;
	v7 =	vadd.bf16 v11, v7  }
0x120: {  	v27 =	vld.idx.msk [tilespmem:v59+s3+$0x0], $0xffff;
	v13 =	vmax.bf16 v34, v0;
	v11 =	vadd.bf16 v55, v2;
	v52 =	vadd.bf16 v42, v3  }
0x121: {  	v45 =	vld.idx.msk [tilespmem:v30+s3+$0x0], $0xffff;
	v10 =	vmax.bf16 v60, v0;
	v6 =	vadd.bf16 v56, v6;
	v9 =	vadd.bf16 v9, v3  }
0x122: {  	v15 =	vld.idx.msk [tilespmem:v37+s3+$0x0], $0xffff;
	v51 =	vmax.bf16 v46, v0;
	v5 =	vadd.bf16 v10, v5;
	v12 =	vadd.bf16 v12, v1  }
0x123: {  	v41 =	vadd.bf16 v16, v4;
	v11 =	vmax.bf16 v11, v0;
	v9 =	vmax.bf16 v9, v0  }
0x124: {  	v10 =	vld.idx.msk [tilespmem:v28+s3+$0x0], $0xffff;
	v8 =	vadd.bf16 v11, v8;
	v11 =	vmax.bf16 v31, v0;
	v12 =	vmax.bf16 v12, v0  }
0x125: {  	v47 =	vld.idx.msk [tilespmem:v39+s3+$0x0], $0xffff;
	v6 =	vadd.bf16 v9, v6;
	v7 =	vadd.bf16 v12, v7;
	v12 =	vadd.s32 $0x7800, v24  }
0x126: {  	v36 =	vmax.bf16 v17, v0;
	v5 =	vadd.bf16 v11, v5;
	v9 =	vadd.bf16 v27, v1  }
0x127: {  	v54 =	vmax.bf16 v49, v0;
	v4 =	vadd.bf16 v45, v4;
	v56 =	vadd.bf16 v15, v2  }
0x128: {  	v53 =	vld.idx.msk [tilespmem:v43+s3+$0x0], $0xffff;
	v55 =	vmax.bf16 v52, v0;
	v8 =	vadd.bf16 v13, v8;
	v6 =	vadd.bf16 v36, v6  }
0x129: {  	v13 =	vmax.bf16 v41, v0;
	v10 =	vadd.bf16 v10, v2;
	v7 =	vadd.bf16 v32, v7  }
0x12a: {  	v9 =	vmax.bf16 v9, v0;
	v5 =	vadd.bf16 v13, v5;
	v3 =	vadd.bf16 v47, v3;
	v50 =	vld.idx.msk [tilespmem:v12+s3+$0x0], $0xffff  }
0x12b: {  	v4 =	vmax.bf16 v4, v0;
	v7 =	vadd.bf16 v9, v7;
	v9 =	vmax.bf16 v44, v0  }
0x12c: {  	v57 =	vld.idx.msk [tilespmem:v20+s3+$0x0], $0xffff;
	v48 =	vmax.bf16 v10, v0;
	v5 =	vadd.bf16 v54, v5;
	v6 =	vadd.bf16 v9, v6  }
0x12d: {  	v58 =	vmax.bf16 v56, v0;
	v2 =	vadd.bf16 v53, v2;
	v8 =	vadd.bf16 v48, v8  }
0x12e: {  	v3 =	vmax.bf16 v3, v0;
	v4 =	vadd.bf16 v4, v5;
	v6 =	vadd.bf16 v55, v6  }
0x12f: {  	v2 =	vmax.bf16 v2, v0;
	v7 =	vadd.bf16 v51, v7;
	v59 =	vadd.bf16 v50, v1  }
0x130: {  	v5 =	vadd.bf16 v58, v8;
	v61 =	vunpack.i.l.bf16.f32 v4;
	v3 =	vadd.bf16 v3, v6  }
0x131: {  	v4 =	vunpack.i.u.bf16.f32 v4;
	[tilespmem:s1+$0xF800] =	vst v61;
	v1 =	vadd.bf16 v57, v1;
	v60 =	vmax.bf16 v59, v0  }
0x132: {  	v2 =	vadd.bf16 v2, v5;
	[tilespmem:s1+$0x10800] =	vst v4;
	v63 =	vunpack.i.l.bf16.f32 v3;
	v62 =	vadd.bf16 v60, v7  }
0x133: {  	p0 =	sne.s32 s2, $0x1F;
	v3 =	vunpack.i.u.bf16.f32 v3;
	v1 =	vmax.bf16 v1, v0;
	[tilespmem:s1+$0xF880] =	vst v63  }
.Ltmp1:
0x134: {  	[tilespmem:s1+$0x10880] =	vst v3;
	v3 =	vunpack.i.l.bf16.f32 v2;
	v1 =	vadd.bf16 v1, v62;
	(pc) =	sbr.rel @p0 .LBB2_5-.Ltmp1, $4  }
0x135: {  	v2 =	vunpack.i.u.bf16.f32 v2;
	[tilespmem:s1+$0xF900] =	vst v3  }
0x136: {  	[tilespmem:s1+$0x10900] =	vst v2;
	v2 =	vunpack.i.l.bf16.f32 v1  }
0x137: {  	v1 =	vunpack.i.u.bf16.f32 v1;
	[tilespmem:s13+$0xF800] =	vst v2  }
0x138: {  	s2 =	sadd.s32 $0x1, s2;
	s12 =	sadd.s32 $0x10, s12;
	[tilespmem:s13+$0x10800] =	vst v1  }
0x139: {  	s15 =	sadd.s32 $0x1, s15  }
0x13a: {  	p0 =	sne.s32 s15, $0x5  }
.Ltmp2:
0x13b: {  	_ = 	snop;
	(pc) =	sbr.rel @p0 .LBB2_2-.Ltmp2, $4  }
0x13c: {  	s1 =	sadd.s32 s8, s21  }
0x13d: {  	[hbm4b:s1+s31] =	stream.strided.scatter [tilespmem:s10], [sflag:$0x4], $0x800, s22, s31, $0x38;
	[tilespmem:$0x11000] =	vst v63  }
0x13e: {  	s30 =	sadd.s32 s20, s18  }
0x13f: {  	[hbm4b:s30+s31] =	stream.strided.scatter [tilespmem:s11], [sflag:$0x4], $0x800, s22, s31, $0x38;
	[tilespmem:$0x11000] =	vst v63  }
0x140: {  	s1 =	simm.s32 $0x3  }
0x141: {  	_ =	swait.ge [sflag:s1], $0x800  }
0x142: {  	[sflag:s1] =	ssyncset.done $0x0  }
0x143: {  	[sflag:s1] =	ssyncadd.s32 $0xFFFFF800  }
0x144: {  	_ =	swait.ge [sflag:s1], $0x800  }
0x145: {  	[sflag:s1] =	ssyncset.done $0x0  }
0x146: {  	s2 =	simm.s32 $0x4;
	[sflag:s1] =	ssyncadd.s32 $0xFFFFF800  }
0x147: {  	_ =	swait.ge [sflag:s2], $0x800  }
0x148: {  	[sflag:s2] =	ssyncset.done $0x0  }
0x149: {  	[sflag:s2] =	ssyncadd.s32 $0xFFFFF800  }
0x14a: {  	_ =	swait.ge [sflag:s2], $0x800  }
0x14b: {  	s12 =	rddreg [dreg:$0xa]  }
0x14c: {  	s30 =	rddreg [dreg:$0x9];
	s12 =	sadd.s32 $0x1, s12  }
0x14d: {  	p0 =	sne.s32 s12, s30  }
.Ltmp3:
0x14e: {  	_ = 	snop;
	(pc) =	sbr.rel @p0 .LBB2_1-.Ltmp3, $3  }
0x14f: {  	_ =	sdelay $0x1  }
0x150: {  	[sflag:s2] =	ssyncset.done $0x0  }
0x151: {  	[sflag:s2] =	ssyncadd.s32 $0xFFFFF800  }
0x152: {  	_ =	sfence.sel $0x180000  }
0x153: {  	[bflag:$0x0] =	sbarrier.arrive $0xFFFF  }
0x154: {  	_ =	strace $0x90000047  }
0x155: {  	s0 =	stileid.u32;
	[bflag:$0x2] =	sbarrier.arrive $0xFFFF  }
0x156: {  	p0 =	sne.s32 s0, $0x0;
	s0 =	rddreg [dreg:$0x2]  }
0x157: {  	s0 =	sadd.s32 @!p0 $0x100000, s0  }
0x158: {  	[sflag:s0] =	ssyncadd.tile.s32 @!p0 $0x1;
	_ =	shalt  }
.Lfunc_end2:
_tile_overlayer_lowered:
.L_overlay_start_2:
0x159: {  	(tag) =	ssettag $0x2  }
0x15a: {  	s0 =	rddreg [dreg:$0x0];
	s2 =	stileid.u32  }
0x15b: {  	s1 =	rddreg [dreg:$0x1];
	p0 =	sne.s32 s2, $0x0  }
0x15c: {  	s3 =	rddreg [dreg:$0x2];
	[bflag:$0x3] =	sbarrier.arrive $0xFFFF;
	s2 =	simm.s32 @!p0 $0x1C05  }
0x15d: {  	[timem:s3], [sflag:s2] =	dma.local @!p0 [hbm:s0], s1  }
0x15e: {  	s0 =	simm.s32 @!p0 $0x5  }
0x15f: {  	_ =	swait.ge @!p0 [sflag:s0], s1  }
0x160: {  	s1 =	ssub.s32 @!p0 $0x0, s1;
	[sflag:s0] =	ssyncset.done @!p0 $0x0  }
0x161: {  	[sflag:s0] =	ssyncadd.s32 @!p0 s1  }
0x162: {  	[bflag:$0x3] =	sbarrier.arrive $0xFFFF  }
0x163: {  	_ =	shalt  }

</sc_bundles>
